<compile_context>
chip_gen: v7x
topology: tpu7x:2x2x1
jax: 0.10.2.dev20260603
libtpu: 0.0.44.dev20260713+nightly
codegen_flags: <defaults>
</compile_context>

<pallas_src>
import functools

import jax
import jax.numpy as jnp
from jax import lax
from jax.experimental import pallas as pl
from jax.experimental.pallas import tpu as pltpu
from jax.experimental.pallas import tpu_sc as plsc

N = 10000
E = 160000
D = 256
H = 16

NC = 2
NS = 16
NW = NC * NS

C = 128
CH = E // C
K = CH // NW
KMAX = K + 1
GSIZE = 10
NP = 10240
ACC_ROWS = NP

ROWS_PER_SUB = NP // NS

NWIDE = NP // 8
XPLANES = N // 8

_MESH = plsc.VectorSubcoreMesh(
    core_axis_name="c", subcore_axis_name="s", num_cores=NC, num_subcores=NS
)

_SC_PARAMS = pltpu.CompilerParams(use_tc_tiling_on_sc=False)


def _worker_chunks(c, s):
    w = s * NC + c
    kb = jnp.where(w < CH - K * NW, KMAX, K)
    return w, kb


@functools.partial(
    pl.kernel,
    out_type=jax.ShapeDtypeStruct((NC, NP, H), jnp.float32),
    mesh=_MESH,
    compiler_params=_SC_PARAMS,
    scratch_types=[
        pltpu.VMEM((KMAX, 2, C), jnp.int32),
        pltpu.VMEM((C, H), jnp.float32),
        pltpu.VMEM((ROWS_PER_SUB, H), jnp.float32),
        pltpu.VMEM_SHARED((ACC_ROWS, H), jnp.float32),
        pltpu.SemaphoreType.DMA,
    ],
)
def _deg_kernel(ei3, zeros16, ones2d, out, eidx, ones_v, stage, dacc, lsem):
    c = lax.axis_index("c")
    s = lax.axis_index("s")
    w, kb = _worker_chunks(c, s)
    cp1 = pltpu.async_copy(ei3.at[pl.ds(w * K, K)], eidx.at[pl.ds(0, K)], lsem)
    cp2 = pltpu.async_copy(ones2d, ones_v, lsem)

    @pl.when(w < CH - K * NW)
    def _():
        pltpu.sync_copy(ei3.at[pl.ds(K * NW + w, 1)], eidx.at[pl.ds(K, 1)])

    pltpu.sync_copy(zeros16.at[pl.ds(s * ROWS_PER_SUB, ROWS_PER_SUB)], stage)
    pltpu.sync_copy(stage, dacc.at[pl.ds(s * ROWS_PER_SUB, ROWS_PER_SUB)])
    cp1.wait()
    cp2.wait()
    plsc.subcore_barrier()

    def body(j, carry):
        pltpu.sync_copy(ones_v, dacc.at[eidx.at[j].at[1]], add=True)
        return carry

    lax.fori_loop(0, kb, body, 0)
    plsc.subcore_barrier()
    pltpu.sync_copy(dacc.at[pl.ds(s * ROWS_PER_SUB, ROWS_PER_SUB)], stage)
    pltpu.sync_copy(stage, out.at[c].at[pl.ds(s * ROWS_PER_SUB, ROWS_PER_SUB)])


@functools.partial(
    pl.kernel,
    out_type=jax.ShapeDtypeStruct((NC, NP, H), jnp.float32),
    mesh=_MESH,
    compiler_params=_SC_PARAMS,
    scratch_types=[
        pltpu.VMEM((KMAX, 2, C), jnp.int32),
        pltpu.VMEM((KMAX, C, H), jnp.float32),
        pltpu.VMEM((ROWS_PER_SUB, H), jnp.float32),
        pltpu.VMEM_SHARED((ACC_ROWS, H), jnp.float32),
        pltpu.SemaphoreType.DMA,
        pltpu.SemaphoreType.DMA,
        pltpu.SemaphoreType.DMA,
        pltpu.SemaphoreType.DMA,
        pltpu.SemaphoreType.DMA,
        pltpu.SemaphoreType.DMA,
    ],
)
def _scatter_kernel(g, ei3, zeros16, out,
                    eidx, rows, stage, acc, lsem, gsem0, gsem1, gsem2, gsem3,
                    ssem):
    c = lax.axis_index("c")
    s = lax.axis_index("s")
    w, kb = _worker_chunks(c, s)
    cp1 = pltpu.async_copy(ei3.at[pl.ds(w * K, K)], eidx.at[pl.ds(0, K)], lsem)

    @pl.when(w < CH - K * NW)
    def _():
        pltpu.sync_copy(ei3.at[pl.ds(K * NW + w, 1)], eidx.at[pl.ds(K, 1)])

    cp1.wait()

    gsems = [gsem0, gsem1, gsem2, gsem3]
    bounds = [0, GSIZE, 2 * GSIZE, 3 * GSIZE, kb]

    def _fire(sem):
        def fire(j, carry):
            pltpu.async_copy(g.at[eidx.at[j].at[0]], rows.at[j], sem)
            return carry
        return fire

    def _gdrain(sem):
        def gdrain(j, carry):
            pltpu.make_async_copy(g.at[eidx.at[j].at[0]], rows.at[j], sem).wait()
            return carry
        return gdrain

    def sfire(j, carry):
        pltpu.async_copy(rows.at[j], acc.at[eidx.at[j].at[1]], ssem, add=True)
        return carry

    def sdrain(j, carry):
        pltpu.make_async_copy(rows.at[j], acc.at[eidx.at[j].at[1]], ssem).wait()
        return carry

    for gi in range(4):
        lax.fori_loop(bounds[gi], bounds[gi + 1], _fire(gsems[gi]), 0)

    pltpu.sync_copy(zeros16.at[pl.ds(s * ROWS_PER_SUB, ROWS_PER_SUB)], stage)
    pltpu.sync_copy(stage, acc.at[pl.ds(s * ROWS_PER_SUB, ROWS_PER_SUB)])
    plsc.subcore_barrier()

    for gi in range(4):
        lax.fori_loop(bounds[gi], bounds[gi + 1], _gdrain(gsems[gi]), 0)
        lax.fori_loop(bounds[gi], bounds[gi + 1], sfire, 0)
    lax.fori_loop(0, kb, sdrain, 0)
    plsc.subcore_barrier()
    pltpu.sync_copy(acc.at[pl.ds(s * ROWS_PER_SUB, ROWS_PER_SUB)], stage)
    pltpu.sync_copy(stage, out.at[c].at[pl.ds(s * ROWS_PER_SUB, ROWS_PER_SUB)])


BW = 128
GRID = NWIDE // BW
BW2 = 256
GRID2 = NWIDE // BW2


def _dinv_of(degw_ref):
    return lax.rsqrt(degw_ref[0] + degw_ref[1] + 1.0)


def _mm1_body(x3_ref, w_ref, o_ref):
    w = w_ref[...]
    parts = [
        jnp.dot(x3_ref[:, k, :], w, preferred_element_type=jnp.float32)
        for k in range(8)
    ]
    o_ref[...] = jnp.concatenate(parts, axis=1)


_mm1 = pl.pallas_call(
    _mm1_body,
    grid=(GRID2,),
    in_specs=[
        pl.BlockSpec((BW2, 8, D), lambda i: (i, 0, 0)),
        pl.BlockSpec((D, H), lambda i: (0, 0)),
    ],
    out_specs=pl.BlockSpec((BW2, 128), lambda i: (i, 0)),
    out_shape=jax.ShapeDtypeStruct((NWIDE, 128), jnp.float32),
)


def _ew1_body(xw_ref, degw_ref, o_ref):
    o_ref[...] = _dinv_of(degw_ref) * xw_ref[...]


_ew1 = pl.pallas_call(
    _ew1_body,
    grid=(GRID2,),
    in_specs=[
        pl.BlockSpec((BW2, 128), lambda i: (i, 0)),
        pl.BlockSpec((NC, BW2, 128), lambda i: (0, i, 0)),
    ],
    out_specs=pl.BlockSpec((BW2, 128), lambda i: (i, 0)),
    out_shape=jax.ShapeDtypeStruct((NWIDE, 128), jnp.float32),
)


def _l2_body(sp_ref, g_ref, degw_ref, w2k_ref, b1w_ref, o_ref):
    dinv = _dinv_of(degw_ref)
    agg = sp_ref[0] + sp_ref[1] + g_ref[...]
    h1 = jnp.maximum(dinv * agg + b1w_ref[...], 0.0)
    o_ref[...] = dinv * jnp.dot(h1, w2k_ref[...], preferred_element_type=jnp.float32)


_l2 = pl.pallas_call(
    _l2_body,
    grid=(GRID2,),
    in_specs=[
        pl.BlockSpec((NC, BW2, 128), lambda i: (0, i, 0)),
        pl.BlockSpec((BW2, 128), lambda i: (i, 0)),
        pl.BlockSpec((NC, BW2, 128), lambda i: (0, i, 0)),
        pl.BlockSpec((128, 128), lambda i: (0, 0)),
        pl.BlockSpec((1, 128), lambda i: (0, 0)),
    ],
    out_specs=pl.BlockSpec((BW2, 128), lambda i: (i, 0)),
    out_shape=jax.ShapeDtypeStruct((NWIDE, 128), jnp.float32),
)


def _l3_body(sp_ref, g_ref, degw_ref, wo_ref, b2w_ref, bo_ref, o_ref):
    dinv = _dinv_of(degw_ref)
    agg = sp_ref[0] + sp_ref[1] + g_ref[...]
    h2 = jnp.maximum(dinv * agg + b2w_ref[...], 0.0)
    wo = wo_ref[...]
    bo = bo_ref[...]
    for k in range(8):
        hk = h2[:, 16 * k:16 * (k + 1)]
        zk = jnp.dot(hk, wo, preferred_element_type=jnp.float32) + bo
        o_ref[:, k, :] = jax.nn.sigmoid(zk)


_l3 = pl.pallas_call(
    _l3_body,
    grid=(GRID,),
    in_specs=[
        pl.BlockSpec((NC, BW, 128), lambda i: (0, i, 0)),
        pl.BlockSpec((BW, 128), lambda i: (i, 0)),
        pl.BlockSpec((NC, BW, 128), lambda i: (0, i, 0)),
        pl.BlockSpec((H, D), lambda i: (0, 0)),
        pl.BlockSpec((1, 128), lambda i: (0, 0)),
        pl.BlockSpec((1, D), lambda i: (0, 0)),
    ],
    out_specs=pl.BlockSpec((BW, 8, D), lambda i: (i, 0, 0)),
    out_shape=jax.ShapeDtypeStruct((XPLANES, 8, D), jnp.float32),
)


def kernel(x, edge_index, W1, b1, W2, b2, Wo, bo):
    ei3 = jnp.swapaxes(edge_index.reshape(2, CH, C), 0, 1)
    zeros16 = jnp.zeros((NP, H), jnp.float32)
    ones2d = jnp.ones((C, H), jnp.float32)

    degp = _deg_kernel(ei3, zeros16, ones2d)
    degw = degp.reshape(NC, NWIDE, 128)

    x3 = x.reshape(XPLANES, 8, D)
    w2k = jnp.kron(jnp.eye(8, dtype=jnp.float32), W2)
    b1w = jnp.tile(b1, 8).reshape(1, 128)
    b2w = jnp.tile(b2, 8).reshape(1, 128)

    xw1 = _mm1(x3, W1)
    g1w = _ew1(xw1, degw)
    sp1 = _scatter_kernel(g1w.reshape(NP, H), ei3, zeros16)
    g2w = _l2(sp1.reshape(NC, NWIDE, 128), g1w, degw, w2k, b1w)
    sp2 = _scatter_kernel(g2w.reshape(NP, H), ei3, zeros16)
    out3 = _l3(sp2.reshape(NC, NWIDE, 128), g2w, degw, Wo, b2w, bo.reshape(1, D))
    return out3.reshape(N, D)

# --- scband reference (transcript-rebuilt; emitter-appended) ---
"""Pipeline reference for scband-gcn-imputer-78606491452017 (READ-ONLY COPY).

The authoritative reference and input builder live on the scoring server;
editing this copy changes nothing except your own understanding.
"""

import jax, jax.numpy as jnp
import numpy as np

N = 10000
E = 160000
D = 256
H = int(D ** 0.5)  # 16


def setup_inputs(seed: int = 0) -> dict:
    key = jax.random.key(seed)
    ks = jax.random.split(key, 8)
    x = jax.random.normal(ks[0], (N, D), dtype=jnp.float32)
    edge_index = jax.random.randint(ks[1], (2, E), 0, N, dtype=jnp.int32)
    W1 = jax.random.normal(ks[2], (D, H), dtype=jnp.float32) * (1.0 / np.sqrt(D))
    b1 = jnp.zeros((H,), dtype=jnp.float32)
    W2 = jax.random.normal(ks[3], (H, H), dtype=jnp.float32) * (1.0 / np.sqrt(H))
    b2 = jnp.zeros((H,), dtype=jnp.float32)
    Wo = jax.random.normal(ks[4], (H, D), dtype=jnp.float32) * (1.0 / np.sqrt(H))
    bo = jnp.zeros((D,), dtype=jnp.float32)
    return {"x": x, "edge_index": edge_index, "W1": W1, "b1": b1, "W2": W2, "b2": b2, "Wo": Wo, "bo": bo}


def _gcn_conv(x, edge_index, W, b):
    # PyG GCNConv (normalize=True, add_self_loops=True): linear, then
    # symmetric-normalized aggregation D^{-1/2} (A+I) D^{-1/2} x W + b
    h = x @ W
    loop = jnp.arange(N, dtype=edge_index.dtype)
    src = jnp.concatenate([edge_index[0], loop])
    dst = jnp.concatenate([edge_index[1], loop])
    deg = jnp.zeros((N,), dtype=h.dtype).at[dst].add(1.0)
    dinv = jnp.where(deg > 0, deg ** -0.5, 0.0)
    norm = dinv[src] * dinv[dst]
    msg = h[src] * norm[:, None]
    out = jnp.zeros((N, h.shape[1]), dtype=h.dtype).at[dst].add(msg)
    return out + b


def reference(x, edge_index, W1, b1, W2, b2, Wo, bo):
    # dropout is identity in eval mode (training=False)
    h = jax.nn.relu(_gcn_conv(x, edge_index, W1, b1))
    h = jax.nn.relu(_gcn_conv(h, edge_index, W2, b2))
    out = jax.nn.sigmoid(h @ Wo + bo)
    # min_max is None -> no rescaling
    return out

if __name__ == "__main__":
    import jax
    _d = setup_inputs()
    print(jax.jit(kernel)(*tuple(_d.values())))

</pallas_src>

<mosaic_0001>
#map = affine_map<(d0, d1) -> (0, 0, 0)>
#map1 = affine_map<(d0, d1) -> (0, 0)>
module attributes {stable_mosaic.version = 14 : i64} {
  func.func @_deg_kernel(%arg0: i32, %arg1: i32, %arg2: memref<1250x2x128xi32, #tpu.memory_space<hbm>>, %arg3: memref<10240x16xf32, #tpu.memory_space<hbm>>, %arg4: memref<128x16xf32, #tpu.memory_space<hbm>>, %arg5: memref<2x10240x16xf32, #tpu.memory_space<hbm>>, %arg6: memref<40x2x128xi32, #tpu.memory_space<vmem>>, %arg7: memref<128x16xf32, #tpu.memory_space<vmem>>, %arg8: memref<640x16xf32, #tpu.memory_space<vmem>>, %arg9: memref<10240x16xf32, #tpu.memory_space<vmem_shared>>, %arg10: memref<!tpu.dma_semaphore, #tpu.memory_space<semaphore_mem>>) attributes {dimension_semantics = [#tpu.dimension_semantics<core_parallel>, #tpu.dimension_semantics<subcore_parallel>], iteration_bounds = array<i64: 2, 16>, scalar_prefetch = 0 : i64, scratch_operands = 5 : i64, tpu.core_type = #tpu.core_type<sc_vector_subcore>, window_params = [{transform_indices = #map}, {transform_indices = #map1}, {transform_indices = #map1}, {transform_indices = #map}]} {
    %mul3A = arith.constant 2 : i32
    %mul3A_0 = arith.muli %arg1, %mul3A : i32
    %add3A = arith.addi %mul3A_0, %arg0 : i32
    %lt3A = arith.constant 2 : i32
    %lt3A_1 = arith.cmpi slt, %add3A, %lt3A : i32
    %jit3A = arith.constant 40 : i32
    %jit3A_2 = arith.constant 39 : i32
    %select_n3A = arith.select %lt3A_1, %jit3A, %jit3A_2 : i32
    %mul3A_3 = arith.constant 39 : i32
    %mul3A_4 = arith.muli %add3A, %mul3A_3 : i32
    %dma_start3A = arith.constant 0 : i32
    %dma_start3A_5 = arith.constant 0 : i32
    %dma_start3A_6 = arith.constant 0 : i32
    %dma_start3A_7 = tpu.memref_slice %arg6[%dma_start3A, %dma_start3A_5, %dma_start3A_6] : memref<40x2x128xi32, #tpu.memory_space<vmem>> -> memref<39x2x128xi32, #tpu.memory_space<vmem>>
    %dma_start3A_8 = arith.constant 0 : i32
    %dma_start3A_9 = arith.constant 0 : i32
    %dma_start3A_10 = tpu.memref_slice %arg2[%mul3A_4, %dma_start3A_8, %dma_start3A_9] : memref<1250x2x128xi32, #tpu.memory_space<hbm>> -> memref<39x2x128xi32, #tpu.memory_space<hbm>>
    %dma_start3A_11 = arith.constant 0 : i32
    %dma_start3A_12 = arith.constant 0 : i32
    %dma_start3A_13 = arith.constant 0 : i32
    %dma_start3A_14 = tpu.memref_slice %arg6[%dma_start3A_11, %dma_start3A_12, %dma_start3A_13] : memref<40x2x128xi32, #tpu.memory_space<vmem>> -> memref<39x2x128xi32, #tpu.memory_space<vmem>>
    %dma_start3A_15 = arith.constant 0 : i32
    %dma_start3A_16 = arith.constant 0 : i32
    %dma_start3A_17 = tpu.memref_slice %arg2[%mul3A_4, %dma_start3A_15, %dma_start3A_16] : memref<1250x2x128xi32, #tpu.memory_space<hbm>> -> memref<39x2x128xi32, #tpu.memory_space<hbm>>
    tpu.enqueue_dma source(%dma_start3A_17 : memref<39x2x128xi32, #tpu.memory_space<hbm>>) target(%dma_start3A_14 : memref<39x2x128xi32, #tpu.memory_space<vmem>>) target_semaphore(%arg10 : memref<!tpu.dma_semaphore, #tpu.memory_space<semaphore_mem>>)
    tpu.enqueue_dma source(%arg4 : memref<128x16xf32, #tpu.memory_space<hbm>>) target(%arg7 : memref<128x16xf32, #tpu.memory_space<vmem>>) target_semaphore(%arg10 : memref<!tpu.dma_semaphore, #tpu.memory_space<semaphore_mem>>)
    %lt3A_18 = arith.constant 2 : i32
    %lt3A_19 = arith.cmpi slt, %add3A, %lt3A_18 : i32
    %convert_element_type3A = arith.extui %lt3A_19 : i1 to i32
    %cond3A = arith.constant 0 : i32
    %cond3A_20 = arith.cmpi ne, %convert_element_type3A, %cond3A : i32
    scf.if %cond3A_20 {
      %add3A_52 = arith.constant 1248 : i32
      %add3A_53 = arith.addi %add3A_52, %add3A : i32
      "tpu.region"() ({
        %run_scoped3A = tpu.sem_alloc : memref<!tpu.dma_semaphore, #tpu.memory_space<semaphore_mem>>
        %dma_start3A_54 = arith.constant 39 : i32
        %dma_start3A_55 = arith.constant 0 : i32
        %dma_start3A_56 = arith.constant 0 : i32
        %dma_start3A_57 = tpu.memref_slice %arg6[%dma_start3A_54, %dma_start3A_55, %dma_start3A_56] : memref<40x2x128xi32, #tpu.memory_space<vmem>> -> memref<1x2x128xi32, #tpu.memory_space<vmem>>
        %dma_start3A_58 = arith.constant 0 : i32
        %dma_start3A_59 = arith.constant 0 : i32
        %dma_start3A_60 = tpu.memref_slice %arg2[%add3A_53, %dma_start3A_58, %dma_start3A_59] : memref<1250x2x128xi32, #tpu.memory_space<hbm>> -> memref<1x2x128xi32, #tpu.memory_space<hbm>>
        %dma_start3A_61 = arith.constant 39 : i32
        %dma_start3A_62 = arith.constant 0 : i32
        %dma_start3A_63 = arith.constant 0 : i32
        %dma_start3A_64 = tpu.memref_slice %arg6[%dma_start3A_61, %dma_start3A_62, %dma_start3A_63] : memref<40x2x128xi32, #tpu.memory_space<vmem>> -> memref<1x2x128xi32, #tpu.memory_space<vmem>>
        %dma_start3A_65 = arith.constant 0 : i32
        %dma_start3A_66 = arith.constant 0 : i32
        %dma_start3A_67 = tpu.memref_slice %arg2[%add3A_53, %dma_start3A_65, %dma_start3A_66] : memref<1250x2x128xi32, #tpu.memory_space<hbm>> -> memref<1x2x128xi32, #tpu.memory_space<hbm>>
        tpu.enqueue_dma source(%dma_start3A_67 : memref<1x2x128xi32, #tpu.memory_space<hbm>>) target(%dma_start3A_64 : memref<1x2x128xi32, #tpu.memory_space<vmem>>) target_semaphore(%run_scoped3A : memref<!tpu.dma_semaphore, #tpu.memory_space<semaphore_mem>>)
        %dma_wait3A_68 = arith.constant 39 : i32
        %dma_wait3A_69 = arith.constant 0 : i32
        %dma_wait3A_70 = arith.constant 0 : i32
        %dma_wait3A_71 = tpu.memref_slice %arg6[%dma_wait3A_68, %dma_wait3A_69, %dma_wait3A_70] : memref<40x2x128xi32, #tpu.memory_space<vmem>> -> memref<1x2x128xi32, #tpu.memory_space<vmem>>
        %dma_wait3A_72 = arith.constant 0 : i32
        %dma_wait3A_73 = arith.constant 0 : i32
        %dma_wait3A_74 = tpu.memref_slice %arg2[%add3A_53, %dma_wait3A_72, %dma_wait3A_73] : memref<1250x2x128xi32, #tpu.memory_space<hbm>> -> memref<1x2x128xi32, #tpu.memory_space<hbm>>
        %dma_wait3A_75 = arith.constant 39 : i32
        %dma_wait3A_76 = arith.constant 0 : i32
        %dma_wait3A_77 = arith.constant 0 : i32
        %dma_wait3A_78 = tpu.memref_slice %arg6[%dma_wait3A_75, %dma_wait3A_76, %dma_wait3A_77] : memref<40x2x128xi32, #tpu.memory_space<vmem>> -> memref<1x2x128xi32, #tpu.memory_space<vmem>>
        %dma_wait3A_79 = arith.constant 0 : i32
        %dma_wait3A_80 = arith.constant 0 : i32
        %dma_wait3A_81 = tpu.memref_slice %arg2[%add3A_53, %dma_wait3A_79, %dma_wait3A_80] : memref<1250x2x128xi32, #tpu.memory_space<hbm>> -> memref<1x2x128xi32, #tpu.memory_space<hbm>>
        tpu.wait_dma2 semaphore(%run_scoped3A : memref<!tpu.dma_semaphore, #tpu.memory_space<semaphore_mem>>) src(%dma_wait3A_81 : memref<1x2x128xi32, #tpu.memory_space<hbm>>) dst(%dma_wait3A_78 : memref<1x2x128xi32, #tpu.memory_space<vmem>>)
        tpu.yield
      }) : () -> ()
    } else {
    }
    %mul3A_21 = arith.constant 640 : i32
    %mul3A_22 = arith.muli %arg1, %mul3A_21 : i32
    "tpu.region"() ({
      %run_scoped3A = tpu.sem_alloc : memref<!tpu.dma_semaphore, #tpu.memory_space<semaphore_mem>>
      %dma_start3A_52 = arith.constant 0 : i32
      %dma_start3A_53 = tpu.memref_slice %arg3[%mul3A_22, %dma_start3A_52] : memref<10240x16xf32, #tpu.memory_space<hbm>> -> memref<640x16xf32, #tpu.memory_space<hbm>>
      %dma_start3A_54 = arith.constant 0 : i32
      %dma_start3A_55 = tpu.memref_slice %arg3[%mul3A_22, %dma_start3A_54] : memref<10240x16xf32, #tpu.memory_space<hbm>> -> memref<640x16xf32, #tpu.memory_space<hbm>>
      tpu.enqueue_dma source(%dma_start3A_55 : memref<640x16xf32, #tpu.memory_space<hbm>>) target(%arg8 : memref<640x16xf32, #tpu.memory_space<vmem>>) target_semaphore(%run_scoped3A : memref<!tpu.dma_semaphore, #tpu.memory_space<semaphore_mem>>)
      %dma_wait3A_56 = arith.constant 0 : i32
      %dma_wait3A_57 = tpu.memref_slice %arg3[%mul3A_22, %dma_wait3A_56] : memref<10240x16xf32, #tpu.memory_space<hbm>> -> memref<640x16xf32, #tpu.memory_space<hbm>>
      %dma_wait3A_58 = arith.constant 0 : i32
      %dma_wait3A_59 = tpu.memref_slice %arg3[%mul3A_22, %dma_wait3A_58] : memref<10240x16xf32, #tpu.memory_space<hbm>> -> memref<640x16xf32, #tpu.memory_space<hbm>>
      tpu.wait_dma2 semaphore(%run_scoped3A : memref<!tpu.dma_semaphore, #tpu.memory_space<semaphore_mem>>) src(%dma_wait3A_59 : memref<640x16xf32, #tpu.memory_space<hbm>>) dst(%arg8 : memref<640x16xf32, #tpu.memory_space<vmem>>)
      tpu.yield
    }) : () -> ()
    %mul3A_23 = arith.constant 640 : i32
    %mul3A_24 = arith.muli %arg1, %mul3A_23 : i32
    "tpu.region"() ({
      %run_scoped3A = tpu.sem_alloc : memref<!tpu.dma_semaphore, #tpu.memory_space<semaphore_mem>>
      %dma_start3A_52 = arith.constant 0 : i32
      %dma_start3A_53 = tpu.memref_slice %arg9[%mul3A_24, %dma_start3A_52] : memref<10240x16xf32, #tpu.memory_space<vmem_shared>> -> memref<640x16xf32, #tpu.memory_space<vmem_shared>>
      %dma_start3A_54 = arith.constant 0 : i32
      %dma_start3A_55 = tpu.memref_slice %arg9[%mul3A_24, %dma_start3A_54] : memref<10240x16xf32, #tpu.memory_space<vmem_shared>> -> memref<640x16xf32, #tpu.memory_space<vmem_shared>>
      tpu.enqueue_dma source(%arg8 : memref<640x16xf32, #tpu.memory_space<vmem>>) target(%dma_start3A_55 : memref<640x16xf32, #tpu.memory_space<vmem_shared>>) target_semaphore(%run_scoped3A : memref<!tpu.dma_semaphore, #tpu.memory_space<semaphore_mem>>)
      %dma_wait3A_56 = arith.constant 0 : i32
      %dma_wait3A_57 = tpu.memref_slice %arg9[%mul3A_24, %dma_wait3A_56] : memref<10240x16xf32, #tpu.memory_space<vmem_shared>> -> memref<640x16xf32, #tpu.memory_space<vmem_shared>>
      %dma_wait3A_58 = arith.constant 0 : i32
      %dma_wait3A_59 = tpu.memref_slice %arg9[%mul3A_24, %dma_wait3A_58] : memref<10240x16xf32, #tpu.memory_space<vmem_shared>> -> memref<640x16xf32, #tpu.memory_space<vmem_shared>>
      tpu.wait_dma2 semaphore(%run_scoped3A : memref<!tpu.dma_semaphore, #tpu.memory_space<semaphore_mem>>) src(%arg8 : memref<640x16xf32, #tpu.memory_space<vmem>>) dst(%dma_wait3A_59 : memref<640x16xf32, #tpu.memory_space<vmem_shared>>)
      tpu.yield
    }) : () -> ()
    %dma_wait3A = arith.constant 0 : i32
    %dma_wait3A_25 = arith.constant 0 : i32
    %dma_wait3A_26 = arith.constant 0 : i32
    %dma_wait3A_27 = tpu.memref_slice %arg6[%dma_wait3A, %dma_wait3A_25, %dma_wait3A_26] : memref<40x2x128xi32, #tpu.memory_space<vmem>> -> memref<39x2x128xi32, #tpu.memory_space<vmem>>
    %dma_wait3A_28 = arith.constant 0 : i32
    %dma_wait3A_29 = arith.constant 0 : i32
    %dma_wait3A_30 = tpu.memref_slice %arg2[%mul3A_4, %dma_wait3A_28, %dma_wait3A_29] : memref<1250x2x128xi32, #tpu.memory_space<hbm>> -> memref<39x2x128xi32, #tpu.memory_space<hbm>>
    %dma_wait3A_31 = arith.constant 0 : i32
    %dma_wait3A_32 = arith.constant 0 : i32
    %dma_wait3A_33 = arith.constant 0 : i32
    %dma_wait3A_34 = tpu.memref_slice %arg6[%dma_wait3A_31, %dma_wait3A_32, %dma_wait3A_33] : memref<40x2x128xi32, #tpu.memory_space<vmem>> -> memref<39x2x128xi32, #tpu.memory_space<vmem>>
    %dma_wait3A_35 = arith.constant 0 : i32
    %dma_wait3A_36 = arith.constant 0 : i32
    %dma_wait3A_37 = tpu.memref_slice %arg2[%mul3A_4, %dma_wait3A_35, %dma_wait3A_36] : memref<1250x2x128xi32, #tpu.memory_space<hbm>> -> memref<39x2x128xi32, #tpu.memory_space<hbm>>
    tpu.wait_dma2 semaphore(%arg10 : memref<!tpu.dma_semaphore, #tpu.memory_space<semaphore_mem>>) src(%dma_wait3A_37 : memref<39x2x128xi32, #tpu.memory_space<hbm>>) dst(%dma_wait3A_34 : memref<39x2x128xi32, #tpu.memory_space<vmem>>)
    tpu.wait_dma2 semaphore(%arg10 : memref<!tpu.dma_semaphore, #tpu.memory_space<semaphore_mem>>) src(%arg4 : memref<128x16xf32, #tpu.memory_space<hbm>>) dst(%arg7 : memref<128x16xf32, #tpu.memory_space<vmem>>)
    %barrier3A = arith.constant 0 : index
    tpu.barrier barrier_id(%barrier3A)
    %while3A = arith.constant 0 : i32
    %while3A_38 = arith.constant 0 : i32
    %while3A_39 = arith.subi %select_n3A, %while3A_38 : i32
    %while3A_40 = arith.addi %while3A_38, %while3A_39 : i32
    %while3A_41 = arith.constant 1 : i32
    %while3A_42 = arith.divsi %while3A_39, %while3A_41 : i32
    %while3A_43 = arith.muli %while3A_42, %while3A_41 : i32
    %while3A_44 = arith.addi %while3A_38, %while3A_43 : i32
    %while3A_45 = arith.constant 1 : i32
    scf.for %while3A_52 = %while3A_38 to %while3A_44 step %while3A_45  : i32 {
      %run_scoped3A = arith.constant 1 : i32
      "tpu.region"() ({
        %run_scoped3A_53 = tpu.sem_alloc : memref<!tpu.dma_semaphore, #tpu.memory_space<semaphore_mem>>
        %dma_start3A_54 = arith.constant 0 : i32
        %dma_start3A_55 = arith.constant 0 : i32
        %dma_start3A_56 = tpu.memref_slice %arg6[%while3A_52, %dma_start3A_54, %dma_start3A_55] : memref<40x2x128xi32, #tpu.memory_space<vmem>> -> memref<1x2x128xi32, #tpu.memory_space<vmem>>
        %dma_start3A_57 = tpu.memref_squeeze %dma_start3A_56 : memref<1x2x128xi32, #tpu.memory_space<vmem>> -> memref<2x128xi32, #tpu.memory_space<vmem>>
        %dma_start3A_58 = arith.constant 0 : i32
        %dma_start3A_59 = tpu.memref_slice %dma_start3A_57[%run_scoped3A, %dma_start3A_58] : memref<2x128xi32, #tpu.memory_space<vmem>> -> memref<1x128xi32, #tpu.memory_space<vmem>>
        %dma_start3A_60 = tpu.memref_squeeze %dma_start3A_59 : memref<1x128xi32, #tpu.memory_space<vmem>> -> memref<128xi32, #tpu.memory_space<vmem>>
        %dma_start3A_61 = arith.constant 0 : i32
        %dma_start3A_62 = arith.constant 0 : i32
        %dma_start3A_63 = tpu.memref_slice %arg9[%dma_start3A_61, %dma_start3A_62] : memref<10240x16xf32, #tpu.memory_space<vmem_shared>> -> memref<10240x16xf32, #tpu.memory_space<vmem_shared>>
        tpu.enqueue_indirect_dma source(%arg7 : memref<128x16xf32, #tpu.memory_space<vmem>>) target(%dma_start3A_63 : memref<10240x16xf32, #tpu.memory_space<vmem_shared>>) offsets(%dma_start3A_60 : memref<128xi32, #tpu.memory_space<vmem>>) semaphore(%run_scoped3A_53 : memref<!tpu.dma_semaphore, #tpu.memory_space<semaphore_mem>>) {add = true}
        %dma_wait3A_64 = arith.constant 0 : i32
        %dma_wait3A_65 = arith.constant 0 : i32
        %dma_wait3A_66 = tpu.memref_slice %arg6[%while3A_52, %dma_wait3A_64, %dma_wait3A_65] : memref<40x2x128xi32, #tpu.memory_space<vmem>> -> memref<1x2x128xi32, #tpu.memory_space<vmem>>
        %dma_wait3A_67 = tpu.memref_squeeze %dma_wait3A_66 : memref<1x2x128xi32, #tpu.memory_space<vmem>> -> memref<2x128xi32, #tpu.memory_space<vmem>>
        %dma_wait3A_68 = arith.constant 0 : i32
        %dma_wait3A_69 = tpu.memref_slice %dma_wait3A_67[%run_scoped3A, %dma_wait3A_68] : memref<2x128xi32, #tpu.memory_space<vmem>> -> memref<1x128xi32, #tpu.memory_space<vmem>>
        %dma_wait3A_70 = tpu.memref_squeeze %dma_wait3A_69 : memref<1x128xi32, #tpu.memory_space<vmem>> -> memref<128xi32, #tpu.memory_space<vmem>>
        %dma_wait3A_71 = arith.constant 0 : i32
        %dma_wait3A_72 = arith.constant 0 : i32
        %dma_wait3A_73 = tpu.memref_slice %arg9[%dma_wait3A_71, %dma_wait3A_72] : memref<10240x16xf32, #tpu.memory_space<vmem_shared>> -> memref<10240x16xf32, #tpu.memory_space<vmem_shared>>
        tpu.wait_indirect_dma semaphore(%run_scoped3A_53 : memref<!tpu.dma_semaphore, #tpu.memory_space<semaphore_mem>>) src(%arg7 : memref<128x16xf32, #tpu.memory_space<vmem>>) dst(%dma_wait3A_73 : memref<10240x16xf32, #tpu.memory_space<vmem_shared>>)
        tpu.yield
      }) : () -> ()
    }
    %while3A_46 = arith.constant 1 : i32
    scf.for %while3A_52 = %while3A_44 to %while3A_40 step %while3A_46  : i32 {
      %run_scoped3A = arith.constant 1 : i32
      "tpu.region"() ({
        %run_scoped3A_53 = tpu.sem_alloc : memref<!tpu.dma_semaphore, #tpu.memory_space<semaphore_mem>>
        %dma_start3A_54 = arith.constant 0 : i32
        %dma_start3A_55 = arith.constant 0 : i32
        %dma_start3A_56 = tpu.memref_slice %arg6[%while3A_52, %dma_start3A_54, %dma_start3A_55] : memref<40x2x128xi32, #tpu.memory_space<vmem>> -> memref<1x2x128xi32, #tpu.memory_space<vmem>>
        %dma_start3A_57 = tpu.memref_squeeze %dma_start3A_56 : memref<1x2x128xi32, #tpu.memory_space<vmem>> -> memref<2x128xi32, #tpu.memory_space<vmem>>
        %dma_start3A_58 = arith.constant 0 : i32
        %dma_start3A_59 = tpu.memref_slice %dma_start3A_57[%run_scoped3A, %dma_start3A_58] : memref<2x128xi32, #tpu.memory_space<vmem>> -> memref<1x128xi32, #tpu.memory_space<vmem>>
        %dma_start3A_60 = tpu.memref_squeeze %dma_start3A_59 : memref<1x128xi32, #tpu.memory_space<vmem>> -> memref<128xi32, #tpu.memory_space<vmem>>
        %dma_start3A_61 = arith.constant 0 : i32
        %dma_start3A_62 = arith.constant 0 : i32
        %dma_start3A_63 = tpu.memref_slice %arg9[%dma_start3A_61, %dma_start3A_62] : memref<10240x16xf32, #tpu.memory_space<vmem_shared>> -> memref<10240x16xf32, #tpu.memory_space<vmem_shared>>
        tpu.enqueue_indirect_dma source(%arg7 : memref<128x16xf32, #tpu.memory_space<vmem>>) target(%dma_start3A_63 : memref<10240x16xf32, #tpu.memory_space<vmem_shared>>) offsets(%dma_start3A_60 : memref<128xi32, #tpu.memory_space<vmem>>) semaphore(%run_scoped3A_53 : memref<!tpu.dma_semaphore, #tpu.memory_space<semaphore_mem>>) {add = true}
        %dma_wait3A_64 = arith.constant 0 : i32
        %dma_wait3A_65 = arith.constant 0 : i32
        %dma_wait3A_66 = tpu.memref_slice %arg6[%while3A_52, %dma_wait3A_64, %dma_wait3A_65] : memref<40x2x128xi32, #tpu.memory_space<vmem>> -> memref<1x2x128xi32, #tpu.memory_space<vmem>>
        %dma_wait3A_67 = tpu.memref_squeeze %dma_wait3A_66 : memref<1x2x128xi32, #tpu.memory_space<vmem>> -> memref<2x128xi32, #tpu.memory_space<vmem>>
        %dma_wait3A_68 = arith.constant 0 : i32
        %dma_wait3A_69 = tpu.memref_slice %dma_wait3A_67[%run_scoped3A, %dma_wait3A_68] : memref<2x128xi32, #tpu.memory_space<vmem>> -> memref<1x128xi32, #tpu.memory_space<vmem>>
        %dma_wait3A_70 = tpu.memref_squeeze %dma_wait3A_69 : memref<1x128xi32, #tpu.memory_space<vmem>> -> memref<128xi32, #tpu.memory_space<vmem>>
        %dma_wait3A_71 = arith.constant 0 : i32
        %dma_wait3A_72 = arith.constant 0 : i32
        %dma_wait3A_73 = tpu.memref_slice %arg9[%dma_wait3A_71, %dma_wait3A_72] : memref<10240x16xf32, #tpu.memory_space<vmem_shared>> -> memref<10240x16xf32, #tpu.memory_space<vmem_shared>>
        tpu.wait_indirect_dma semaphore(%run_scoped3A_53 : memref<!tpu.dma_semaphore, #tpu.memory_space<semaphore_mem>>) src(%arg7 : memref<128x16xf32, #tpu.memory_space<vmem>>) dst(%dma_wait3A_73 : memref<10240x16xf32, #tpu.memory_space<vmem_shared>>)
        tpu.yield
      }) : () -> ()
    }
    %barrier3A_47 = arith.constant 0 : index
    tpu.barrier barrier_id(%barrier3A_47)
    %mul3A_48 = arith.constant 640 : i32
    %mul3A_49 = arith.muli %arg1, %mul3A_48 : i32
    "tpu.region"() ({
      %run_scoped3A = tpu.sem_alloc : memref<!tpu.dma_semaphore, #tpu.memory_space<semaphore_mem>>
      %dma_start3A_52 = arith.constant 0 : i32
      %dma_start3A_53 = tpu.memref_slice %arg9[%mul3A_49, %dma_start3A_52] : memref<10240x16xf32, #tpu.memory_space<vmem_shared>> -> memref<640x16xf32, #tpu.memory_space<vmem_shared>>
      %dma_start3A_54 = arith.constant 0 : i32
      %dma_start3A_55 = tpu.memref_slice %arg9[%mul3A_49, %dma_start3A_54] : memref<10240x16xf32, #tpu.memory_space<vmem_shared>> -> memref<640x16xf32, #tpu.memory_space<vmem_shared>>
      tpu.enqueue_dma source(%dma_start3A_55 : memref<640x16xf32, #tpu.memory_space<vmem_shared>>) target(%arg8 : memref<640x16xf32, #tpu.memory_space<vmem>>) target_semaphore(%run_scoped3A : memref<!tpu.dma_semaphore, #tpu.memory_space<semaphore_mem>>)
      %dma_wait3A_56 = arith.constant 0 : i32
      %dma_wait3A_57 = tpu.memref_slice %arg9[%mul3A_49, %dma_wait3A_56] : memref<10240x16xf32, #tpu.memory_space<vmem_shared>> -> memref<640x16xf32, #tpu.memory_space<vmem_shared>>
      %dma_wait3A_58 = arith.constant 0 : i32
      %dma_wait3A_59 = tpu.memref_slice %arg9[%mul3A_49, %dma_wait3A_58] : memref<10240x16xf32, #tpu.memory_space<vmem_shared>> -> memref<640x16xf32, #tpu.memory_space<vmem_shared>>
      tpu.wait_dma2 semaphore(%run_scoped3A : memref<!tpu.dma_semaphore, #tpu.memory_space<semaphore_mem>>) src(%dma_wait3A_59 : memref<640x16xf32, #tpu.memory_space<vmem_shared>>) dst(%arg8 : memref<640x16xf32, #tpu.memory_space<vmem>>)
      tpu.yield
    }) : () -> ()
    %mul3A_50 = arith.constant 640 : i32
    %mul3A_51 = arith.muli %arg1, %mul3A_50 : i32
    "tpu.region"() ({
      %run_scoped3A = tpu.sem_alloc : memref<!tpu.dma_semaphore, #tpu.memory_space<semaphore_mem>>
      %dma_start3A_52 = arith.constant 0 : i32
      %dma_start3A_53 = arith.constant 0 : i32
      %dma_start3A_54 = tpu.memref_slice %arg5[%arg0, %dma_start3A_52, %dma_start3A_53] : memref<2x10240x16xf32, #tpu.memory_space<hbm>> -> memref<1x10240x16xf32, #tpu.memory_space<hbm>>
      %dma_start3A_55 = tpu.memref_squeeze %dma_start3A_54 : memref<1x10240x16xf32, #tpu.memory_space<hbm>> -> memref<10240x16xf32, #tpu.memory_space<hbm>>
      %dma_start3A_56 = arith.constant 0 : i32
      %dma_start3A_57 = tpu.memref_slice %dma_start3A_55[%mul3A_51, %dma_start3A_56] : memref<10240x16xf32, #tpu.memory_space<hbm>> -> memref<640x16xf32, #tpu.memory_space<hbm>>
      %dma_start3A_58 = arith.constant 0 : i32
      %dma_start3A_59 = arith.constant 0 : i32
      %dma_start3A_60 = tpu.memref_slice %arg5[%arg0, %dma_start3A_58, %dma_start3A_59] : memref<2x10240x16xf32, #tpu.memory_space<hbm>> -> memref<1x10240x16xf32, #tpu.memory_space<hbm>>
      %dma_start3A_61 = tpu.memref_squeeze %dma_start3A_60 : memref<1x10240x16xf32, #tpu.memory_space<hbm>> -> memref<10240x16xf32, #tpu.memory_space<hbm>>
      %dma_start3A_62 = arith.constant 0 : i32
      %dma_start3A_63 = tpu.memref_slice %dma_start3A_61[%mul3A_51, %dma_start3A_62] : memref<10240x16xf32, #tpu.memory_space<hbm>> -> memref<640x16xf32, #tpu.memory_space<hbm>>
      tpu.enqueue_dma source(%arg8 : memref<640x16xf32, #tpu.memory_space<vmem>>) target(%dma_start3A_63 : memref<640x16xf32, #tpu.memory_space<hbm>>) target_semaphore(%run_scoped3A : memref<!tpu.dma_semaphore, #tpu.memory_space<semaphore_mem>>)
      %dma_wait3A_64 = arith.constant 0 : i32
      %dma_wait3A_65 = arith.constant 0 : i32
      %dma_wait3A_66 = tpu.memref_slice %arg5[%arg0, %dma_wait3A_64, %dma_wait3A_65] : memref<2x10240x16xf32, #tpu.memory_space<hbm>> -> memref<1x10240x16xf32, #tpu.memory_space<hbm>>
      %dma_wait3A_67 = tpu.memref_squeeze %dma_wait3A_66 : memref<1x10240x16xf32, #tpu.memory_space<hbm>> -> memref<10240x16xf32, #tpu.memory_space<hbm>>
      %dma_wait3A_68 = arith.constant 0 : i32
      %dma_wait3A_69 = tpu.memref_slice %dma_wait3A_67[%mul3A_51, %dma_wait3A_68] : memref<10240x16xf32, #tpu.memory_space<hbm>> -> memref<640x16xf32, #tpu.memory_space<hbm>>
      %dma_wait3A_70 = arith.constant 0 : i32
      %dma_wait3A_71 = arith.constant 0 : i32
      %dma_wait3A_72 = tpu.memref_slice %arg5[%arg0, %dma_wait3A_70, %dma_wait3A_71] : memref<2x10240x16xf32, #tpu.memory_space<hbm>> -> memref<1x10240x16xf32, #tpu.memory_space<hbm>>
      %dma_wait3A_73 = tpu.memref_squeeze %dma_wait3A_72 : memref<1x10240x16xf32, #tpu.memory_space<hbm>> -> memref<10240x16xf32, #tpu.memory_space<hbm>>
      %dma_wait3A_74 = arith.constant 0 : i32
      %dma_wait3A_75 = tpu.memref_slice %dma_wait3A_73[%mul3A_51, %dma_wait3A_74] : memref<10240x16xf32, #tpu.memory_space<hbm>> -> memref<640x16xf32, #tpu.memory_space<hbm>>
      tpu.wait_dma2 semaphore(%run_scoped3A : memref<!tpu.dma_semaphore, #tpu.memory_space<semaphore_mem>>) src(%arg8 : memref<640x16xf32, #tpu.memory_space<vmem>>) dst(%dma_wait3A_75 : memref<640x16xf32, #tpu.memory_space<hbm>>)
      tpu.yield
    }) : () -> ()
    return
  }
}

#map = affine_map<(d0, d1) -> (0, 0)>
#map1 = affine_map<(d0, d1) -> (0, 0, 0)>
module attributes {stable_mosaic.version = 14 : i64} {
  func.func @_scatter_kernel(%arg0: i32, %arg1: i32, %arg2: memref<10240x16xf32, #tpu.memory_space<hbm>>, %arg3: memref<1250x2x128xi32, #tpu.memory_space<hbm>>, %arg4: memref<10240x16xf32, #tpu.memory_space<hbm>>, %arg5: memref<2x10240x16xf32, #tpu.memory_space<hbm>>, %arg6: memref<40x2x128xi32, #tpu.memory_space<vmem>>, %arg7: memref<40x128x16xf32, #tpu.memory_space<vmem>>, %arg8: memref<640x16xf32, #tpu.memory_space<vmem>>, %arg9: memref<10240x16xf32, #tpu.memory_space<vmem_shared>>, %arg10: memref<!tpu.dma_semaphore, #tpu.memory_space<semaphore_mem>>, %arg11: memref<!tpu.dma_semaphore, #tpu.memory_space<semaphore_mem>>, %arg12: memref<!tpu.dma_semaphore, #tpu.memory_space<semaphore_mem>>, %arg13: memref<!tpu.dma_semaphore, #tpu.memory_space<semaphore_mem>>, %arg14: memref<!tpu.dma_semaphore, #tpu.memory_space<semaphore_mem>>, %arg15: memref<!tpu.dma_semaphore, #tpu.memory_space<semaphore_mem>>) attributes {dimension_semantics = [#tpu.dimension_semantics<core_parallel>, #tpu.dimension_semantics<subcore_parallel>], iteration_bounds = array<i64: 2, 16>, scalar_prefetch = 0 : i64, scratch_operands = 10 : i64, tpu.core_type = #tpu.core_type<sc_vector_subcore>, window_params = [{transform_indices = #map}, {transform_indices = #map1}, {transform_indices = #map}, {transform_indices = #map1}]} {
    %mul3A = arith.constant 2 : i32
    %mul3A_0 = arith.muli %arg1, %mul3A : i32
    %add3A = arith.addi %mul3A_0, %arg0 : i32
    %lt3A = arith.constant 2 : i32
    %lt3A_1 = arith.cmpi slt, %add3A, %lt3A : i32
    %jit3A = arith.constant 40 : i32
    %jit3A_2 = arith.constant 39 : i32
    %select_n3A = arith.select %lt3A_1, %jit3A, %jit3A_2 : i32
    %mul3A_3 = arith.constant 39 : i32
    %mul3A_4 = arith.muli %add3A, %mul3A_3 : i32
    %dma_start3A = arith.constant 0 : i32
    %dma_start3A_5 = arith.constant 0 : i32
    %dma_start3A_6 = arith.constant 0 : i32
    %dma_start3A_7 = tpu.memref_slice %arg6[%dma_start3A, %dma_start3A_5, %dma_start3A_6] : memref<40x2x128xi32, #tpu.memory_space<vmem>> -> memref<39x2x128xi32, #tpu.memory_space<vmem>>
    %dma_start3A_8 = arith.constant 0 : i32
    %dma_start3A_9 = arith.constant 0 : i32
    %dma_start3A_10 = tpu.memref_slice %arg3[%mul3A_4, %dma_start3A_8, %dma_start3A_9] : memref<1250x2x128xi32, #tpu.memory_space<hbm>> -> memref<39x2x128xi32, #tpu.memory_space<hbm>>
    %dma_start3A_11 = arith.constant 0 : i32
    %dma_start3A_12 = arith.constant 0 : i32
    %dma_start3A_13 = arith.constant 0 : i32
    %dma_start3A_14 = tpu.memref_slice %arg6[%dma_start3A_11, %dma_start3A_12, %dma_start3A_13] : memref<40x2x128xi32, #tpu.memory_space<vmem>> -> memref<39x2x128xi32, #tpu.memory_space<vmem>>
    %dma_start3A_15 = arith.constant 0 : i32
    %dma_start3A_16 = arith.constant 0 : i32
    %dma_start3A_17 = tpu.memref_slice %arg3[%mul3A_4, %dma_start3A_15, %dma_start3A_16] : memref<1250x2x128xi32, #tpu.memory_space<hbm>> -> memref<39x2x128xi32, #tpu.memory_space<hbm>>
    tpu.enqueue_dma source(%dma_start3A_17 : memref<39x2x128xi32, #tpu.memory_space<hbm>>) target(%dma_start3A_14 : memref<39x2x128xi32, #tpu.memory_space<vmem>>) target_semaphore(%arg10 : memref<!tpu.dma_semaphore, #tpu.memory_space<semaphore_mem>>)
    %lt3A_18 = arith.constant 2 : i32
    %lt3A_19 = arith.cmpi slt, %add3A, %lt3A_18 : i32
    %convert_element_type3A = arith.extui %lt3A_19 : i1 to i32
    %cond3A = arith.constant 0 : i32
    %cond3A_20 = arith.cmpi ne, %convert_element_type3A, %cond3A : i32
    scf.if %cond3A_20 {
      %add3A_135 = arith.constant 1248 : i32
      %add3A_136 = arith.addi %add3A_135, %add3A : i32
      "tpu.region"() ({
        %run_scoped3A = tpu.sem_alloc : memref<!tpu.dma_semaphore, #tpu.memory_space<semaphore_mem>>
        %dma_start3A_137 = arith.constant 39 : i32
        %dma_start3A_138 = arith.constant 0 : i32
        %dma_start3A_139 = arith.constant 0 : i32
        %dma_start3A_140 = tpu.memref_slice %arg6[%dma_start3A_137, %dma_start3A_138, %dma_start3A_139] : memref<40x2x128xi32, #tpu.memory_space<vmem>> -> memref<1x2x128xi32, #tpu.memory_space<vmem>>
        %dma_start3A_141 = arith.constant 0 : i32
        %dma_start3A_142 = arith.constant 0 : i32
        %dma_start3A_143 = tpu.memref_slice %arg3[%add3A_136, %dma_start3A_141, %dma_start3A_142] : memref<1250x2x128xi32, #tpu.memory_space<hbm>> -> memref<1x2x128xi32, #tpu.memory_space<hbm>>
        %dma_start3A_144 = arith.constant 39 : i32
        %dma_start3A_145 = arith.constant 0 : i32
        %dma_start3A_146 = arith.constant 0 : i32
        %dma_start3A_147 = tpu.memref_slice %arg6[%dma_start3A_144, %dma_start3A_145, %dma_start3A_146] : memref<40x2x128xi32, #tpu.memory_space<vmem>> -> memref<1x2x128xi32, #tpu.memory_space<vmem>>
        %dma_start3A_148 = arith.constant 0 : i32
        %dma_start3A_149 = arith.constant 0 : i32
        %dma_start3A_150 = tpu.memref_slice %arg3[%add3A_136, %dma_start3A_148, %dma_start3A_149] : memref<1250x2x128xi32, #tpu.memory_space<hbm>> -> memref<1x2x128xi32, #tpu.memory_space<hbm>>
        tpu.enqueue_dma source(%dma_start3A_150 : memref<1x2x128xi32, #tpu.memory_space<hbm>>) target(%dma_start3A_147 : memref<1x2x128xi32, #tpu.memory_space<vmem>>) target_semaphore(%run_scoped3A : memref<!tpu.dma_semaphore, #tpu.memory_space<semaphore_mem>>)
        %dma_wait3A_151 = arith.constant 39 : i32
        %dma_wait3A_152 = arith.constant 0 : i32
        %dma_wait3A_153 = arith.constant 0 : i32
        %dma_wait3A_154 = tpu.memref_slice %arg6[%dma_wait3A_151, %dma_wait3A_152, %dma_wait3A_153] : memref<40x2x128xi32, #tpu.memory_space<vmem>> -> memref<1x2x128xi32, #tpu.memory_space<vmem>>
        %dma_wait3A_155 = arith.constant 0 : i32
        %dma_wait3A_156 = arith.constant 0 : i32
        %dma_wait3A_157 = tpu.memref_slice %arg3[%add3A_136, %dma_wait3A_155, %dma_wait3A_156] : memref<1250x2x128xi32, #tpu.memory_space<hbm>> -> memref<1x2x128xi32, #tpu.memory_space<hbm>>
        %dma_wait3A_158 = arith.constant 39 : i32
        %dma_wait3A_159 = arith.constant 0 : i32
        %dma_wait3A_160 = arith.constant 0 : i32
        %dma_wait3A_161 = tpu.memref_slice %arg6[%dma_wait3A_158, %dma_wait3A_159, %dma_wait3A_160] : memref<40x2x128xi32, #tpu.memory_space<vmem>> -> memref<1x2x128xi32, #tpu.memory_space<vmem>>
        %dma_wait3A_162 = arith.constant 0 : i32
        %dma_wait3A_163 = arith.constant 0 : i32
        %dma_wait3A_164 = tpu.memref_slice %arg3[%add3A_136, %dma_wait3A_162, %dma_wait3A_163] : memref<1250x2x128xi32, #tpu.memory_space<hbm>> -> memref<1x2x128xi32, #tpu.memory_space<hbm>>
        tpu.wait_dma2 semaphore(%run_scoped3A : memref<!tpu.dma_semaphore, #tpu.memory_space<semaphore_mem>>) src(%dma_wait3A_164 : memref<1x2x128xi32, #tpu.memory_space<hbm>>) dst(%dma_wait3A_161 : memref<1x2x128xi32, #tpu.memory_space<vmem>>)
        tpu.yield
      }) : () -> ()
    } else {
    }
    %dma_wait3A = arith.constant 0 : i32
    %dma_wait3A_21 = arith.constant 0 : i32
    %dma_wait3A_22 = arith.constant 0 : i32
    %dma_wait3A_23 = tpu.memref_slice %arg6[%dma_wait3A, %dma_wait3A_21, %dma_wait3A_22] : memref<40x2x128xi32, #tpu.memory_space<vmem>> -> memref<39x2x128xi32, #tpu.memory_space<vmem>>
    %dma_wait3A_24 = arith.constant 0 : i32
    %dma_wait3A_25 = arith.constant 0 : i32
    %dma_wait3A_26 = tpu.memref_slice %arg3[%mul3A_4, %dma_wait3A_24, %dma_wait3A_25] : memref<1250x2x128xi32, #tpu.memory_space<hbm>> -> memref<39x2x128xi32, #tpu.memory_space<hbm>>
    %dma_wait3A_27 = arith.constant 0 : i32
    %dma_wait3A_28 = arith.constant 0 : i32
    %dma_wait3A_29 = arith.constant 0 : i32
    %dma_wait3A_30 = tpu.memref_slice %arg6[%dma_wait3A_27, %dma_wait3A_28, %dma_wait3A_29] : memref<40x2x128xi32, #tpu.memory_space<vmem>> -> memref<39x2x128xi32, #tpu.memory_space<vmem>>
    %dma_wait3A_31 = arith.constant 0 : i32
    %dma_wait3A_32 = arith.constant 0 : i32
    %dma_wait3A_33 = tpu.memref_slice %arg3[%mul3A_4, %dma_wait3A_31, %dma_wait3A_32] : memref<1250x2x128xi32, #tpu.memory_space<hbm>> -> memref<39x2x128xi32, #tpu.memory_space<hbm>>
    tpu.wait_dma2 semaphore(%arg10 : memref<!tpu.dma_semaphore, #tpu.memory_space<semaphore_mem>>) src(%dma_wait3A_33 : memref<39x2x128xi32, #tpu.memory_space<hbm>>) dst(%dma_wait3A_30 : memref<39x2x128xi32, #tpu.memory_space<vmem>>)
    %scan3A = arith.constant 0 : i32
    %scan3A_34 = arith.constant 0 : i32
    %scan3A_35 = arith.constant 10 : i32
    %scan3A_36 = arith.addi %scan3A_34, %scan3A_35 : i32
    %scan3A_37 = arith.constant 1 : i32
    scf.for %scan3A_135 = %scan3A_34 to %scan3A_36 step %scan3A_37  : i32 {
      %dma_start3A_136 = arith.constant 0 : i32
      %dma_start3A_137 = arith.constant 0 : i32
      %dma_start3A_138 = arith.constant 0 : i32
      %dma_start3A_139 = tpu.memref_slice %arg7[%scan3A_135, %dma_start3A_137, %dma_start3A_138] : memref<40x128x16xf32, #tpu.memory_space<vmem>> -> memref<1x128x16xf32, #tpu.memory_space<vmem>>
      %dma_start3A_140 = tpu.memref_squeeze %dma_start3A_139 : memref<1x128x16xf32, #tpu.memory_space<vmem>> -> memref<128x16xf32, #tpu.memory_space<vmem>>
      %dma_start3A_141 = arith.constant 0 : i32
      %dma_start3A_142 = arith.constant 0 : i32
      %dma_start3A_143 = tpu.memref_slice %arg6[%scan3A_135, %dma_start3A_141, %dma_start3A_142] : memref<40x2x128xi32, #tpu.memory_space<vmem>> -> memref<1x2x128xi32, #tpu.memory_space<vmem>>
      %dma_start3A_144 = tpu.memref_squeeze %dma_start3A_143 : memref<1x2x128xi32, #tpu.memory_space<vmem>> -> memref<2x128xi32, #tpu.memory_space<vmem>>
      %dma_start3A_145 = arith.constant 0 : i32
      %dma_start3A_146 = tpu.memref_slice %dma_start3A_144[%dma_start3A_136, %dma_start3A_145] : memref<2x128xi32, #tpu.memory_space<vmem>> -> memref<1x128xi32, #tpu.memory_space<vmem>>
      %dma_start3A_147 = tpu.memref_squeeze %dma_start3A_146 : memref<1x128xi32, #tpu.memory_space<vmem>> -> memref<128xi32, #tpu.memory_space<vmem>>
      %dma_start3A_148 = arith.constant 0 : i32
      %dma_start3A_149 = arith.constant 0 : i32
      %dma_start3A_150 = tpu.memref_slice %arg2[%dma_start3A_148, %dma_start3A_149] : memref<10240x16xf32, #tpu.memory_space<hbm>> -> memref<10240x16xf32, #tpu.memory_space<hbm>>
      tpu.enqueue_indirect_dma source(%dma_start3A_150 : memref<10240x16xf32, #tpu.memory_space<hbm>>) target(%dma_start3A_140 : memref<128x16xf32, #tpu.memory_space<vmem>>) offsets(%dma_start3A_147 : memref<128xi32, #tpu.memory_space<vmem>>) semaphore(%arg11 : memref<!tpu.dma_semaphore, #tpu.memory_space<semaphore_mem>>)
    }
    %scan3A_38 = arith.constant 10 : i32
    %scan3A_39 = arith.constant 0 : i32
    %scan3A_40 = arith.constant 10 : i32
    %scan3A_41 = arith.constant 10 : i32
    %scan3A_42 = arith.addi %scan3A_40, %scan3A_41 : i32
    %scan3A_43 = arith.constant 1 : i32
    scf.for %scan3A_135 = %scan3A_40 to %scan3A_42 step %scan3A_43  : i32 {
      %dma_start3A_136 = arith.constant 0 : i32
      %dma_start3A_137 = arith.constant 0 : i32
      %dma_start3A_138 = arith.constant 0 : i32
      %dma_start3A_139 = tpu.memref_slice %arg7[%scan3A_135, %dma_start3A_137, %dma_start3A_138] : memref<40x128x16xf32, #tpu.memory_space<vmem>> -> memref<1x128x16xf32, #tpu.memory_space<vmem>>
      %dma_start3A_140 = tpu.memref_squeeze %dma_start3A_139 : memref<1x128x16xf32, #tpu.memory_space<vmem>> -> memref<128x16xf32, #tpu.memory_space<vmem>>
      %dma_start3A_141 = arith.constant 0 : i32
      %dma_start3A_142 = arith.constant 0 : i32
      %dma_start3A_143 = tpu.memref_slice %arg6[%scan3A_135, %dma_start3A_141, %dma_start3A_142] : memref<40x2x128xi32, #tpu.memory_space<vmem>> -> memref<1x2x128xi32, #tpu.memory_space<vmem>>
      %dma_start3A_144 = tpu.memref_squeeze %dma_start3A_143 : memref<1x2x128xi32, #tpu.memory_space<vmem>> -> memref<2x128xi32, #tpu.memory_space<vmem>>
      %dma_start3A_145 = arith.constant 0 : i32
      %dma_start3A_146 = tpu.memref_slice %dma_start3A_144[%dma_start3A_136, %dma_start3A_145] : memref<2x128xi32, #tpu.memory_space<vmem>> -> memref<1x128xi32, #tpu.memory_space<vmem>>
      %dma_start3A_147 = tpu.memref_squeeze %dma_start3A_146 : memref<1x128xi32, #tpu.memory_space<vmem>> -> memref<128xi32, #tpu.memory_space<vmem>>
      %dma_start3A_148 = arith.constant 0 : i32
      %dma_start3A_149 = arith.constant 0 : i32
      %dma_start3A_150 = tpu.memref_slice %arg2[%dma_start3A_148, %dma_start3A_149] : memref<10240x16xf32, #tpu.memory_space<hbm>> -> memref<10240x16xf32, #tpu.memory_space<hbm>>
      tpu.enqueue_indirect_dma source(%dma_start3A_150 : memref<10240x16xf32, #tpu.memory_space<hbm>>) target(%dma_start3A_140 : memref<128x16xf32, #tpu.memory_space<vmem>>) offsets(%dma_start3A_147 : memref<128xi32, #tpu.memory_space<vmem>>) semaphore(%arg12 : memref<!tpu.dma_semaphore, #tpu.memory_space<semaphore_mem>>)
    }
    %scan3A_44 = arith.constant 10 : i32
    %scan3A_45 = arith.constant 0 : i32
    %scan3A_46 = arith.constant 20 : i32
    %scan3A_47 = arith.constant 10 : i32
    %scan3A_48 = arith.addi %scan3A_46, %scan3A_47 : i32
    %scan3A_49 = arith.constant 1 : i32
    scf.for %scan3A_135 = %scan3A_46 to %scan3A_48 step %scan3A_49  : i32 {
      %dma_start3A_136 = arith.constant 0 : i32
      %dma_start3A_137 = arith.constant 0 : i32
      %dma_start3A_138 = arith.constant 0 : i32
      %dma_start3A_139 = tpu.memref_slice %arg7[%scan3A_135, %dma_start3A_137, %dma_start3A_138] : memref<40x128x16xf32, #tpu.memory_space<vmem>> -> memref<1x128x16xf32, #tpu.memory_space<vmem>>
      %dma_start3A_140 = tpu.memref_squeeze %dma_start3A_139 : memref<1x128x16xf32, #tpu.memory_space<vmem>> -> memref<128x16xf32, #tpu.memory_space<vmem>>
      %dma_start3A_141 = arith.constant 0 : i32
      %dma_start3A_142 = arith.constant 0 : i32
      %dma_start3A_143 = tpu.memref_slice %arg6[%scan3A_135, %dma_start3A_141, %dma_start3A_142] : memref<40x2x128xi32, #tpu.memory_space<vmem>> -> memref<1x2x128xi32, #tpu.memory_space<vmem>>
      %dma_start3A_144 = tpu.memref_squeeze %dma_start3A_143 : memref<1x2x128xi32, #tpu.memory_space<vmem>> -> memref<2x128xi32, #tpu.memory_space<vmem>>
      %dma_start3A_145 = arith.constant 0 : i32
      %dma_start3A_146 = tpu.memref_slice %dma_start3A_144[%dma_start3A_136, %dma_start3A_145] : memref<2x128xi32, #tpu.memory_space<vmem>> -> memref<1x128xi32, #tpu.memory_space<vmem>>
      %dma_start3A_147 = tpu.memref_squeeze %dma_start3A_146 : memref<1x128xi32, #tpu.memory_space<vmem>> -> memref<128xi32, #tpu.memory_space<vmem>>
      %dma_start3A_148 = arith.constant 0 : i32
      %dma_start3A_149 = arith.constant 0 : i32
      %dma_start3A_150 = tpu.memref_slice %arg2[%dma_start3A_148, %dma_start3A_149] : memref<10240x16xf32, #tpu.memory_space<hbm>> -> memref<10240x16xf32, #tpu.memory_space<hbm>>
      tpu.enqueue_indirect_dma source(%dma_start3A_150 : memref<10240x16xf32, #tpu.memory_space<hbm>>) target(%dma_start3A_140 : memref<128x16xf32, #tpu.memory_space<vmem>>) offsets(%dma_start3A_147 : memref<128xi32, #tpu.memory_space<vmem>>) semaphore(%arg13 : memref<!tpu.dma_semaphore, #tpu.memory_space<semaphore_mem>>)
    }
    %scan3A_50 = arith.constant 10 : i32
    %while3A = arith.constant 0 : i32
    %while3A_51 = arith.constant 30 : i32
    %while3A_52 = arith.subi %select_n3A, %while3A_51 : i32
    %while3A_53 = arith.addi %while3A_51, %while3A_52 : i32
    %while3A_54 = arith.constant 1 : i32
    %while3A_55 = arith.divsi %while3A_52, %while3A_54 : i32
    %while3A_56 = arith.muli %while3A_55, %while3A_54 : i32
    %while3A_57 = arith.addi %while3A_51, %while3A_56 : i32
    %while3A_58 = arith.constant 1 : i32
    scf.for %while3A_135 = %while3A_51 to %while3A_57 step %while3A_58  : i32 {
      %dma_start3A_136 = arith.constant 0 : i32
      %dma_start3A_137 = arith.constant 0 : i32
      %dma_start3A_138 = arith.constant 0 : i32
      %dma_start3A_139 = tpu.memref_slice %arg7[%while3A_135, %dma_start3A_137, %dma_start3A_138] : memref<40x128x16xf32, #tpu.memory_space<vmem>> -> memref<1x128x16xf32, #tpu.memory_space<vmem>>
      %dma_start3A_140 = tpu.memref_squeeze %dma_start3A_139 : memref<1x128x16xf32, #tpu.memory_space<vmem>> -> memref<128x16xf32, #tpu.memory_space<vmem>>
      %dma_start3A_141 = arith.constant 0 : i32
      %dma_start3A_142 = arith.constant 0 : i32
      %dma_start3A_143 = tpu.memref_slice %arg6[%while3A_135, %dma_start3A_141, %dma_start3A_142] : memref<40x2x128xi32, #tpu.memory_space<vmem>> -> memref<1x2x128xi32, #tpu.memory_space<vmem>>
      %dma_start3A_144 = tpu.memref_squeeze %dma_start3A_143 : memref<1x2x128xi32, #tpu.memory_space<vmem>> -> memref<2x128xi32, #tpu.memory_space<vmem>>
      %dma_start3A_145 = arith.constant 0 : i32
      %dma_start3A_146 = tpu.memref_slice %dma_start3A_144[%dma_start3A_136, %dma_start3A_145] : memref<2x128xi32, #tpu.memory_space<vmem>> -> memref<1x128xi32, #tpu.memory_space<vmem>>
      %dma_start3A_147 = tpu.memref_squeeze %dma_start3A_146 : memref<1x128xi32, #tpu.memory_space<vmem>> -> memref<128xi32, #tpu.memory_space<vmem>>
      %dma_start3A_148 = arith.constant 0 : i32
      %dma_start3A_149 = arith.constant 0 : i32
      %dma_start3A_150 = tpu.memref_slice %arg2[%dma_start3A_148, %dma_start3A_149] : memref<10240x16xf32, #tpu.memory_space<hbm>> -> memref<10240x16xf32, #tpu.memory_space<hbm>>
      tpu.enqueue_indirect_dma source(%dma_start3A_150 : memref<10240x16xf32, #tpu.memory_space<hbm>>) target(%dma_start3A_140 : memref<128x16xf32, #tpu.memory_space<vmem>>) offsets(%dma_start3A_147 : memref<128xi32, #tpu.memory_space<vmem>>) semaphore(%arg14 : memref<!tpu.dma_semaphore, #tpu.memory_space<semaphore_mem>>)
    }
    %while3A_59 = arith.constant 1 : i32
    scf.for %while3A_135 = %while3A_57 to %while3A_53 step %while3A_59  : i32 {
      %dma_start3A_136 = arith.constant 0 : i32
      %dma_start3A_137 = arith.constant 0 : i32
      %dma_start3A_138 = arith.constant 0 : i32
      %dma_start3A_139 = tpu.memref_slice %arg7[%while3A_135, %dma_start3A_137, %dma_start3A_138] : memref<40x128x16xf32, #tpu.memory_space<vmem>> -> memref<1x128x16xf32, #tpu.memory_space<vmem>>
      %dma_start3A_140 = tpu.memref_squeeze %dma_start3A_139 : memref<1x128x16xf32, #tpu.memory_space<vmem>> -> memref<128x16xf32, #tpu.memory_space<vmem>>
      %dma_start3A_141 = arith.constant 0 : i32
      %dma_start3A_142 = arith.constant 0 : i32
      %dma_start3A_143 = tpu.memref_slice %arg6[%while3A_135, %dma_start3A_141, %dma_start3A_142] : memref<40x2x128xi32, #tpu.memory_space<vmem>> -> memref<1x2x128xi32, #tpu.memory_space<vmem>>
      %dma_start3A_144 = tpu.memref_squeeze %dma_start3A_143 : memref<1x2x128xi32, #tpu.memory_space<vmem>> -> memref<2x128xi32, #tpu.memory_space<vmem>>
      %dma_start3A_145 = arith.constant 0 : i32
      %dma_start3A_146 = tpu.memref_slice %dma_start3A_144[%dma_start3A_136, %dma_start3A_145] : memref<2x128xi32, #tpu.memory_space<vmem>> -> memref<1x128xi32, #tpu.memory_space<vmem>>
      %dma_start3A_147 = tpu.memref_squeeze %dma_start3A_146 : memref<1x128xi32, #tpu.memory_space<vmem>> -> memref<128xi32, #tpu.memory_space<vmem>>
      %dma_start3A_148 = arith.constant 0 : i32
      %dma_start3A_149 = arith.constant 0 : i32
      %dma_start3A_150 = tpu.memref_slice %arg2[%dma_start3A_148, %dma_start3A_149] : memref<10240x16xf32, #tpu.memory_space<hbm>> -> memref<10240x16xf32, #tpu.memory_space<hbm>>
      tpu.enqueue_indirect_dma source(%dma_start3A_150 : memref<10240x16xf32, #tpu.memory_space<hbm>>) target(%dma_start3A_140 : memref<128x16xf32, #tpu.memory_space<vmem>>) offsets(%dma_start3A_147 : memref<128xi32, #tpu.memory_space<vmem>>) semaphore(%arg14 : memref<!tpu.dma_semaphore, #tpu.memory_space<semaphore_mem>>)
    }
    %mul3A_60 = arith.constant 640 : i32
    %mul3A_61 = arith.muli %arg1, %mul3A_60 : i32
    "tpu.region"() ({
      %run_scoped3A = tpu.sem_alloc : memref<!tpu.dma_semaphore, #tpu.memory_space<semaphore_mem>>
      %dma_start3A_135 = arith.constant 0 : i32
      %dma_start3A_136 = tpu.memref_slice %arg4[%mul3A_61, %dma_start3A_135] : memref<10240x16xf32, #tpu.memory_space<hbm>> -> memref<640x16xf32, #tpu.memory_space<hbm>>
      %dma_start3A_137 = arith.constant 0 : i32
      %dma_start3A_138 = tpu.memref_slice %arg4[%mul3A_61, %dma_start3A_137] : memref<10240x16xf32, #tpu.memory_space<hbm>> -> memref<640x16xf32, #tpu.memory_space<hbm>>
      tpu.enqueue_dma source(%dma_start3A_138 : memref<640x16xf32, #tpu.memory_space<hbm>>) target(%arg8 : memref<640x16xf32, #tpu.memory_space<vmem>>) target_semaphore(%run_scoped3A : memref<!tpu.dma_semaphore, #tpu.memory_space<semaphore_mem>>)
      %dma_wait3A_139 = arith.constant 0 : i32
      %dma_wait3A_140 = tpu.memref_slice %arg4[%mul3A_61, %dma_wait3A_139] : memref<10240x16xf32, #tpu.memory_space<hbm>> -> memref<640x16xf32, #tpu.memory_space<hbm>>
      %dma_wait3A_141 = arith.constant 0 : i32
      %dma_wait3A_142 = tpu.memref_slice %arg4[%mul3A_61, %dma_wait3A_141] : memref<10240x16xf32, #tpu.memory_space<hbm>> -> memref<640x16xf32, #tpu.memory_space<hbm>>
      tpu.wait_dma2 semaphore(%run_scoped3A : memref<!tpu.dma_semaphore, #tpu.memory_space<semaphore_mem>>) src(%dma_wait3A_142 : memref<640x16xf32, #tpu.memory_space<hbm>>) dst(%arg8 : memref<640x16xf32, #tpu.memory_space<vmem>>)
      tpu.yield
    }) : () -> ()
    %mul3A_62 = arith.constant 640 : i32
    %mul3A_63 = arith.muli %arg1, %mul3A_62 : i32
    "tpu.region"() ({
      %run_scoped3A = tpu.sem_alloc : memref<!tpu.dma_semaphore, #tpu.memory_space<semaphore_mem>>
      %dma_start3A_135 = arith.constant 0 : i32
      %dma_start3A_136 = tpu.memref_slice %arg9[%mul3A_63, %dma_start3A_135] : memref<10240x16xf32, #tpu.memory_space<vmem_shared>> -> memref<640x16xf32, #tpu.memory_space<vmem_shared>>
      %dma_start3A_137 = arith.constant 0 : i32
      %dma_start3A_138 = tpu.memref_slice %arg9[%mul3A_63, %dma_start3A_137] : memref<10240x16xf32, #tpu.memory_space<vmem_shared>> -> memref<640x16xf32, #tpu.memory_space<vmem_shared>>
      tpu.enqueue_dma source(%arg8 : memref<640x16xf32, #tpu.memory_space<vmem>>) target(%dma_start3A_138 : memref<640x16xf32, #tpu.memory_space<vmem_shared>>) target_semaphore(%run_scoped3A : memref<!tpu.dma_semaphore, #tpu.memory_space<semaphore_mem>>)
      %dma_wait3A_139 = arith.constant 0 : i32
      %dma_wait3A_140 = tpu.memref_slice %arg9[%mul3A_63, %dma_wait3A_139] : memref<10240x16xf32, #tpu.memory_space<vmem_shared>> -> memref<640x16xf32, #tpu.memory_space<vmem_shared>>
      %dma_wait3A_141 = arith.constant 0 : i32
      %dma_wait3A_142 = tpu.memref_slice %arg9[%mul3A_63, %dma_wait3A_141] : memref<10240x16xf32, #tpu.memory_space<vmem_shared>> -> memref<640x16xf32, #tpu.memory_space<vmem_shared>>
      tpu.wait_dma2 semaphore(%run_scoped3A : memref<!tpu.dma_semaphore, #tpu.memory_space<semaphore_mem>>) src(%arg8 : memref<640x16xf32, #tpu.memory_space<vmem>>) dst(%dma_wait3A_142 : memref<640x16xf32, #tpu.memory_space<vmem_shared>>)
      tpu.yield
    }) : () -> ()
    %barrier3A = arith.constant 0 : index
    tpu.barrier barrier_id(%barrier3A)
    %scan3A_64 = arith.constant 0 : i32
    %scan3A_65 = arith.constant 0 : i32
    %scan3A_66 = arith.constant 10 : i32
    %scan3A_67 = arith.addi %scan3A_65, %scan3A_66 : i32
    %scan3A_68 = arith.constant 1 : i32
    scf.for %scan3A_135 = %scan3A_65 to %scan3A_67 step %scan3A_68  : i32 {
      %dma_wait3A_136 = arith.constant 0 : i32
      %dma_wait3A_137 = arith.constant 0 : i32
      %dma_wait3A_138 = arith.constant 0 : i32
      %dma_wait3A_139 = tpu.memref_slice %arg7[%scan3A_135, %dma_wait3A_137, %dma_wait3A_138] : memref<40x128x16xf32, #tpu.memory_space<vmem>> -> memref<1x128x16xf32, #tpu.memory_space<vmem>>
      %dma_wait3A_140 = tpu.memref_squeeze %dma_wait3A_139 : memref<1x128x16xf32, #tpu.memory_space<vmem>> -> memref<128x16xf32, #tpu.memory_space<vmem>>
      %dma_wait3A_141 = arith.constant 0 : i32
      %dma_wait3A_142 = arith.constant 0 : i32
      %dma_wait3A_143 = tpu.memref_slice %arg6[%scan3A_135, %dma_wait3A_141, %dma_wait3A_142] : memref<40x2x128xi32, #tpu.memory_space<vmem>> -> memref<1x2x128xi32, #tpu.memory_space<vmem>>
      %dma_wait3A_144 = tpu.memref_squeeze %dma_wait3A_143 : memref<1x2x128xi32, #tpu.memory_space<vmem>> -> memref<2x128xi32, #tpu.memory_space<vmem>>
      %dma_wait3A_145 = arith.constant 0 : i32
      %dma_wait3A_146 = tpu.memref_slice %dma_wait3A_144[%dma_wait3A_136, %dma_wait3A_145] : memref<2x128xi32, #tpu.memory_space<vmem>> -> memref<1x128xi32, #tpu.memory_space<vmem>>
      %dma_wait3A_147 = tpu.memref_squeeze %dma_wait3A_146 : memref<1x128xi32, #tpu.memory_space<vmem>> -> memref<128xi32, #tpu.memory_space<vmem>>
      %dma_wait3A_148 = arith.constant 0 : i32
      %dma_wait3A_149 = arith.constant 0 : i32
      %dma_wait3A_150 = tpu.memref_slice %arg2[%dma_wait3A_148, %dma_wait3A_149] : memref<10240x16xf32, #tpu.memory_space<hbm>> -> memref<10240x16xf32, #tpu.memory_space<hbm>>
      tpu.wait_indirect_dma semaphore(%arg11 : memref<!tpu.dma_semaphore, #tpu.memory_space<semaphore_mem>>) src(%dma_wait3A_150 : memref<10240x16xf32, #tpu.memory_space<hbm>>) dst(%dma_wait3A_140 : memref<128x16xf32, #tpu.memory_space<vmem>>)
    }
    %scan3A_69 = arith.constant 10 : i32
    %scan3A_70 = arith.constant 0 : i32
    %scan3A_71 = arith.constant 0 : i32
    %scan3A_72 = arith.constant 10 : i32
    %scan3A_73 = arith.addi %scan3A_71, %scan3A_72 : i32
    %scan3A_74 = arith.constant 1 : i32
    scf.for %scan3A_135 = %scan3A_71 to %scan3A_73 step %scan3A_74  : i32 {
      %dma_start3A_136 = arith.constant 1 : i32
      %dma_start3A_137 = arith.constant 0 : i32
      %dma_start3A_138 = arith.constant 0 : i32
      %dma_start3A_139 = tpu.memref_slice %arg7[%scan3A_135, %dma_start3A_137, %dma_start3A_138] : memref<40x128x16xf32, #tpu.memory_space<vmem>> -> memref<1x128x16xf32, #tpu.memory_space<vmem>>
      %dma_start3A_140 = tpu.memref_squeeze %dma_start3A_139 : memref<1x128x16xf32, #tpu.memory_space<vmem>> -> memref<128x16xf32, #tpu.memory_space<vmem>>
      %dma_start3A_141 = arith.constant 0 : i32
      %dma_start3A_142 = arith.constant 0 : i32
      %dma_start3A_143 = tpu.memref_slice %arg6[%scan3A_135, %dma_start3A_141, %dma_start3A_142] : memref<40x2x128xi32, #tpu.memory_space<vmem>> -> memref<1x2x128xi32, #tpu.memory_space<vmem>>
      %dma_start3A_144 = tpu.memref_squeeze %dma_start3A_143 : memref<1x2x128xi32, #tpu.memory_space<vmem>> -> memref<2x128xi32, #tpu.memory_space<vmem>>
      %dma_start3A_145 = arith.constant 0 : i32
      %dma_start3A_146 = tpu.memref_slice %dma_start3A_144[%dma_start3A_136, %dma_start3A_145] : memref<2x128xi32, #tpu.memory_space<vmem>> -> memref<1x128xi32, #tpu.memory_space<vmem>>
      %dma_start3A_147 = tpu.memref_squeeze %dma_start3A_146 : memref<1x128xi32, #tpu.memory_space<vmem>> -> memref<128xi32, #tpu.memory_space<vmem>>
      %dma_start3A_148 = arith.constant 0 : i32
      %dma_start3A_149 = arith.constant 0 : i32
      %dma_start3A_150 = tpu.memref_slice %arg9[%dma_start3A_148, %dma_start3A_149] : memref<10240x16xf32, #tpu.memory_space<vmem_shared>> -> memref<10240x16xf32, #tpu.memory_space<vmem_shared>>
      tpu.enqueue_indirect_dma source(%dma_start3A_140 : memref<128x16xf32, #tpu.memory_space<vmem>>) target(%dma_start3A_150 : memref<10240x16xf32, #tpu.memory_space<vmem_shared>>) offsets(%dma_start3A_147 : memref<128xi32, #tpu.memory_space<vmem>>) semaphore(%arg15 : memref<!tpu.dma_semaphore, #tpu.memory_space<semaphore_mem>>) {add = true}
    }
    %scan3A_75 = arith.constant 10 : i32
    %scan3A_76 = arith.constant 0 : i32
    %scan3A_77 = arith.constant 10 : i32
    %scan3A_78 = arith.constant 10 : i32
    %scan3A_79 = arith.addi %scan3A_77, %scan3A_78 : i32
    %scan3A_80 = arith.constant 1 : i32
    scf.for %scan3A_135 = %scan3A_77 to %scan3A_79 step %scan3A_80  : i32 {
      %dma_wait3A_136 = arith.constant 0 : i32
      %dma_wait3A_137 = arith.constant 0 : i32
      %dma_wait3A_138 = arith.constant 0 : i32
      %dma_wait3A_139 = tpu.memref_slice %arg7[%scan3A_135, %dma_wait3A_137, %dma_wait3A_138] : memref<40x128x16xf32, #tpu.memory_space<vmem>> -> memref<1x128x16xf32, #tpu.memory_space<vmem>>
      %dma_wait3A_140 = tpu.memref_squeeze %dma_wait3A_139 : memref<1x128x16xf32, #tpu.memory_space<vmem>> -> memref<128x16xf32, #tpu.memory_space<vmem>>
      %dma_wait3A_141 = arith.constant 0 : i32
      %dma_wait3A_142 = arith.constant 0 : i32
      %dma_wait3A_143 = tpu.memref_slice %arg6[%scan3A_135, %dma_wait3A_141, %dma_wait3A_142] : memref<40x2x128xi32, #tpu.memory_space<vmem>> -> memref<1x2x128xi32, #tpu.memory_space<vmem>>
      %dma_wait3A_144 = tpu.memref_squeeze %dma_wait3A_143 : memref<1x2x128xi32, #tpu.memory_space<vmem>> -> memref<2x128xi32, #tpu.memory_space<vmem>>
      %dma_wait3A_145 = arith.constant 0 : i32
      %dma_wait3A_146 = tpu.memref_slice %dma_wait3A_144[%dma_wait3A_136, %dma_wait3A_145] : memref<2x128xi32, #tpu.memory_space<vmem>> -> memref<1x128xi32, #tpu.memory_space<vmem>>
      %dma_wait3A_147 = tpu.memref_squeeze %dma_wait3A_146 : memref<1x128xi32, #tpu.memory_space<vmem>> -> memref<128xi32, #tpu.memory_space<vmem>>
      %dma_wait3A_148 = arith.constant 0 : i32
      %dma_wait3A_149 = arith.constant 0 : i32
      %dma_wait3A_150 = tpu.memref_slice %arg2[%dma_wait3A_148, %dma_wait3A_149] : memref<10240x16xf32, #tpu.memory_space<hbm>> -> memref<10240x16xf32, #tpu.memory_space<hbm>>
      tpu.wait_indirect_dma semaphore(%arg12 : memref<!tpu.dma_semaphore, #tpu.memory_space<semaphore_mem>>) src(%dma_wait3A_150 : memref<10240x16xf32, #tpu.memory_space<hbm>>) dst(%dma_wait3A_140 : memref<128x16xf32, #tpu.memory_space<vmem>>)
    }
    %scan3A_81 = arith.constant 10 : i32
    %scan3A_82 = arith.constant 0 : i32
    %scan3A_83 = arith.constant 10 : i32
    %scan3A_84 = arith.constant 10 : i32
    %scan3A_85 = arith.addi %scan3A_83, %scan3A_84 : i32
    %scan3A_86 = arith.constant 1 : i32
    scf.for %scan3A_135 = %scan3A_83 to %scan3A_85 step %scan3A_86  : i32 {
      %dma_start3A_136 = arith.constant 1 : i32
      %dma_start3A_137 = arith.constant 0 : i32
      %dma_start3A_138 = arith.constant 0 : i32
      %dma_start3A_139 = tpu.memref_slice %arg7[%scan3A_135, %dma_start3A_137, %dma_start3A_138] : memref<40x128x16xf32, #tpu.memory_space<vmem>> -> memref<1x128x16xf32, #tpu.memory_space<vmem>>
      %dma_start3A_140 = tpu.memref_squeeze %dma_start3A_139 : memref<1x128x16xf32, #tpu.memory_space<vmem>> -> memref<128x16xf32, #tpu.memory_space<vmem>>
      %dma_start3A_141 = arith.constant 0 : i32
      %dma_start3A_142 = arith.constant 0 : i32
      %dma_start3A_143 = tpu.memref_slice %arg6[%scan3A_135, %dma_start3A_141, %dma_start3A_142] : memref<40x2x128xi32, #tpu.memory_space<vmem>> -> memref<1x2x128xi32, #tpu.memory_space<vmem>>
      %dma_start3A_144 = tpu.memref_squeeze %dma_start3A_143 : memref<1x2x128xi32, #tpu.memory_space<vmem>> -> memref<2x128xi32, #tpu.memory_space<vmem>>
      %dma_start3A_145 = arith.constant 0 : i32
      %dma_start3A_146 = tpu.memref_slice %dma_start3A_144[%dma_start3A_136, %dma_start3A_145] : memref<2x128xi32, #tpu.memory_space<vmem>> -> memref<1x128xi32, #tpu.memory_space<vmem>>
      %dma_start3A_147 = tpu.memref_squeeze %dma_start3A_146 : memref<1x128xi32, #tpu.memory_space<vmem>> -> memref<128xi32, #tpu.memory_space<vmem>>
      %dma_start3A_148 = arith.constant 0 : i32
      %dma_start3A_149 = arith.constant 0 : i32
      %dma_start3A_150 = tpu.memref_slice %arg9[%dma_start3A_148, %dma_start3A_149] : memref<10240x16xf32, #tpu.memory_space<vmem_shared>> -> memref<10240x16xf32, #tpu.memory_space<vmem_shared>>
      tpu.enqueue_indirect_dma source(%dma_start3A_140 : memref<128x16xf32, #tpu.memory_space<vmem>>) target(%dma_start3A_150 : memref<10240x16xf32, #tpu.memory_space<vmem_shared>>) offsets(%dma_start3A_147 : memref<128xi32, #tpu.memory_space<vmem>>) semaphore(%arg15 : memref<!tpu.dma_semaphore, #tpu.memory_space<semaphore_mem>>) {add = true}
    }
    %scan3A_87 = arith.constant 10 : i32
    %scan3A_88 = arith.constant 0 : i32
    %scan3A_89 = arith.constant 20 : i32
    %scan3A_90 = arith.constant 10 : i32
    %scan3A_91 = arith.addi %scan3A_89, %scan3A_90 : i32
    %scan3A_92 = arith.constant 1 : i32
    scf.for %scan3A_135 = %scan3A_89 to %scan3A_91 step %scan3A_92  : i32 {
      %dma_wait3A_136 = arith.constant 0 : i32
      %dma_wait3A_137 = arith.constant 0 : i32
      %dma_wait3A_138 = arith.constant 0 : i32
      %dma_wait3A_139 = tpu.memref_slice %arg7[%scan3A_135, %dma_wait3A_137, %dma_wait3A_138] : memref<40x128x16xf32, #tpu.memory_space<vmem>> -> memref<1x128x16xf32, #tpu.memory_space<vmem>>
      %dma_wait3A_140 = tpu.memref_squeeze %dma_wait3A_139 : memref<1x128x16xf32, #tpu.memory_space<vmem>> -> memref<128x16xf32, #tpu.memory_space<vmem>>
      %dma_wait3A_141 = arith.constant 0 : i32
      %dma_wait3A_142 = arith.constant 0 : i32
      %dma_wait3A_143 = tpu.memref_slice %arg6[%scan3A_135, %dma_wait3A_141, %dma_wait3A_142] : memref<40x2x128xi32, #tpu.memory_space<vmem>> -> memref<1x2x128xi32, #tpu.memory_space<vmem>>
      %dma_wait3A_144 = tpu.memref_squeeze %dma_wait3A_143 : memref<1x2x128xi32, #tpu.memory_space<vmem>> -> memref<2x128xi32, #tpu.memory_space<vmem>>
      %dma_wait3A_145 = arith.constant 0 : i32
      %dma_wait3A_146 = tpu.memref_slice %dma_wait3A_144[%dma_wait3A_136, %dma_wait3A_145] : memref<2x128xi32, #tpu.memory_space<vmem>> -> memref<1x128xi32, #tpu.memory_space<vmem>>
      %dma_wait3A_147 = tpu.memref_squeeze %dma_wait3A_146 : memref<1x128xi32, #tpu.memory_space<vmem>> -> memref<128xi32, #tpu.memory_space<vmem>>
      %dma_wait3A_148 = arith.constant 0 : i32
      %dma_wait3A_149 = arith.constant 0 : i32
      %dma_wait3A_150 = tpu.memref_slice %arg2[%dma_wait3A_148, %dma_wait3A_149] : memref<10240x16xf32, #tpu.memory_space<hbm>> -> memref<10240x16xf32, #tpu.memory_space<hbm>>
      tpu.wait_indirect_dma semaphore(%arg13 : memref<!tpu.dma_semaphore, #tpu.memory_space<semaphore_mem>>) src(%dma_wait3A_150 : memref<10240x16xf32, #tpu.memory_space<hbm>>) dst(%dma_wait3A_140 : memref<128x16xf32, #tpu.memory_space<vmem>>)
    }
    %scan3A_93 = arith.constant 10 : i32
    %scan3A_94 = arith.constant 0 : i32
    %scan3A_95 = arith.constant 20 : i32
    %scan3A_96 = arith.constant 10 : i32
    %scan3A_97 = arith.addi %scan3A_95, %scan3A_96 : i32
    %scan3A_98 = arith.constant 1 : i32
    scf.for %scan3A_135 = %scan3A_95 to %scan3A_97 step %scan3A_98  : i32 {
      %dma_start3A_136 = arith.constant 1 : i32
      %dma_start3A_137 = arith.constant 0 : i32
      %dma_start3A_138 = arith.constant 0 : i32
      %dma_start3A_139 = tpu.memref_slice %arg7[%scan3A_135, %dma_start3A_137, %dma_start3A_138] : memref<40x128x16xf32, #tpu.memory_space<vmem>> -> memref<1x128x16xf32, #tpu.memory_space<vmem>>
      %dma_start3A_140 = tpu.memref_squeeze %dma_start3A_139 : memref<1x128x16xf32, #tpu.memory_space<vmem>> -> memref<128x16xf32, #tpu.memory_space<vmem>>
      %dma_start3A_141 = arith.constant 0 : i32
      %dma_start3A_142 = arith.constant 0 : i32
      %dma_start3A_143 = tpu.memref_slice %arg6[%scan3A_135, %dma_start3A_141, %dma_start3A_142] : memref<40x2x128xi32, #tpu.memory_space<vmem>> -> memref<1x2x128xi32, #tpu.memory_space<vmem>>
      %dma_start3A_144 = tpu.memref_squeeze %dma_start3A_143 : memref<1x2x128xi32, #tpu.memory_space<vmem>> -> memref<2x128xi32, #tpu.memory_space<vmem>>
      %dma_start3A_145 = arith.constant 0 : i32
      %dma_start3A_146 = tpu.memref_slice %dma_start3A_144[%dma_start3A_136, %dma_start3A_145] : memref<2x128xi32, #tpu.memory_space<vmem>> -> memref<1x128xi32, #tpu.memory_space<vmem>>
      %dma_start3A_147 = tpu.memref_squeeze %dma_start3A_146 : memref<1x128xi32, #tpu.memory_space<vmem>> -> memref<128xi32, #tpu.memory_space<vmem>>
      %dma_start3A_148 = arith.constant 0 : i32
      %dma_start3A_149 = arith.constant 0 : i32
      %dma_start3A_150 = tpu.memref_slice %arg9[%dma_start3A_148, %dma_start3A_149] : memref<10240x16xf32, #tpu.memory_space<vmem_shared>> -> memref<10240x16xf32, #tpu.memory_space<vmem_shared>>
      tpu.enqueue_indirect_dma source(%dma_start3A_140 : memref<128x16xf32, #tpu.memory_space<vmem>>) target(%dma_start3A_150 : memref<10240x16xf32, #tpu.memory_space<vmem_shared>>) offsets(%dma_start3A_147 : memref<128xi32, #tpu.memory_space<vmem>>) semaphore(%arg15 : memref<!tpu.dma_semaphore, #tpu.memory_space<semaphore_mem>>) {add = true}
    }
    %scan3A_99 = arith.constant 10 : i32
    %while3A_100 = arith.constant 0 : i32
    %while3A_101 = arith.constant 30 : i32
    %while3A_102 = arith.subi %select_n3A, %while3A_101 : i32
    %while3A_103 = arith.addi %while3A_101, %while3A_102 : i32
    %while3A_104 = arith.constant 1 : i32
    %while3A_105 = arith.divsi %while3A_102, %while3A_104 : i32
    %while3A_106 = arith.muli %while3A_105, %while3A_104 : i32
    %while3A_107 = arith.addi %while3A_101, %while3A_106 : i32
    %while3A_108 = arith.constant 1 : i32
    scf.for %while3A_135 = %while3A_101 to %while3A_107 step %while3A_108  : i32 {
      %dma_wait3A_136 = arith.constant 0 : i32
      %dma_wait3A_137 = arith.constant 0 : i32
      %dma_wait3A_138 = arith.constant 0 : i32
      %dma_wait3A_139 = tpu.memref_slice %arg7[%while3A_135, %dma_wait3A_137, %dma_wait3A_138] : memref<40x128x16xf32, #tpu.memory_space<vmem>> -> memref<1x128x16xf32, #tpu.memory_space<vmem>>
      %dma_wait3A_140 = tpu.memref_squeeze %dma_wait3A_139 : memref<1x128x16xf32, #tpu.memory_space<vmem>> -> memref<128x16xf32, #tpu.memory_space<vmem>>
      %dma_wait3A_141 = arith.constant 0 : i32
      %dma_wait3A_142 = arith.constant 0 : i32
      %dma_wait3A_143 = tpu.memref_slice %arg6[%while3A_135, %dma_wait3A_141, %dma_wait3A_142] : memref<40x2x128xi32, #tpu.memory_space<vmem>> -> memref<1x2x128xi32, #tpu.memory_space<vmem>>
      %dma_wait3A_144 = tpu.memref_squeeze %dma_wait3A_143 : memref<1x2x128xi32, #tpu.memory_space<vmem>> -> memref<2x128xi32, #tpu.memory_space<vmem>>
      %dma_wait3A_145 = arith.constant 0 : i32
      %dma_wait3A_146 = tpu.memref_slice %dma_wait3A_144[%dma_wait3A_136, %dma_wait3A_145] : memref<2x128xi32, #tpu.memory_space<vmem>> -> memref<1x128xi32, #tpu.memory_space<vmem>>
      %dma_wait3A_147 = tpu.memref_squeeze %dma_wait3A_146 : memref<1x128xi32, #tpu.memory_space<vmem>> -> memref<128xi32, #tpu.memory_space<vmem>>
      %dma_wait3A_148 = arith.constant 0 : i32
      %dma_wait3A_149 = arith.constant 0 : i32
      %dma_wait3A_150 = tpu.memref_slice %arg2[%dma_wait3A_148, %dma_wait3A_149] : memref<10240x16xf32, #tpu.memory_space<hbm>> -> memref<10240x16xf32, #tpu.memory_space<hbm>>
      tpu.wait_indirect_dma semaphore(%arg14 : memref<!tpu.dma_semaphore, #tpu.memory_space<semaphore_mem>>) src(%dma_wait3A_150 : memref<10240x16xf32, #tpu.memory_space<hbm>>) dst(%dma_wait3A_140 : memref<128x16xf32, #tpu.memory_space<vmem>>)
    }
    %while3A_109 = arith.constant 1 : i32
    scf.for %while3A_135 = %while3A_107 to %while3A_103 step %while3A_109  : i32 {
      %dma_wait3A_136 = arith.constant 0 : i32
      %dma_wait3A_137 = arith.constant 0 : i32
      %dma_wait3A_138 = arith.constant 0 : i32
      %dma_wait3A_139 = tpu.memref_slice %arg7[%while3A_135, %dma_wait3A_137, %dma_wait3A_138] : memref<40x128x16xf32, #tpu.memory_space<vmem>> -> memref<1x128x16xf32, #tpu.memory_space<vmem>>
      %dma_wait3A_140 = tpu.memref_squeeze %dma_wait3A_139 : memref<1x128x16xf32, #tpu.memory_space<vmem>> -> memref<128x16xf32, #tpu.memory_space<vmem>>
      %dma_wait3A_141 = arith.constant 0 : i32
      %dma_wait3A_142 = arith.constant 0 : i32
      %dma_wait3A_143 = tpu.memref_slice %arg6[%while3A_135, %dma_wait3A_141, %dma_wait3A_142] : memref<40x2x128xi32, #tpu.memory_space<vmem>> -> memref<1x2x128xi32, #tpu.memory_space<vmem>>
      %dma_wait3A_144 = tpu.memref_squeeze %dma_wait3A_143 : memref<1x2x128xi32, #tpu.memory_space<vmem>> -> memref<2x128xi32, #tpu.memory_space<vmem>>
      %dma_wait3A_145 = arith.constant 0 : i32
      %dma_wait3A_146 = tpu.memref_slice %dma_wait3A_144[%dma_wait3A_136, %dma_wait3A_145] : memref<2x128xi32, #tpu.memory_space<vmem>> -> memref<1x128xi32, #tpu.memory_space<vmem>>
      %dma_wait3A_147 = tpu.memref_squeeze %dma_wait3A_146 : memref<1x128xi32, #tpu.memory_space<vmem>> -> memref<128xi32, #tpu.memory_space<vmem>>
      %dma_wait3A_148 = arith.constant 0 : i32
      %dma_wait3A_149 = arith.constant 0 : i32
      %dma_wait3A_150 = tpu.memref_slice %arg2[%dma_wait3A_148, %dma_wait3A_149] : memref<10240x16xf32, #tpu.memory_space<hbm>> -> memref<10240x16xf32, #tpu.memory_space<hbm>>
      tpu.wait_indirect_dma semaphore(%arg14 : memref<!tpu.dma_semaphore, #tpu.memory_space<semaphore_mem>>) src(%dma_wait3A_150 : memref<10240x16xf32, #tpu.memory_space<hbm>>) dst(%dma_wait3A_140 : memref<128x16xf32, #tpu.memory_space<vmem>>)
    }
    %while3A_110 = arith.constant 0 : i32
    %while3A_111 = arith.constant 30 : i32
    %while3A_112 = arith.subi %select_n3A, %while3A_111 : i32
    %while3A_113 = arith.addi %while3A_111, %while3A_112 : i32
    %while3A_114 = arith.constant 1 : i32
    %while3A_115 = arith.divsi %while3A_112, %while3A_114 : i32
    %while3A_116 = arith.muli %while3A_115, %while3A_114 : i32
    %while3A_117 = arith.addi %while3A_111, %while3A_116 : i32
    %while3A_118 = arith.constant 1 : i32
    scf.for %while3A_135 = %while3A_111 to %while3A_117 step %while3A_118  : i32 {
      %dma_start3A_136 = arith.constant 1 : i32
      %dma_start3A_137 = arith.constant 0 : i32
      %dma_start3A_138 = arith.constant 0 : i32
      %dma_start3A_139 = tpu.memref_slice %arg7[%while3A_135, %dma_start3A_137, %dma_start3A_138] : memref<40x128x16xf32, #tpu.memory_space<vmem>> -> memref<1x128x16xf32, #tpu.memory_space<vmem>>
      %dma_start3A_140 = tpu.memref_squeeze %dma_start3A_139 : memref<1x128x16xf32, #tpu.memory_space<vmem>> -> memref<128x16xf32, #tpu.memory_space<vmem>>
      %dma_start3A_141 = arith.constant 0 : i32
      %dma_start3A_142 = arith.constant 0 : i32
      %dma_start3A_143 = tpu.memref_slice %arg6[%while3A_135, %dma_start3A_141, %dma_start3A_142] : memref<40x2x128xi32, #tpu.memory_space<vmem>> -> memref<1x2x128xi32, #tpu.memory_space<vmem>>
      %dma_start3A_144 = tpu.memref_squeeze %dma_start3A_143 : memref<1x2x128xi32, #tpu.memory_space<vmem>> -> memref<2x128xi32, #tpu.memory_space<vmem>>
      %dma_start3A_145 = arith.constant 0 : i32
      %dma_start3A_146 = tpu.memref_slice %dma_start3A_144[%dma_start3A_136, %dma_start3A_145] : memref<2x128xi32, #tpu.memory_space<vmem>> -> memref<1x128xi32, #tpu.memory_space<vmem>>
      %dma_start3A_147 = tpu.memref_squeeze %dma_start3A_146 : memref<1x128xi32, #tpu.memory_space<vmem>> -> memref<128xi32, #tpu.memory_space<vmem>>
      %dma_start3A_148 = arith.constant 0 : i32
      %dma_start3A_149 = arith.constant 0 : i32
      %dma_start3A_150 = tpu.memref_slice %arg9[%dma_start3A_148, %dma_start3A_149] : memref<10240x16xf32, #tpu.memory_space<vmem_shared>> -> memref<10240x16xf32, #tpu.memory_space<vmem_shared>>
      tpu.enqueue_indirect_dma source(%dma_start3A_140 : memref<128x16xf32, #tpu.memory_space<vmem>>) target(%dma_start3A_150 : memref<10240x16xf32, #tpu.memory_space<vmem_shared>>) offsets(%dma_start3A_147 : memref<128xi32, #tpu.memory_space<vmem>>) semaphore(%arg15 : memref<!tpu.dma_semaphore, #tpu.memory_space<semaphore_mem>>) {add = true}
    }
    %while3A_119 = arith.constant 1 : i32
    scf.for %while3A_135 = %while3A_117 to %while3A_113 step %while3A_119  : i32 {
      %dma_start3A_136 = arith.constant 1 : i32
      %dma_start3A_137 = arith.constant 0 : i32
      %dma_start3A_138 = arith.constant 0 : i32
      %dma_start3A_139 = tpu.memref_slice %arg7[%while3A_135, %dma_start3A_137, %dma_start3A_138] : memref<40x128x16xf32, #tpu.memory_space<vmem>> -> memref<1x128x16xf32, #tpu.memory_space<vmem>>
      %dma_start3A_140 = tpu.memref_squeeze %dma_start3A_139 : memref<1x128x16xf32, #tpu.memory_space<vmem>> -> memref<128x16xf32, #tpu.memory_space<vmem>>
      %dma_start3A_141 = arith.constant 0 : i32
      %dma_start3A_142 = arith.constant 0 : i32
      %dma_start3A_143 = tpu.memref_slice %arg6[%while3A_135, %dma_start3A_141, %dma_start3A_142] : memref<40x2x128xi32, #tpu.memory_space<vmem>> -> memref<1x2x128xi32, #tpu.memory_space<vmem>>
      %dma_start3A_144 = tpu.memref_squeeze %dma_start3A_143 : memref<1x2x128xi32, #tpu.memory_space<vmem>> -> memref<2x128xi32, #tpu.memory_space<vmem>>
      %dma_start3A_145 = arith.constant 0 : i32
      %dma_start3A_146 = tpu.memref_slice %dma_start3A_144[%dma_start3A_136, %dma_start3A_145] : memref<2x128xi32, #tpu.memory_space<vmem>> -> memref<1x128xi32, #tpu.memory_space<vmem>>
      %dma_start3A_147 = tpu.memref_squeeze %dma_start3A_146 : memref<1x128xi32, #tpu.memory_space<vmem>> -> memref<128xi32, #tpu.memory_space<vmem>>
      %dma_start3A_148 = arith.constant 0 : i32
      %dma_start3A_149 = arith.constant 0 : i32
      %dma_start3A_150 = tpu.memref_slice %arg9[%dma_start3A_148, %dma_start3A_149] : memref<10240x16xf32, #tpu.memory_space<vmem_shared>> -> memref<10240x16xf32, #tpu.memory_space<vmem_shared>>
      tpu.enqueue_indirect_dma source(%dma_start3A_140 : memref<128x16xf32, #tpu.memory_space<vmem>>) target(%dma_start3A_150 : memref<10240x16xf32, #tpu.memory_space<vmem_shared>>) offsets(%dma_start3A_147 : memref<128xi32, #tpu.memory_space<vmem>>) semaphore(%arg15 : memref<!tpu.dma_semaphore, #tpu.memory_space<semaphore_mem>>) {add = true}
    }
    %while3A_120 = arith.constant 0 : i32
    %while3A_121 = arith.constant 0 : i32
    %while3A_122 = arith.subi %select_n3A, %while3A_121 : i32
    %while3A_123 = arith.addi %while3A_121, %while3A_122 : i32
    %while3A_124 = arith.constant 1 : i32
    %while3A_125 = arith.divsi %while3A_122, %while3A_124 : i32
    %while3A_126 = arith.muli %while3A_125, %while3A_124 : i32
    %while3A_127 = arith.addi %while3A_121, %while3A_126 : i32
    %while3A_128 = arith.constant 1 : i32
    scf.for %while3A_135 = %while3A_121 to %while3A_127 step %while3A_128  : i32 {
      %dma_wait3A_136 = arith.constant 1 : i32
      %dma_wait3A_137 = arith.constant 0 : i32
      %dma_wait3A_138 = arith.constant 0 : i32
      %dma_wait3A_139 = tpu.memref_slice %arg7[%while3A_135, %dma_wait3A_137, %dma_wait3A_138] : memref<40x128x16xf32, #tpu.memory_space<vmem>> -> memref<1x128x16xf32, #tpu.memory_space<vmem>>
      %dma_wait3A_140 = tpu.memref_squeeze %dma_wait3A_139 : memref<1x128x16xf32, #tpu.memory_space<vmem>> -> memref<128x16xf32, #tpu.memory_space<vmem>>
      %dma_wait3A_141 = arith.constant 0 : i32
      %dma_wait3A_142 = arith.constant 0 : i32
      %dma_wait3A_143 = tpu.memref_slice %arg6[%while3A_135, %dma_wait3A_141, %dma_wait3A_142] : memref<40x2x128xi32, #tpu.memory_space<vmem>> -> memref<1x2x128xi32, #tpu.memory_space<vmem>>
      %dma_wait3A_144 = tpu.memref_squeeze %dma_wait3A_143 : memref<1x2x128xi32, #tpu.memory_space<vmem>> -> memref<2x128xi32, #tpu.memory_space<vmem>>
      %dma_wait3A_145 = arith.constant 0 : i32
      %dma_wait3A_146 = tpu.memref_slice %dma_wait3A_144[%dma_wait3A_136, %dma_wait3A_145] : memref<2x128xi32, #tpu.memory_space<vmem>> -> memref<1x128xi32, #tpu.memory_space<vmem>>
      %dma_wait3A_147 = tpu.memref_squeeze %dma_wait3A_146 : memref<1x128xi32, #tpu.memory_space<vmem>> -> memref<128xi32, #tpu.memory_space<vmem>>
      %dma_wait3A_148 = arith.constant 0 : i32
      %dma_wait3A_149 = arith.constant 0 : i32
      %dma_wait3A_150 = tpu.memref_slice %arg9[%dma_wait3A_148, %dma_wait3A_149] : memref<10240x16xf32, #tpu.memory_space<vmem_shared>> -> memref<10240x16xf32, #tpu.memory_space<vmem_shared>>
      tpu.wait_indirect_dma semaphore(%arg15 : memref<!tpu.dma_semaphore, #tpu.memory_space<semaphore_mem>>) src(%dma_wait3A_140 : memref<128x16xf32, #tpu.memory_space<vmem>>) dst(%dma_wait3A_150 : memref<10240x16xf32, #tpu.memory_space<vmem_shared>>)
    }
    %while3A_129 = arith.constant 1 : i32
    scf.for %while3A_135 = %while3A_127 to %while3A_123 step %while3A_129  : i32 {
      %dma_wait3A_136 = arith.constant 1 : i32
      %dma_wait3A_137 = arith.constant 0 : i32
      %dma_wait3A_138 = arith.constant 0 : i32
      %dma_wait3A_139 = tpu.memref_slice %arg7[%while3A_135, %dma_wait3A_137, %dma_wait3A_138] : memref<40x128x16xf32, #tpu.memory_space<vmem>> -> memref<1x128x16xf32, #tpu.memory_space<vmem>>
      %dma_wait3A_140 = tpu.memref_squeeze %dma_wait3A_139 : memref<1x128x16xf32, #tpu.memory_space<vmem>> -> memref<128x16xf32, #tpu.memory_space<vmem>>
      %dma_wait3A_141 = arith.constant 0 : i32
      %dma_wait3A_142 = arith.constant 0 : i32
      %dma_wait3A_143 = tpu.memref_slice %arg6[%while3A_135, %dma_wait3A_141, %dma_wait3A_142] : memref<40x2x128xi32, #tpu.memory_space<vmem>> -> memref<1x2x128xi32, #tpu.memory_space<vmem>>
      %dma_wait3A_144 = tpu.memref_squeeze %dma_wait3A_143 : memref<1x2x128xi32, #tpu.memory_space<vmem>> -> memref<2x128xi32, #tpu.memory_space<vmem>>
      %dma_wait3A_145 = arith.constant 0 : i32
      %dma_wait3A_146 = tpu.memref_slice %dma_wait3A_144[%dma_wait3A_136, %dma_wait3A_145] : memref<2x128xi32, #tpu.memory_space<vmem>> -> memref<1x128xi32, #tpu.memory_space<vmem>>
      %dma_wait3A_147 = tpu.memref_squeeze %dma_wait3A_146 : memref<1x128xi32, #tpu.memory_space<vmem>> -> memref<128xi32, #tpu.memory_space<vmem>>
      %dma_wait3A_148 = arith.constant 0 : i32
      %dma_wait3A_149 = arith.constant 0 : i32
      %dma_wait3A_150 = tpu.memref_slice %arg9[%dma_wait3A_148, %dma_wait3A_149] : memref<10240x16xf32, #tpu.memory_space<vmem_shared>> -> memref<10240x16xf32, #tpu.memory_space<vmem_shared>>
      tpu.wait_indirect_dma semaphore(%arg15 : memref<!tpu.dma_semaphore, #tpu.memory_space<semaphore_mem>>) src(%dma_wait3A_140 : memref<128x16xf32, #tpu.memory_space<vmem>>) dst(%dma_wait3A_150 : memref<10240x16xf32, #tpu.memory_space<vmem_shared>>)
    }
    %barrier3A_130 = arith.constant 0 : index
    tpu.barrier barrier_id(%barrier3A_130)
    %mul3A_131 = arith.constant 640 : i32
    %mul3A_132 = arith.muli %arg1, %mul3A_131 : i32
    "tpu.region"() ({
      %run_scoped3A = tpu.sem_alloc : memref<!tpu.dma_semaphore, #tpu.memory_space<semaphore_mem>>
      %dma_start3A_135 = arith.constant 0 : i32
      %dma_start3A_136 = tpu.memref_slice %arg9[%mul3A_132, %dma_start3A_135] : memref<10240x16xf32, #tpu.memory_space<vmem_shared>> -> memref<640x16xf32, #tpu.memory_space<vmem_shared>>
      %dma_start3A_137 = arith.constant 0 : i32
      %dma_start3A_138 = tpu.memref_slice %arg9[%mul3A_132, %dma_start3A_137] : memref<10240x16xf32, #tpu.memory_space<vmem_shared>> -> memref<640x16xf32, #tpu.memory_space<vmem_shared>>
      tpu.enqueue_dma source(%dma_start3A_138 : memref<640x16xf32, #tpu.memory_space<vmem_shared>>) target(%arg8 : memref<640x16xf32, #tpu.memory_space<vmem>>) target_semaphore(%run_scoped3A : memref<!tpu.dma_semaphore, #tpu.memory_space<semaphore_mem>>)
      %dma_wait3A_139 = arith.constant 0 : i32
      %dma_wait3A_140 = tpu.memref_slice %arg9[%mul3A_132, %dma_wait3A_139] : memref<10240x16xf32, #tpu.memory_space<vmem_shared>> -> memref<640x16xf32, #tpu.memory_space<vmem_shared>>
      %dma_wait3A_141 = arith.constant 0 : i32
      %dma_wait3A_142 = tpu.memref_slice %arg9[%mul3A_132, %dma_wait3A_141] : memref<10240x16xf32, #tpu.memory_space<vmem_shared>> -> memref<640x16xf32, #tpu.memory_space<vmem_shared>>
      tpu.wait_dma2 semaphore(%run_scoped3A : memref<!tpu.dma_semaphore, #tpu.memory_space<semaphore_mem>>) src(%dma_wait3A_142 : memref<640x16xf32, #tpu.memory_space<vmem_shared>>) dst(%arg8 : memref<640x16xf32, #tpu.memory_space<vmem>>)
      tpu.yield
    }) : () -> ()
    %mul3A_133 = arith.constant 640 : i32
    %mul3A_134 = arith.muli %arg1, %mul3A_133 : i32
    "tpu.region"() ({
      %run_scoped3A = tpu.sem_alloc : memref<!tpu.dma_semaphore, #tpu.memory_space<semaphore_mem>>
      %dma_start3A_135 = arith.constant 0 : i32
      %dma_start3A_136 = arith.constant 0 : i32
      %dma_start3A_137 = tpu.memref_slice %arg5[%arg0, %dma_start3A_135, %dma_start3A_136] : memref<2x10240x16xf32, #tpu.memory_space<hbm>> -> memref<1x10240x16xf32, #tpu.memory_space<hbm>>
      %dma_start3A_138 = tpu.memref_squeeze %dma_start3A_137 : memref<1x10240x16xf32, #tpu.memory_space<hbm>> -> memref<10240x16xf32, #tpu.memory_space<hbm>>
      %dma_start3A_139 = arith.constant 0 : i32
      %dma_start3A_140 = tpu.memref_slice %dma_start3A_138[%mul3A_134, %dma_start3A_139] : memref<10240x16xf32, #tpu.memory_space<hbm>> -> memref<640x16xf32, #tpu.memory_space<hbm>>
      %dma_start3A_141 = arith.constant 0 : i32
      %dma_start3A_142 = arith.constant 0 : i32
      %dma_start3A_143 = tpu.memref_slice %arg5[%arg0, %dma_start3A_141, %dma_start3A_142] : memref<2x10240x16xf32, #tpu.memory_space<hbm>> -> memref<1x10240x16xf32, #tpu.memory_space<hbm>>
      %dma_start3A_144 = tpu.memref_squeeze %dma_start3A_143 : memref<1x10240x16xf32, #tpu.memory_space<hbm>> -> memref<10240x16xf32, #tpu.memory_space<hbm>>
      %dma_start3A_145 = arith.constant 0 : i32
      %dma_start3A_146 = tpu.memref_slice %dma_start3A_144[%mul3A_134, %dma_start3A_145] : memref<10240x16xf32, #tpu.memory_space<hbm>> -> memref<640x16xf32, #tpu.memory_space<hbm>>
      tpu.enqueue_dma source(%arg8 : memref<640x16xf32, #tpu.memory_space<vmem>>) target(%dma_start3A_146 : memref<640x16xf32, #tpu.memory_space<hbm>>) target_semaphore(%run_scoped3A : memref<!tpu.dma_semaphore, #tpu.memory_space<semaphore_mem>>)
      %dma_wait3A_147 = arith.constant 0 : i32
      %dma_wait3A_148 = arith.constant 0 : i32
      %dma_wait3A_149 = tpu.memref_slice %arg5[%arg0, %dma_wait3A_147, %dma_wait3A_148] : memref<2x10240x16xf32, #tpu.memory_space<hbm>> -> memref<1x10240x16xf32, #tpu.memory_space<hbm>>
      %dma_wait3A_150 = tpu.memref_squeeze %dma_wait3A_149 : memref<1x10240x16xf32, #tpu.memory_space<hbm>> -> memref<10240x16xf32, #tpu.memory_space<hbm>>
      %dma_wait3A_151 = arith.constant 0 : i32
      %dma_wait3A_152 = tpu.memref_slice %dma_wait3A_150[%mul3A_134, %dma_wait3A_151] : memref<10240x16xf32, #tpu.memory_space<hbm>> -> memref<640x16xf32, #tpu.memory_space<hbm>>
      %dma_wait3A_153 = arith.constant 0 : i32
      %dma_wait3A_154 = arith.constant 0 : i32
      %dma_wait3A_155 = tpu.memref_slice %arg5[%arg0, %dma_wait3A_153, %dma_wait3A_154] : memref<2x10240x16xf32, #tpu.memory_space<hbm>> -> memref<1x10240x16xf32, #tpu.memory_space<hbm>>
      %dma_wait3A_156 = tpu.memref_squeeze %dma_wait3A_155 : memref<1x10240x16xf32, #tpu.memory_space<hbm>> -> memref<10240x16xf32, #tpu.memory_space<hbm>>
      %dma_wait3A_157 = arith.constant 0 : i32
      %dma_wait3A_158 = tpu.memref_slice %dma_wait3A_156[%mul3A_134, %dma_wait3A_157] : memref<10240x16xf32, #tpu.memory_space<hbm>> -> memref<640x16xf32, #tpu.memory_space<hbm>>
      tpu.wait_dma2 semaphore(%run_scoped3A : memref<!tpu.dma_semaphore, #tpu.memory_space<semaphore_mem>>) src(%arg8 : memref<640x16xf32, #tpu.memory_space<vmem>>) dst(%dma_wait3A_158 : memref<640x16xf32, #tpu.memory_space<hbm>>)
      tpu.yield
    }) : () -> ()
    return
  }
}

#map = affine_map<(d0, d1) -> (0, 0)>
#map1 = affine_map<(d0, d1) -> (0, 0, 0)>
module attributes {stable_mosaic.version = 14 : i64} {
  func.func @_scatter_kernel(%arg0: i32, %arg1: i32, %arg2: memref<10240x16xf32, #tpu.memory_space<hbm>>, %arg3: memref<1250x2x128xi32, #tpu.memory_space<hbm>>, %arg4: memref<10240x16xf32, #tpu.memory_space<hbm>>, %arg5: memref<2x10240x16xf32, #tpu.memory_space<hbm>>, %arg6: memref<40x2x128xi32, #tpu.memory_space<vmem>>, %arg7: memref<40x128x16xf32, #tpu.memory_space<vmem>>, %arg8: memref<640x16xf32, #tpu.memory_space<vmem>>, %arg9: memref<10240x16xf32, #tpu.memory_space<vmem_shared>>, %arg10: memref<!tpu.dma_semaphore, #tpu.memory_space<semaphore_mem>>, %arg11: memref<!tpu.dma_semaphore, #tpu.memory_space<semaphore_mem>>, %arg12: memref<!tpu.dma_semaphore, #tpu.memory_space<semaphore_mem>>, %arg13: memref<!tpu.dma_semaphore, #tpu.memory_space<semaphore_mem>>, %arg14: memref<!tpu.dma_semaphore, #tpu.memory_space<semaphore_mem>>, %arg15: memref<!tpu.dma_semaphore, #tpu.memory_space<semaphore_mem>>) attributes {dimension_semantics = [#tpu.dimension_semantics<core_parallel>, #tpu.dimension_semantics<subcore_parallel>], iteration_bounds = array<i64: 2, 16>, scalar_prefetch = 0 : i64, scratch_operands = 10 : i64, tpu.core_type = #tpu.core_type<sc_vector_subcore>, window_params = [{transform_indices = #map}, {transform_indices = #map1}, {transform_indices = #map}, {transform_indices = #map1}]} {
    %mul3A = arith.constant 2 : i32
    %mul3A_0 = arith.muli %arg1, %mul3A : i32
    %add3A = arith.addi %mul3A_0, %arg0 : i32
    %lt3A = arith.constant 2 : i32
    %lt3A_1 = arith.cmpi slt, %add3A, %lt3A : i32
    %jit3A = arith.constant 40 : i32
    %jit3A_2 = arith.constant 39 : i32
    %select_n3A = arith.select %lt3A_1, %jit3A, %jit3A_2 : i32
    %mul3A_3 = arith.constant 39 : i32
    %mul3A_4 = arith.muli %add3A, %mul3A_3 : i32
    %dma_start3A = arith.constant 0 : i32
    %dma_start3A_5 = arith.constant 0 : i32
    %dma_start3A_6 = arith.constant 0 : i32
    %dma_start3A_7 = tpu.memref_slice %arg6[%dma_start3A, %dma_start3A_5, %dma_start3A_6] : memref<40x2x128xi32, #tpu.memory_space<vmem>> -> memref<39x2x128xi32, #tpu.memory_space<vmem>>
    %dma_start3A_8 = arith.constant 0 : i32
    %dma_start3A_9 = arith.constant 0 : i32
    %dma_start3A_10 = tpu.memref_slice %arg3[%mul3A_4, %dma_start3A_8, %dma_start3A_9] : memref<1250x2x128xi32, #tpu.memory_space<hbm>> -> memref<39x2x128xi32, #tpu.memory_space<hbm>>
    %dma_start3A_11 = arith.constant 0 : i32
    %dma_start3A_12 = arith.constant 0 : i32
    %dma_start3A_13 = arith.constant 0 : i32
    %dma_start3A_14 = tpu.memref_slice %arg6[%dma_start3A_11, %dma_start3A_12, %dma_start3A_13] : memref<40x2x128xi32, #tpu.memory_space<vmem>> -> memref<39x2x128xi32, #tpu.memory_space<vmem>>
    %dma_start3A_15 = arith.constant 0 : i32
    %dma_start3A_16 = arith.constant 0 : i32
    %dma_start3A_17 = tpu.memref_slice %arg3[%mul3A_4, %dma_start3A_15, %dma_start3A_16] : memref<1250x2x128xi32, #tpu.memory_space<hbm>> -> memref<39x2x128xi32, #tpu.memory_space<hbm>>
    tpu.enqueue_dma source(%dma_start3A_17 : memref<39x2x128xi32, #tpu.memory_space<hbm>>) target(%dma_start3A_14 : memref<39x2x128xi32, #tpu.memory_space<vmem>>) target_semaphore(%arg10 : memref<!tpu.dma_semaphore, #tpu.memory_space<semaphore_mem>>)
    %lt3A_18 = arith.constant 2 : i32
    %lt3A_19 = arith.cmpi slt, %add3A, %lt3A_18 : i32
    %convert_element_type3A = arith.extui %lt3A_19 : i1 to i32
    %cond3A = arith.constant 0 : i32
    %cond3A_20 = arith.cmpi ne, %convert_element_type3A, %cond3A : i32
    scf.if %cond3A_20 {
      %add3A_135 = arith.constant 1248 : i32
      %add3A_136 = arith.addi %add3A_135, %add3A : i32
      "tpu.region"() ({
        %run_scoped3A = tpu.sem_alloc : memref<!tpu.dma_semaphore, #tpu.memory_space<semaphore_mem>>
        %dma_start3A_137 = arith.constant 39 : i32
        %dma_start3A_138 = arith.constant 0 : i32
        %dma_start3A_139 = arith.constant 0 : i32
        %dma_start3A_140 = tpu.memref_slice %arg6[%dma_start3A_137, %dma_start3A_138, %dma_start3A_139] : memref<40x2x128xi32, #tpu.memory_space<vmem>> -> memref<1x2x128xi32, #tpu.memory_space<vmem>>
        %dma_start3A_141 = arith.constant 0 : i32
        %dma_start3A_142 = arith.constant 0 : i32
        %dma_start3A_143 = tpu.memref_slice %arg3[%add3A_136, %dma_start3A_141, %dma_start3A_142] : memref<1250x2x128xi32, #tpu.memory_space<hbm>> -> memref<1x2x128xi32, #tpu.memory_space<hbm>>
        %dma_start3A_144 = arith.constant 39 : i32
        %dma_start3A_145 = arith.constant 0 : i32
        %dma_start3A_146 = arith.constant 0 : i32
        %dma_start3A_147 = tpu.memref_slice %arg6[%dma_start3A_144, %dma_start3A_145, %dma_start3A_146] : memref<40x2x128xi32, #tpu.memory_space<vmem>> -> memref<1x2x128xi32, #tpu.memory_space<vmem>>
        %dma_start3A_148 = arith.constant 0 : i32
        %dma_start3A_149 = arith.constant 0 : i32
        %dma_start3A_150 = tpu.memref_slice %arg3[%add3A_136, %dma_start3A_148, %dma_start3A_149] : memref<1250x2x128xi32, #tpu.memory_space<hbm>> -> memref<1x2x128xi32, #tpu.memory_space<hbm>>
        tpu.enqueue_dma source(%dma_start3A_150 : memref<1x2x128xi32, #tpu.memory_space<hbm>>) target(%dma_start3A_147 : memref<1x2x128xi32, #tpu.memory_space<vmem>>) target_semaphore(%run_scoped3A : memref<!tpu.dma_semaphore, #tpu.memory_space<semaphore_mem>>)
        %dma_wait3A_151 = arith.constant 39 : i32
        %dma_wait3A_152 = arith.constant 0 : i32
        %dma_wait3A_153 = arith.constant 0 : i32
        %dma_wait3A_154 = tpu.memref_slice %arg6[%dma_wait3A_151, %dma_wait3A_152, %dma_wait3A_153] : memref<40x2x128xi32, #tpu.memory_space<vmem>> -> memref<1x2x128xi32, #tpu.memory_space<vmem>>
        %dma_wait3A_155 = arith.constant 0 : i32
        %dma_wait3A_156 = arith.constant 0 : i32
        %dma_wait3A_157 = tpu.memref_slice %arg3[%add3A_136, %dma_wait3A_155, %dma_wait3A_156] : memref<1250x2x128xi32, #tpu.memory_space<hbm>> -> memref<1x2x128xi32, #tpu.memory_space<hbm>>
        %dma_wait3A_158 = arith.constant 39 : i32
        %dma_wait3A_159 = arith.constant 0 : i32
        %dma_wait3A_160 = arith.constant 0 : i32
        %dma_wait3A_161 = tpu.memref_slice %arg6[%dma_wait3A_158, %dma_wait3A_159, %dma_wait3A_160] : memref<40x2x128xi32, #tpu.memory_space<vmem>> -> memref<1x2x128xi32, #tpu.memory_space<vmem>>
        %dma_wait3A_162 = arith.constant 0 : i32
        %dma_wait3A_163 = arith.constant 0 : i32
        %dma_wait3A_164 = tpu.memref_slice %arg3[%add3A_136, %dma_wait3A_162, %dma_wait3A_163] : memref<1250x2x128xi32, #tpu.memory_space<hbm>> -> memref<1x2x128xi32, #tpu.memory_space<hbm>>
        tpu.wait_dma2 semaphore(%run_scoped3A : memref<!tpu.dma_semaphore, #tpu.memory_space<semaphore_mem>>) src(%dma_wait3A_164 : memref<1x2x128xi32, #tpu.memory_space<hbm>>) dst(%dma_wait3A_161 : memref<1x2x128xi32, #tpu.memory_space<vmem>>)
        tpu.yield
      }) : () -> ()
    } else {
    }
    %dma_wait3A = arith.constant 0 : i32
    %dma_wait3A_21 = arith.constant 0 : i32
    %dma_wait3A_22 = arith.constant 0 : i32
    %dma_wait3A_23 = tpu.memref_slice %arg6[%dma_wait3A, %dma_wait3A_21, %dma_wait3A_22] : memref<40x2x128xi32, #tpu.memory_space<vmem>> -> memref<39x2x128xi32, #tpu.memory_space<vmem>>
    %dma_wait3A_24 = arith.constant 0 : i32
    %dma_wait3A_25 = arith.constant 0 : i32
    %dma_wait3A_26 = tpu.memref_slice %arg3[%mul3A_4, %dma_wait3A_24, %dma_wait3A_25] : memref<1250x2x128xi32, #tpu.memory_space<hbm>> -> memref<39x2x128xi32, #tpu.memory_space<hbm>>
    %dma_wait3A_27 = arith.constant 0 : i32
    %dma_wait3A_28 = arith.constant 0 : i32
    %dma_wait3A_29 = arith.constant 0 : i32
    %dma_wait3A_30 = tpu.memref_slice %arg6[%dma_wait3A_27, %dma_wait3A_28, %dma_wait3A_29] : memref<40x2x128xi32, #tpu.memory_space<vmem>> -> memref<39x2x128xi32, #tpu.memory_space<vmem>>
    %dma_wait3A_31 = arith.constant 0 : i32
    %dma_wait3A_32 = arith.constant 0 : i32
    %dma_wait3A_33 = tpu.memref_slice %arg3[%mul3A_4, %dma_wait3A_31, %dma_wait3A_32] : memref<1250x2x128xi32, #tpu.memory_space<hbm>> -> memref<39x2x128xi32, #tpu.memory_space<hbm>>
    tpu.wait_dma2 semaphore(%arg10 : memref<!tpu.dma_semaphore, #tpu.memory_space<semaphore_mem>>) src(%dma_wait3A_33 : memref<39x2x128xi32, #tpu.memory_space<hbm>>) dst(%dma_wait3A_30 : memref<39x2x128xi32, #tpu.memory_space<vmem>>)
    %scan3A = arith.constant 0 : i32
    %scan3A_34 = arith.constant 0 : i32
    %scan3A_35 = arith.constant 10 : i32
    %scan3A_36 = arith.addi %scan3A_34, %scan3A_35 : i32
    %scan3A_37 = arith.constant 1 : i32
    scf.for %scan3A_135 = %scan3A_34 to %scan3A_36 step %scan3A_37  : i32 {
      %dma_start3A_136 = arith.constant 0 : i32
      %dma_start3A_137 = arith.constant 0 : i32
      %dma_start3A_138 = arith.constant 0 : i32
      %dma_start3A_139 = tpu.memref_slice %arg7[%scan3A_135, %dma_start3A_137, %dma_start3A_138] : memref<40x128x16xf32, #tpu.memory_space<vmem>> -> memref<1x128x16xf32, #tpu.memory_space<vmem>>
      %dma_start3A_140 = tpu.memref_squeeze %dma_start3A_139 : memref<1x128x16xf32, #tpu.memory_space<vmem>> -> memref<128x16xf32, #tpu.memory_space<vmem>>
      %dma_start3A_141 = arith.constant 0 : i32
      %dma_start3A_142 = arith.constant 0 : i32
      %dma_start3A_143 = tpu.memref_slice %arg6[%scan3A_135, %dma_start3A_141, %dma_start3A_142] : memref<40x2x128xi32, #tpu.memory_space<vmem>> -> memref<1x2x128xi32, #tpu.memory_space<vmem>>
      %dma_start3A_144 = tpu.memref_squeeze %dma_start3A_143 : memref<1x2x128xi32, #tpu.memory_space<vmem>> -> memref<2x128xi32, #tpu.memory_space<vmem>>
      %dma_start3A_145 = arith.constant 0 : i32
      %dma_start3A_146 = tpu.memref_slice %dma_start3A_144[%dma_start3A_136, %dma_start3A_145] : memref<2x128xi32, #tpu.memory_space<vmem>> -> memref<1x128xi32, #tpu.memory_space<vmem>>
      %dma_start3A_147 = tpu.memref_squeeze %dma_start3A_146 : memref<1x128xi32, #tpu.memory_space<vmem>> -> memref<128xi32, #tpu.memory_space<vmem>>
      %dma_start3A_148 = arith.constant 0 : i32
      %dma_start3A_149 = arith.constant 0 : i32
      %dma_start3A_150 = tpu.memref_slice %arg2[%dma_start3A_148, %dma_start3A_149] : memref<10240x16xf32, #tpu.memory_space<hbm>> -> memref<10240x16xf32, #tpu.memory_space<hbm>>
      tpu.enqueue_indirect_dma source(%dma_start3A_150 : memref<10240x16xf32, #tpu.memory_space<hbm>>) target(%dma_start3A_140 : memref<128x16xf32, #tpu.memory_space<vmem>>) offsets(%dma_start3A_147 : memref<128xi32, #tpu.memory_space<vmem>>) semaphore(%arg11 : memref<!tpu.dma_semaphore, #tpu.memory_space<semaphore_mem>>)
    }
    %scan3A_38 = arith.constant 10 : i32
    %scan3A_39 = arith.constant 0 : i32
    %scan3A_40 = arith.constant 10 : i32
    %scan3A_41 = arith.constant 10 : i32
    %scan3A_42 = arith.addi %scan3A_40, %scan3A_41 : i32
    %scan3A_43 = arith.constant 1 : i32
    scf.for %scan3A_135 = %scan3A_40 to %scan3A_42 step %scan3A_43  : i32 {
      %dma_start3A_136 = arith.constant 0 : i32
      %dma_start3A_137 = arith.constant 0 : i32
      %dma_start3A_138 = arith.constant 0 : i32
      %dma_start3A_139 = tpu.memref_slice %arg7[%scan3A_135, %dma_start3A_137, %dma_start3A_138] : memref<40x128x16xf32, #tpu.memory_space<vmem>> -> memref<1x128x16xf32, #tpu.memory_space<vmem>>
      %dma_start3A_140 = tpu.memref_squeeze %dma_start3A_139 : memref<1x128x16xf32, #tpu.memory_space<vmem>> -> memref<128x16xf32, #tpu.memory_space<vmem>>
      %dma_start3A_141 = arith.constant 0 : i32
      %dma_start3A_142 = arith.constant 0 : i32
      %dma_start3A_143 = tpu.memref_slice %arg6[%scan3A_135, %dma_start3A_141, %dma_start3A_142] : memref<40x2x128xi32, #tpu.memory_space<vmem>> -> memref<1x2x128xi32, #tpu.memory_space<vmem>>
      %dma_start3A_144 = tpu.memref_squeeze %dma_start3A_143 : memref<1x2x128xi32, #tpu.memory_space<vmem>> -> memref<2x128xi32, #tpu.memory_space<vmem>>
      %dma_start3A_145 = arith.constant 0 : i32
      %dma_start3A_146 = tpu.memref_slice %dma_start3A_144[%dma_start3A_136, %dma_start3A_145] : memref<2x128xi32, #tpu.memory_space<vmem>> -> memref<1x128xi32, #tpu.memory_space<vmem>>
      %dma_start3A_147 = tpu.memref_squeeze %dma_start3A_146 : memref<1x128xi32, #tpu.memory_space<vmem>> -> memref<128xi32, #tpu.memory_space<vmem>>
      %dma_start3A_148 = arith.constant 0 : i32
      %dma_start3A_149 = arith.constant 0 : i32
      %dma_start3A_150 = tpu.memref_slice %arg2[%dma_start3A_148, %dma_start3A_149] : memref<10240x16xf32, #tpu.memory_space<hbm>> -> memref<10240x16xf32, #tpu.memory_space<hbm>>
      tpu.enqueue_indirect_dma source(%dma_start3A_150 : memref<10240x16xf32, #tpu.memory_space<hbm>>) target(%dma_start3A_140 : memref<128x16xf32, #tpu.memory_space<vmem>>) offsets(%dma_start3A_147 : memref<128xi32, #tpu.memory_space<vmem>>) semaphore(%arg12 : memref<!tpu.dma_semaphore, #tpu.memory_space<semaphore_mem>>)
    }
    %scan3A_44 = arith.constant 10 : i32
    %scan3A_45 = arith.constant 0 : i32
    %scan3A_46 = arith.constant 20 : i32
    %scan3A_47 = arith.constant 10 : i32
    %scan3A_48 = arith.addi %scan3A_46, %scan3A_47 : i32
    %scan3A_49 = arith.constant 1 : i32
    scf.for %scan3A_135 = %scan3A_46 to %scan3A_48 step %scan3A_49  : i32 {
      %dma_start3A_136 = arith.constant 0 : i32
      %dma_start3A_137 = arith.constant 0 : i32
      %dma_start3A_138 = arith.constant 0 : i32
      %dma_start3A_139 = tpu.memref_slice %arg7[%scan3A_135, %dma_start3A_137, %dma_start3A_138] : memref<40x128x16xf32, #tpu.memory_space<vmem>> -> memref<1x128x16xf32, #tpu.memory_space<vmem>>
      %dma_start3A_140 = tpu.memref_squeeze %dma_start3A_139 : memref<1x128x16xf32, #tpu.memory_space<vmem>> -> memref<128x16xf32, #tpu.memory_space<vmem>>
      %dma_start3A_141 = arith.constant 0 : i32
      %dma_start3A_142 = arith.constant 0 : i32
      %dma_start3A_143 = tpu.memref_slice %arg6[%scan3A_135, %dma_start3A_141, %dma_start3A_142] : memref<40x2x128xi32, #tpu.memory_space<vmem>> -> memref<1x2x128xi32, #tpu.memory_space<vmem>>
      %dma_start3A_144 = tpu.memref_squeeze %dma_start3A_143 : memref<1x2x128xi32, #tpu.memory_space<vmem>> -> memref<2x128xi32, #tpu.memory_space<vmem>>
      %dma_start3A_145 = arith.constant 0 : i32
      %dma_start3A_146 = tpu.memref_slice %dma_start3A_144[%dma_start3A_136, %dma_start3A_145] : memref<2x128xi32, #tpu.memory_space<vmem>> -> memref<1x128xi32, #tpu.memory_space<vmem>>
      %dma_start3A_147 = tpu.memref_squeeze %dma_start3A_146 : memref<1x128xi32, #tpu.memory_space<vmem>> -> memref<128xi32, #tpu.memory_space<vmem>>
      %dma_start3A_148 = arith.constant 0 : i32
      %dma_start3A_149 = arith.constant 0 : i32
      %dma_start3A_150 = tpu.memref_slice %arg2[%dma_start3A_148, %dma_start3A_149] : memref<10240x16xf32, #tpu.memory_space<hbm>> -> memref<10240x16xf32, #tpu.memory_space<hbm>>
      tpu.enqueue_indirect_dma source(%dma_start3A_150 : memref<10240x16xf32, #tpu.memory_space<hbm>>) target(%dma_start3A_140 : memref<128x16xf32, #tpu.memory_space<vmem>>) offsets(%dma_start3A_147 : memref<128xi32, #tpu.memory_space<vmem>>) semaphore(%arg13 : memref<!tpu.dma_semaphore, #tpu.memory_space<semaphore_mem>>)
    }
    %scan3A_50 = arith.constant 10 : i32
    %while3A = arith.constant 0 : i32
    %while3A_51 = arith.constant 30 : i32
    %while3A_52 = arith.subi %select_n3A, %while3A_51 : i32
    %while3A_53 = arith.addi %while3A_51, %while3A_52 : i32
    %while3A_54 = arith.constant 1 : i32
    %while3A_55 = arith.divsi %while3A_52, %while3A_54 : i32
    %while3A_56 = arith.muli %while3A_55, %while3A_54 : i32
    %while3A_57 = arith.addi %while3A_51, %while3A_56 : i32
    %while3A_58 = arith.constant 1 : i32
    scf.for %while3A_135 = %while3A_51 to %while3A_57 step %while3A_58  : i32 {
      %dma_start3A_136 = arith.constant 0 : i32
      %dma_start3A_137 = arith.constant 0 : i32
      %dma_start3A_138 = arith.constant 0 : i32
      %dma_start3A_139 = tpu.memref_slice %arg7[%while3A_135, %dma_start3A_137, %dma_start3A_138] : memref<40x128x16xf32, #tpu.memory_space<vmem>> -> memref<1x128x16xf32, #tpu.memory_space<vmem>>
      %dma_start3A_140 = tpu.memref_squeeze %dma_start3A_139 : memref<1x128x16xf32, #tpu.memory_space<vmem>> -> memref<128x16xf32, #tpu.memory_space<vmem>>
      %dma_start3A_141 = arith.constant 0 : i32
      %dma_start3A_142 = arith.constant 0 : i32
      %dma_start3A_143 = tpu.memref_slice %arg6[%while3A_135, %dma_start3A_141, %dma_start3A_142] : memref<40x2x128xi32, #tpu.memory_space<vmem>> -> memref<1x2x128xi32, #tpu.memory_space<vmem>>
      %dma_start3A_144 = tpu.memref_squeeze %dma_start3A_143 : memref<1x2x128xi32, #tpu.memory_space<vmem>> -> memref<2x128xi32, #tpu.memory_space<vmem>>
      %dma_start3A_145 = arith.constant 0 : i32
      %dma_start3A_146 = tpu.memref_slice %dma_start3A_144[%dma_start3A_136, %dma_start3A_145] : memref<2x128xi32, #tpu.memory_space<vmem>> -> memref<1x128xi32, #tpu.memory_space<vmem>>
      %dma_start3A_147 = tpu.memref_squeeze %dma_start3A_146 : memref<1x128xi32, #tpu.memory_space<vmem>> -> memref<128xi32, #tpu.memory_space<vmem>>
      %dma_start3A_148 = arith.constant 0 : i32
      %dma_start3A_149 = arith.constant 0 : i32
      %dma_start3A_150 = tpu.memref_slice %arg2[%dma_start3A_148, %dma_start3A_149] : memref<10240x16xf32, #tpu.memory_space<hbm>> -> memref<10240x16xf32, #tpu.memory_space<hbm>>
      tpu.enqueue_indirect_dma source(%dma_start3A_150 : memref<10240x16xf32, #tpu.memory_space<hbm>>) target(%dma_start3A_140 : memref<128x16xf32, #tpu.memory_space<vmem>>) offsets(%dma_start3A_147 : memref<128xi32, #tpu.memory_space<vmem>>) semaphore(%arg14 : memref<!tpu.dma_semaphore, #tpu.memory_space<semaphore_mem>>)
    }
    %while3A_59 = arith.constant 1 : i32
    scf.for %while3A_135 = %while3A_57 to %while3A_53 step %while3A_59  : i32 {
      %dma_start3A_136 = arith.constant 0 : i32
      %dma_start3A_137 = arith.constant 0 : i32
      %dma_start3A_138 = arith.constant 0 : i32
      %dma_start3A_139 = tpu.memref_slice %arg7[%while3A_135, %dma_start3A_137, %dma_start3A_138] : memref<40x128x16xf32, #tpu.memory_space<vmem>> -> memref<1x128x16xf32, #tpu.memory_space<vmem>>
      %dma_start3A_140 = tpu.memref_squeeze %dma_start3A_139 : memref<1x128x16xf32, #tpu.memory_space<vmem>> -> memref<128x16xf32, #tpu.memory_space<vmem>>
      %dma_start3A_141 = arith.constant 0 : i32
      %dma_start3A_142 = arith.constant 0 : i32
      %dma_start3A_143 = tpu.memref_slice %arg6[%while3A_135, %dma_start3A_141, %dma_start3A_142] : memref<40x2x128xi32, #tpu.memory_space<vmem>> -> memref<1x2x128xi32, #tpu.memory_space<vmem>>
      %dma_start3A_144 = tpu.memref_squeeze %dma_start3A_143 : memref<1x2x128xi32, #tpu.memory_space<vmem>> -> memref<2x128xi32, #tpu.memory_space<vmem>>
      %dma_start3A_145 = arith.constant 0 : i32
      %dma_start3A_146 = tpu.memref_slice %dma_start3A_144[%dma_start3A_136, %dma_start3A_145] : memref<2x128xi32, #tpu.memory_space<vmem>> -> memref<1x128xi32, #tpu.memory_space<vmem>>
      %dma_start3A_147 = tpu.memref_squeeze %dma_start3A_146 : memref<1x128xi32, #tpu.memory_space<vmem>> -> memref<128xi32, #tpu.memory_space<vmem>>
      %dma_start3A_148 = arith.constant 0 : i32
      %dma_start3A_149 = arith.constant 0 : i32
      %dma_start3A_150 = tpu.memref_slice %arg2[%dma_start3A_148, %dma_start3A_149] : memref<10240x16xf32, #tpu.memory_space<hbm>> -> memref<10240x16xf32, #tpu.memory_space<hbm>>
      tpu.enqueue_indirect_dma source(%dma_start3A_150 : memref<10240x16xf32, #tpu.memory_space<hbm>>) target(%dma_start3A_140 : memref<128x16xf32, #tpu.memory_space<vmem>>) offsets(%dma_start3A_147 : memref<128xi32, #tpu.memory_space<vmem>>) semaphore(%arg14 : memref<!tpu.dma_semaphore, #tpu.memory_space<semaphore_mem>>)
    }
    %mul3A_60 = arith.constant 640 : i32
    %mul3A_61 = arith.muli %arg1, %mul3A_60 : i32
    "tpu.region"() ({
      %run_scoped3A = tpu.sem_alloc : memref<!tpu.dma_semaphore, #tpu.memory_space<semaphore_mem>>
      %dma_start3A_135 = arith.constant 0 : i32
      %dma_start3A_136 = tpu.memref_slice %arg4[%mul3A_61, %dma_start3A_135] : memref<10240x16xf32, #tpu.memory_space<hbm>> -> memref<640x16xf32, #tpu.memory_space<hbm>>
      %dma_start3A_137 = arith.constant 0 : i32
      %dma_start3A_138 = tpu.memref_slice %arg4[%mul3A_61, %dma_start3A_137] : memref<10240x16xf32, #tpu.memory_space<hbm>> -> memref<640x16xf32, #tpu.memory_space<hbm>>
      tpu.enqueue_dma source(%dma_start3A_138 : memref<640x16xf32, #tpu.memory_space<hbm>>) target(%arg8 : memref<640x16xf32, #tpu.memory_space<vmem>>) target_semaphore(%run_scoped3A : memref<!tpu.dma_semaphore, #tpu.memory_space<semaphore_mem>>)
      %dma_wait3A_139 = arith.constant 0 : i32
      %dma_wait3A_140 = tpu.memref_slice %arg4[%mul3A_61, %dma_wait3A_139] : memref<10240x16xf32, #tpu.memory_space<hbm>> -> memref<640x16xf32, #tpu.memory_space<hbm>>
      %dma_wait3A_141 = arith.constant 0 : i32
      %dma_wait3A_142 = tpu.memref_slice %arg4[%mul3A_61, %dma_wait3A_141] : memref<10240x16xf32, #tpu.memory_space<hbm>> -> memref<640x16xf32, #tpu.memory_space<hbm>>
      tpu.wait_dma2 semaphore(%run_scoped3A : memref<!tpu.dma_semaphore, #tpu.memory_space<semaphore_mem>>) src(%dma_wait3A_142 : memref<640x16xf32, #tpu.memory_space<hbm>>) dst(%arg8 : memref<640x16xf32, #tpu.memory_space<vmem>>)
      tpu.yield
    }) : () -> ()
    %mul3A_62 = arith.constant 640 : i32
    %mul3A_63 = arith.muli %arg1, %mul3A_62 : i32
    "tpu.region"() ({
      %run_scoped3A = tpu.sem_alloc : memref<!tpu.dma_semaphore, #tpu.memory_space<semaphore_mem>>
      %dma_start3A_135 = arith.constant 0 : i32
      %dma_start3A_136 = tpu.memref_slice %arg9[%mul3A_63, %dma_start3A_135] : memref<10240x16xf32, #tpu.memory_space<vmem_shared>> -> memref<640x16xf32, #tpu.memory_space<vmem_shared>>
      %dma_start3A_137 = arith.constant 0 : i32
      %dma_start3A_138 = tpu.memref_slice %arg9[%mul3A_63, %dma_start3A_137] : memref<10240x16xf32, #tpu.memory_space<vmem_shared>> -> memref<640x16xf32, #tpu.memory_space<vmem_shared>>
      tpu.enqueue_dma source(%arg8 : memref<640x16xf32, #tpu.memory_space<vmem>>) target(%dma_start3A_138 : memref<640x16xf32, #tpu.memory_space<vmem_shared>>) target_semaphore(%run_scoped3A : memref<!tpu.dma_semaphore, #tpu.memory_space<semaphore_mem>>)
      %dma_wait3A_139 = arith.constant 0 : i32
      %dma_wait3A_140 = tpu.memref_slice %arg9[%mul3A_63, %dma_wait3A_139] : memref<10240x16xf32, #tpu.memory_space<vmem_shared>> -> memref<640x16xf32, #tpu.memory_space<vmem_shared>>
      %dma_wait3A_141 = arith.constant 0 : i32
      %dma_wait3A_142 = tpu.memref_slice %arg9[%mul3A_63, %dma_wait3A_141] : memref<10240x16xf32, #tpu.memory_space<vmem_shared>> -> memref<640x16xf32, #tpu.memory_space<vmem_shared>>
      tpu.wait_dma2 semaphore(%run_scoped3A : memref<!tpu.dma_semaphore, #tpu.memory_space<semaphore_mem>>) src(%arg8 : memref<640x16xf32, #tpu.memory_space<vmem>>) dst(%dma_wait3A_142 : memref<640x16xf32, #tpu.memory_space<vmem_shared>>)
      tpu.yield
    }) : () -> ()
    %barrier3A = arith.constant 0 : index
    tpu.barrier barrier_id(%barrier3A)
    %scan3A_64 = arith.constant 0 : i32
    %scan3A_65 = arith.constant 0 : i32
    %scan3A_66 = arith.constant 10 : i32
    %scan3A_67 = arith.addi %scan3A_65, %scan3A_66 : i32
    %scan3A_68 = arith.constant 1 : i32
    scf.for %scan3A_135 = %scan3A_65 to %scan3A_67 step %scan3A_68  : i32 {
      %dma_wait3A_136 = arith.constant 0 : i32
      %dma_wait3A_137 = arith.constant 0 : i32
      %dma_wait3A_138 = arith.constant 0 : i32
      %dma_wait3A_139 = tpu.memref_slice %arg7[%scan3A_135, %dma_wait3A_137, %dma_wait3A_138] : memref<40x128x16xf32, #tpu.memory_space<vmem>> -> memref<1x128x16xf32, #tpu.memory_space<vmem>>
      %dma_wait3A_140 = tpu.memref_squeeze %dma_wait3A_139 : memref<1x128x16xf32, #tpu.memory_space<vmem>> -> memref<128x16xf32, #tpu.memory_space<vmem>>
      %dma_wait3A_141 = arith.constant 0 : i32
      %dma_wait3A_142 = arith.constant 0 : i32
      %dma_wait3A_143 = tpu.memref_slice %arg6[%scan3A_135, %dma_wait3A_141, %dma_wait3A_142] : memref<40x2x128xi32, #tpu.memory_space<vmem>> -> memref<1x2x128xi32, #tpu.memory_space<vmem>>
      %dma_wait3A_144 = tpu.memref_squeeze %dma_wait3A_143 : memref<1x2x128xi32, #tpu.memory_space<vmem>> -> memref<2x128xi32, #tpu.memory_space<vmem>>
      %dma_wait3A_145 = arith.constant 0 : i32
      %dma_wait3A_146 = tpu.memref_slice %dma_wait3A_144[%dma_wait3A_136, %dma_wait3A_145] : memref<2x128xi32, #tpu.memory_space<vmem>> -> memref<1x128xi32, #tpu.memory_space<vmem>>
      %dma_wait3A_147 = tpu.memref_squeeze %dma_wait3A_146 : memref<1x128xi32, #tpu.memory_space<vmem>> -> memref<128xi32, #tpu.memory_space<vmem>>
      %dma_wait3A_148 = arith.constant 0 : i32
      %dma_wait3A_149 = arith.constant 0 : i32
      %dma_wait3A_150 = tpu.memref_slice %arg2[%dma_wait3A_148, %dma_wait3A_149] : memref<10240x16xf32, #tpu.memory_space<hbm>> -> memref<10240x16xf32, #tpu.memory_space<hbm>>
      tpu.wait_indirect_dma semaphore(%arg11 : memref<!tpu.dma_semaphore, #tpu.memory_space<semaphore_mem>>) src(%dma_wait3A_150 : memref<10240x16xf32, #tpu.memory_space<hbm>>) dst(%dma_wait3A_140 : memref<128x16xf32, #tpu.memory_space<vmem>>)
    }
    %scan3A_69 = arith.constant 10 : i32
    %scan3A_70 = arith.constant 0 : i32
    %scan3A_71 = arith.constant 0 : i32
    %scan3A_72 = arith.constant 10 : i32
    %scan3A_73 = arith.addi %scan3A_71, %scan3A_72 : i32
    %scan3A_74 = arith.constant 1 : i32
    scf.for %scan3A_135 = %scan3A_71 to %scan3A_73 step %scan3A_74  : i32 {
      %dma_start3A_136 = arith.constant 1 : i32
      %dma_start3A_137 = arith.constant 0 : i32
      %dma_start3A_138 = arith.constant 0 : i32
      %dma_start3A_139 = tpu.memref_slice %arg7[%scan3A_135, %dma_start3A_137, %dma_start3A_138] : memref<40x128x16xf32, #tpu.memory_space<vmem>> -> memref<1x128x16xf32, #tpu.memory_space<vmem>>
      %dma_start3A_140 = tpu.memref_squeeze %dma_start3A_139 : memref<1x128x16xf32, #tpu.memory_space<vmem>> -> memref<128x16xf32, #tpu.memory_space<vmem>>
      %dma_start3A_141 = arith.constant 0 : i32
      %dma_start3A_142 = arith.constant 0 : i32
      %dma_start3A_143 = tpu.memref_slice %arg6[%scan3A_135, %dma_start3A_141, %dma_start3A_142] : memref<40x2x128xi32, #tpu.memory_space<vmem>> -> memref<1x2x128xi32, #tpu.memory_space<vmem>>
      %dma_start3A_144 = tpu.memref_squeeze %dma_start3A_143 : memref<1x2x128xi32, #tpu.memory_space<vmem>> -> memref<2x128xi32, #tpu.memory_space<vmem>>
      %dma_start3A_145 = arith.constant 0 : i32
      %dma_start3A_146 = tpu.memref_slice %dma_start3A_144[%dma_start3A_136, %dma_start3A_145] : memref<2x128xi32, #tpu.memory_space<vmem>> -> memref<1x128xi32, #tpu.memory_space<vmem>>
      %dma_start3A_147 = tpu.memref_squeeze %dma_start3A_146 : memref<1x128xi32, #tpu.memory_space<vmem>> -> memref<128xi32, #tpu.memory_space<vmem>>
      %dma_start3A_148 = arith.constant 0 : i32
      %dma_start3A_149 = arith.constant 0 : i32
      %dma_start3A_150 = tpu.memref_slice %arg9[%dma_start3A_148, %dma_start3A_149] : memref<10240x16xf32, #tpu.memory_space<vmem_shared>> -> memref<10240x16xf32, #tpu.memory_space<vmem_shared>>
      tpu.enqueue_indirect_dma source(%dma_start3A_140 : memref<128x16xf32, #tpu.memory_space<vmem>>) target(%dma_start3A_150 : memref<10240x16xf32, #tpu.memory_space<vmem_shared>>) offsets(%dma_start3A_147 : memref<128xi32, #tpu.memory_space<vmem>>) semaphore(%arg15 : memref<!tpu.dma_semaphore, #tpu.memory_space<semaphore_mem>>) {add = true}
    }
    %scan3A_75 = arith.constant 10 : i32
    %scan3A_76 = arith.constant 0 : i32
    %scan3A_77 = arith.constant 10 : i32
    %scan3A_78 = arith.constant 10 : i32
    %scan3A_79 = arith.addi %scan3A_77, %scan3A_78 : i32
    %scan3A_80 = arith.constant 1 : i32
    scf.for %scan3A_135 = %scan3A_77 to %scan3A_79 step %scan3A_80  : i32 {
      %dma_wait3A_136 = arith.constant 0 : i32
      %dma_wait3A_137 = arith.constant 0 : i32
      %dma_wait3A_138 = arith.constant 0 : i32
      %dma_wait3A_139 = tpu.memref_slice %arg7[%scan3A_135, %dma_wait3A_137, %dma_wait3A_138] : memref<40x128x16xf32, #tpu.memory_space<vmem>> -> memref<1x128x16xf32, #tpu.memory_space<vmem>>
      %dma_wait3A_140 = tpu.memref_squeeze %dma_wait3A_139 : memref<1x128x16xf32, #tpu.memory_space<vmem>> -> memref<128x16xf32, #tpu.memory_space<vmem>>
      %dma_wait3A_141 = arith.constant 0 : i32
      %dma_wait3A_142 = arith.constant 0 : i32
      %dma_wait3A_143 = tpu.memref_slice %arg6[%scan3A_135, %dma_wait3A_141, %dma_wait3A_142] : memref<40x2x128xi32, #tpu.memory_space<vmem>> -> memref<1x2x128xi32, #tpu.memory_space<vmem>>
      %dma_wait3A_144 = tpu.memref_squeeze %dma_wait3A_143 : memref<1x2x128xi32, #tpu.memory_space<vmem>> -> memref<2x128xi32, #tpu.memory_space<vmem>>
      %dma_wait3A_145 = arith.constant 0 : i32
      %dma_wait3A_146 = tpu.memref_slice %dma_wait3A_144[%dma_wait3A_136, %dma_wait3A_145] : memref<2x128xi32, #tpu.memory_space<vmem>> -> memref<1x128xi32, #tpu.memory_space<vmem>>
      %dma_wait3A_147 = tpu.memref_squeeze %dma_wait3A_146 : memref<1x128xi32, #tpu.memory_space<vmem>> -> memref<128xi32, #tpu.memory_space<vmem>>
      %dma_wait3A_148 = arith.constant 0 : i32
      %dma_wait3A_149 = arith.constant 0 : i32
      %dma_wait3A_150 = tpu.memref_slice %arg2[%dma_wait3A_148, %dma_wait3A_149] : memref<10240x16xf32, #tpu.memory_space<hbm>> -> memref<10240x16xf32, #tpu.memory_space<hbm>>
      tpu.wait_indirect_dma semaphore(%arg12 : memref<!tpu.dma_semaphore, #tpu.memory_space<semaphore_mem>>) src(%dma_wait3A_150 : memref<10240x16xf32, #tpu.memory_space<hbm>>) dst(%dma_wait3A_140 : memref<128x16xf32, #tpu.memory_space<vmem>>)
    }
    %scan3A_81 = arith.constant 10 : i32
    %scan3A_82 = arith.constant 0 : i32
    %scan3A_83 = arith.constant 10 : i32
    %scan3A_84 = arith.constant 10 : i32
    %scan3A_85 = arith.addi %scan3A_83, %scan3A_84 : i32
    %scan3A_86 = arith.constant 1 : i32
    scf.for %scan3A_135 = %scan3A_83 to %scan3A_85 step %scan3A_86  : i32 {
      %dma_start3A_136 = arith.constant 1 : i32
      %dma_start3A_137 = arith.constant 0 : i32
      %dma_start3A_138 = arith.constant 0 : i32
      %dma_start3A_139 = tpu.memref_slice %arg7[%scan3A_135, %dma_start3A_137, %dma_start3A_138] : memref<40x128x16xf32, #tpu.memory_space<vmem>> -> memref<1x128x16xf32, #tpu.memory_space<vmem>>
      %dma_start3A_140 = tpu.memref_squeeze %dma_start3A_139 : memref<1x128x16xf32, #tpu.memory_space<vmem>> -> memref<128x16xf32, #tpu.memory_space<vmem>>
      %dma_start3A_141 = arith.constant 0 : i32
      %dma_start3A_142 = arith.constant 0 : i32
      %dma_start3A_143 = tpu.memref_slice %arg6[%scan3A_135, %dma_start3A_141, %dma_start3A_142] : memref<40x2x128xi32, #tpu.memory_space<vmem>> -> memref<1x2x128xi32, #tpu.memory_space<vmem>>
      %dma_start3A_144 = tpu.memref_squeeze %dma_start3A_143 : memref<1x2x128xi32, #tpu.memory_space<vmem>> -> memref<2x128xi32, #tpu.memory_space<vmem>>
      %dma_start3A_145 = arith.constant 0 : i32
      %dma_start3A_146 = tpu.memref_slice %dma_start3A_144[%dma_start3A_136, %dma_start3A_145] : memref<2x128xi32, #tpu.memory_space<vmem>> -> memref<1x128xi32, #tpu.memory_space<vmem>>
      %dma_start3A_147 = tpu.memref_squeeze %dma_start3A_146 : memref<1x128xi32, #tpu.memory_space<vmem>> -> memref<128xi32, #tpu.memory_space<vmem>>
      %dma_start3A_148 = arith.constant 0 : i32
      %dma_start3A_149 = arith.constant 0 : i32
      %dma_start3A_150 = tpu.memref_slice %arg9[%dma_start3A_148, %dma_start3A_149] : memref<10240x16xf32, #tpu.memory_space<vmem_shared>> -> memref<10240x16xf32, #tpu.memory_space<vmem_shared>>
      tpu.enqueue_indirect_dma source(%dma_start3A_140 : memref<128x16xf32, #tpu.memory_space<vmem>>) target(%dma_start3A_150 : memref<10240x16xf32, #tpu.memory_space<vmem_shared>>) offsets(%dma_start3A_147 : memref<128xi32, #tpu.memory_space<vmem>>) semaphore(%arg15 : memref<!tpu.dma_semaphore, #tpu.memory_space<semaphore_mem>>) {add = true}
    }
    %scan3A_87 = arith.constant 10 : i32
    %scan3A_88 = arith.constant 0 : i32
    %scan3A_89 = arith.constant 20 : i32
    %scan3A_90 = arith.constant 10 : i32
    %scan3A_91 = arith.addi %scan3A_89, %scan3A_90 : i32
    %scan3A_92 = arith.constant 1 : i32
    scf.for %scan3A_135 = %scan3A_89 to %scan3A_91 step %scan3A_92  : i32 {
      %dma_wait3A_136 = arith.constant 0 : i32
      %dma_wait3A_137 = arith.constant 0 : i32
      %dma_wait3A_138 = arith.constant 0 : i32
      %dma_wait3A_139 = tpu.memref_slice %arg7[%scan3A_135, %dma_wait3A_137, %dma_wait3A_138] : memref<40x128x16xf32, #tpu.memory_space<vmem>> -> memref<1x128x16xf32, #tpu.memory_space<vmem>>
      %dma_wait3A_140 = tpu.memref_squeeze %dma_wait3A_139 : memref<1x128x16xf32, #tpu.memory_space<vmem>> -> memref<128x16xf32, #tpu.memory_space<vmem>>
      %dma_wait3A_141 = arith.constant 0 : i32
      %dma_wait3A_142 = arith.constant 0 : i32
      %dma_wait3A_143 = tpu.memref_slice %arg6[%scan3A_135, %dma_wait3A_141, %dma_wait3A_142] : memref<40x2x128xi32, #tpu.memory_space<vmem>> -> memref<1x2x128xi32, #tpu.memory_space<vmem>>
      %dma_wait3A_144 = tpu.memref_squeeze %dma_wait3A_143 : memref<1x2x128xi32, #tpu.memory_space<vmem>> -> memref<2x128xi32, #tpu.memory_space<vmem>>
      %dma_wait3A_145 = arith.constant 0 : i32
      %dma_wait3A_146 = tpu.memref_slice %dma_wait3A_144[%dma_wait3A_136, %dma_wait3A_145] : memref<2x128xi32, #tpu.memory_space<vmem>> -> memref<1x128xi32, #tpu.memory_space<vmem>>
      %dma_wait3A_147 = tpu.memref_squeeze %dma_wait3A_146 : memref<1x128xi32, #tpu.memory_space<vmem>> -> memref<128xi32, #tpu.memory_space<vmem>>
      %dma_wait3A_148 = arith.constant 0 : i32
      %dma_wait3A_149 = arith.constant 0 : i32
      %dma_wait3A_150 = tpu.memref_slice %arg2[%dma_wait3A_148, %dma_wait3A_149] : memref<10240x16xf32, #tpu.memory_space<hbm>> -> memref<10240x16xf32, #tpu.memory_space<hbm>>
      tpu.wait_indirect_dma semaphore(%arg13 : memref<!tpu.dma_semaphore, #tpu.memory_space<semaphore_mem>>) src(%dma_wait3A_150 : memref<10240x16xf32, #tpu.memory_space<hbm>>) dst(%dma_wait3A_140 : memref<128x16xf32, #tpu.memory_space<vmem>>)
    }
    %scan3A_93 = arith.constant 10 : i32
    %scan3A_94 = arith.constant 0 : i32
    %scan3A_95 = arith.constant 20 : i32
    %scan3A_96 = arith.constant 10 : i32
    %scan3A_97 = arith.addi %scan3A_95, %scan3A_96 : i32
    %scan3A_98 = arith.constant 1 : i32
    scf.for %scan3A_135 = %scan3A_95 to %scan3A_97 step %scan3A_98  : i32 {
      %dma_start3A_136 = arith.constant 1 : i32
      %dma_start3A_137 = arith.constant 0 : i32
      %dma_start3A_138 = arith.constant 0 : i32
      %dma_start3A_139 = tpu.memref_slice %arg7[%scan3A_135, %dma_start3A_137, %dma_start3A_138] : memref<40x128x16xf32, #tpu.memory_space<vmem>> -> memref<1x128x16xf32, #tpu.memory_space<vmem>>
      %dma_start3A_140 = tpu.memref_squeeze %dma_start3A_139 : memref<1x128x16xf32, #tpu.memory_space<vmem>> -> memref<128x16xf32, #tpu.memory_space<vmem>>
      %dma_start3A_141 = arith.constant 0 : i32
      %dma_start3A_142 = arith.constant 0 : i32
      %dma_start3A_143 = tpu.memref_slice %arg6[%scan3A_135, %dma_start3A_141, %dma_start3A_142] : memref<40x2x128xi32, #tpu.memory_space<vmem>> -> memref<1x2x128xi32, #tpu.memory_space<vmem>>
      %dma_start3A_144 = tpu.memref_squeeze %dma_start3A_143 : memref<1x2x128xi32, #tpu.memory_space<vmem>> -> memref<2x128xi32, #tpu.memory_space<vmem>>
      %dma_start3A_145 = arith.constant 0 : i32
      %dma_start3A_146 = tpu.memref_slice %dma_start3A_144[%dma_start3A_136, %dma_start3A_145] : memref<2x128xi32, #tpu.memory_space<vmem>> -> memref<1x128xi32, #tpu.memory_space<vmem>>
      %dma_start3A_147 = tpu.memref_squeeze %dma_start3A_146 : memref<1x128xi32, #tpu.memory_space<vmem>> -> memref<128xi32, #tpu.memory_space<vmem>>
      %dma_start3A_148 = arith.constant 0 : i32
      %dma_start3A_149 = arith.constant 0 : i32
      %dma_start3A_150 = tpu.memref_slice %arg9[%dma_start3A_148, %dma_start3A_149] : memref<10240x16xf32, #tpu.memory_space<vmem_shared>> -> memref<10240x16xf32, #tpu.memory_space<vmem_shared>>
      tpu.enqueue_indirect_dma source(%dma_start3A_140 : memref<128x16xf32, #tpu.memory_space<vmem>>) target(%dma_start3A_150 : memref<10240x16xf32, #tpu.memory_space<vmem_shared>>) offsets(%dma_start3A_147 : memref<128xi32, #tpu.memory_space<vmem>>) semaphore(%arg15 : memref<!tpu.dma_semaphore, #tpu.memory_space<semaphore_mem>>) {add = true}
    }
    %scan3A_99 = arith.constant 10 : i32
    %while3A_100 = arith.constant 0 : i32
    %while3A_101 = arith.constant 30 : i32
    %while3A_102 = arith.subi %select_n3A, %while3A_101 : i32
    %while3A_103 = arith.addi %while3A_101, %while3A_102 : i32
    %while3A_104 = arith.constant 1 : i32
    %while3A_105 = arith.divsi %while3A_102, %while3A_104 : i32
    %while3A_106 = arith.muli %while3A_105, %while3A_104 : i32
    %while3A_107 = arith.addi %while3A_101, %while3A_106 : i32
    %while3A_108 = arith.constant 1 : i32
    scf.for %while3A_135 = %while3A_101 to %while3A_107 step %while3A_108  : i32 {
      %dma_wait3A_136 = arith.constant 0 : i32
      %dma_wait3A_137 = arith.constant 0 : i32
      %dma_wait3A_138 = arith.constant 0 : i32
      %dma_wait3A_139 = tpu.memref_slice %arg7[%while3A_135, %dma_wait3A_137, %dma_wait3A_138] : memref<40x128x16xf32, #tpu.memory_space<vmem>> -> memref<1x128x16xf32, #tpu.memory_space<vmem>>
      %dma_wait3A_140 = tpu.memref_squeeze %dma_wait3A_139 : memref<1x128x16xf32, #tpu.memory_space<vmem>> -> memref<128x16xf32, #tpu.memory_space<vmem>>
      %dma_wait3A_141 = arith.constant 0 : i32
      %dma_wait3A_142 = arith.constant 0 : i32
      %dma_wait3A_143 = tpu.memref_slice %arg6[%while3A_135, %dma_wait3A_141, %dma_wait3A_142] : memref<40x2x128xi32, #tpu.memory_space<vmem>> -> memref<1x2x128xi32, #tpu.memory_space<vmem>>
      %dma_wait3A_144 = tpu.memref_squeeze %dma_wait3A_143 : memref<1x2x128xi32, #tpu.memory_space<vmem>> -> memref<2x128xi32, #tpu.memory_space<vmem>>
      %dma_wait3A_145 = arith.constant 0 : i32
      %dma_wait3A_146 = tpu.memref_slice %dma_wait3A_144[%dma_wait3A_136, %dma_wait3A_145] : memref<2x128xi32, #tpu.memory_space<vmem>> -> memref<1x128xi32, #tpu.memory_space<vmem>>
      %dma_wait3A_147 = tpu.memref_squeeze %dma_wait3A_146 : memref<1x128xi32, #tpu.memory_space<vmem>> -> memref<128xi32, #tpu.memory_space<vmem>>
      %dma_wait3A_148 = arith.constant 0 : i32
      %dma_wait3A_149 = arith.constant 0 : i32
      %dma_wait3A_150 = tpu.memref_slice %arg2[%dma_wait3A_148, %dma_wait3A_149] : memref<10240x16xf32, #tpu.memory_space<hbm>> -> memref<10240x16xf32, #tpu.memory_space<hbm>>
      tpu.wait_indirect_dma semaphore(%arg14 : memref<!tpu.dma_semaphore, #tpu.memory_space<semaphore_mem>>) src(%dma_wait3A_150 : memref<10240x16xf32, #tpu.memory_space<hbm>>) dst(%dma_wait3A_140 : memref<128x16xf32, #tpu.memory_space<vmem>>)
    }
    %while3A_109 = arith.constant 1 : i32
    scf.for %while3A_135 = %while3A_107 to %while3A_103 step %while3A_109  : i32 {
      %dma_wait3A_136 = arith.constant 0 : i32
      %dma_wait3A_137 = arith.constant 0 : i32
      %dma_wait3A_138 = arith.constant 0 : i32
      %dma_wait3A_139 = tpu.memref_slice %arg7[%while3A_135, %dma_wait3A_137, %dma_wait3A_138] : memref<40x128x16xf32, #tpu.memory_space<vmem>> -> memref<1x128x16xf32, #tpu.memory_space<vmem>>
      %dma_wait3A_140 = tpu.memref_squeeze %dma_wait3A_139 : memref<1x128x16xf32, #tpu.memory_space<vmem>> -> memref<128x16xf32, #tpu.memory_space<vmem>>
      %dma_wait3A_141 = arith.constant 0 : i32
      %dma_wait3A_142 = arith.constant 0 : i32
      %dma_wait3A_143 = tpu.memref_slice %arg6[%while3A_135, %dma_wait3A_141, %dma_wait3A_142] : memref<40x2x128xi32, #tpu.memory_space<vmem>> -> memref<1x2x128xi32, #tpu.memory_space<vmem>>
      %dma_wait3A_144 = tpu.memref_squeeze %dma_wait3A_143 : memref<1x2x128xi32, #tpu.memory_space<vmem>> -> memref<2x128xi32, #tpu.memory_space<vmem>>
      %dma_wait3A_145 = arith.constant 0 : i32
      %dma_wait3A_146 = tpu.memref_slice %dma_wait3A_144[%dma_wait3A_136, %dma_wait3A_145] : memref<2x128xi32, #tpu.memory_space<vmem>> -> memref<1x128xi32, #tpu.memory_space<vmem>>
      %dma_wait3A_147 = tpu.memref_squeeze %dma_wait3A_146 : memref<1x128xi32, #tpu.memory_space<vmem>> -> memref<128xi32, #tpu.memory_space<vmem>>
      %dma_wait3A_148 = arith.constant 0 : i32
      %dma_wait3A_149 = arith.constant 0 : i32
      %dma_wait3A_150 = tpu.memref_slice %arg2[%dma_wait3A_148, %dma_wait3A_149] : memref<10240x16xf32, #tpu.memory_space<hbm>> -> memref<10240x16xf32, #tpu.memory_space<hbm>>
      tpu.wait_indirect_dma semaphore(%arg14 : memref<!tpu.dma_semaphore, #tpu.memory_space<semaphore_mem>>) src(%dma_wait3A_150 : memref<10240x16xf32, #tpu.memory_space<hbm>>) dst(%dma_wait3A_140 : memref<128x16xf32, #tpu.memory_space<vmem>>)
    }
    %while3A_110 = arith.constant 0 : i32
    %while3A_111 = arith.constant 30 : i32
    %while3A_112 = arith.subi %select_n3A, %while3A_111 : i32
    %while3A_113 = arith.addi %while3A_111, %while3A_112 : i32
    %while3A_114 = arith.constant 1 : i32
    %while3A_115 = arith.divsi %while3A_112, %while3A_114 : i32
    %while3A_116 = arith.muli %while3A_115, %while3A_114 : i32
    %while3A_117 = arith.addi %while3A_111, %while3A_116 : i32
    %while3A_118 = arith.constant 1 : i32
    scf.for %while3A_135 = %while3A_111 to %while3A_117 step %while3A_118  : i32 {
      %dma_start3A_136 = arith.constant 1 : i32
      %dma_start3A_137 = arith.constant 0 : i32
      %dma_start3A_138 = arith.constant 0 : i32
      %dma_start3A_139 = tpu.memref_slice %arg7[%while3A_135, %dma_start3A_137, %dma_start3A_138] : memref<40x128x16xf32, #tpu.memory_space<vmem>> -> memref<1x128x16xf32, #tpu.memory_space<vmem>>
      %dma_start3A_140 = tpu.memref_squeeze %dma_start3A_139 : memref<1x128x16xf32, #tpu.memory_space<vmem>> -> memref<128x16xf32, #tpu.memory_space<vmem>>
      %dma_start3A_141 = arith.constant 0 : i32
      %dma_start3A_142 = arith.constant 0 : i32
      %dma_start3A_143 = tpu.memref_slice %arg6[%while3A_135, %dma_start3A_141, %dma_start3A_142] : memref<40x2x128xi32, #tpu.memory_space<vmem>> -> memref<1x2x128xi32, #tpu.memory_space<vmem>>
      %dma_start3A_144 = tpu.memref_squeeze %dma_start3A_143 : memref<1x2x128xi32, #tpu.memory_space<vmem>> -> memref<2x128xi32, #tpu.memory_space<vmem>>
      %dma_start3A_145 = arith.constant 0 : i32
      %dma_start3A_146 = tpu.memref_slice %dma_start3A_144[%dma_start3A_136, %dma_start3A_145] : memref<2x128xi32, #tpu.memory_space<vmem>> -> memref<1x128xi32, #tpu.memory_space<vmem>>
      %dma_start3A_147 = tpu.memref_squeeze %dma_start3A_146 : memref<1x128xi32, #tpu.memory_space<vmem>> -> memref<128xi32, #tpu.memory_space<vmem>>
      %dma_start3A_148 = arith.constant 0 : i32
      %dma_start3A_149 = arith.constant 0 : i32
      %dma_start3A_150 = tpu.memref_slice %arg9[%dma_start3A_148, %dma_start3A_149] : memref<10240x16xf32, #tpu.memory_space<vmem_shared>> -> memref<10240x16xf32, #tpu.memory_space<vmem_shared>>
      tpu.enqueue_indirect_dma source(%dma_start3A_140 : memref<128x16xf32, #tpu.memory_space<vmem>>) target(%dma_start3A_150 : memref<10240x16xf32, #tpu.memory_space<vmem_shared>>) offsets(%dma_start3A_147 : memref<128xi32, #tpu.memory_space<vmem>>) semaphore(%arg15 : memref<!tpu.dma_semaphore, #tpu.memory_space<semaphore_mem>>) {add = true}
    }
    %while3A_119 = arith.constant 1 : i32
    scf.for %while3A_135 = %while3A_117 to %while3A_113 step %while3A_119  : i32 {
      %dma_start3A_136 = arith.constant 1 : i32
      %dma_start3A_137 = arith.constant 0 : i32
      %dma_start3A_138 = arith.constant 0 : i32
      %dma_start3A_139 = tpu.memref_slice %arg7[%while3A_135, %dma_start3A_137, %dma_start3A_138] : memref<40x128x16xf32, #tpu.memory_space<vmem>> -> memref<1x128x16xf32, #tpu.memory_space<vmem>>
      %dma_start3A_140 = tpu.memref_squeeze %dma_start3A_139 : memref<1x128x16xf32, #tpu.memory_space<vmem>> -> memref<128x16xf32, #tpu.memory_space<vmem>>
      %dma_start3A_141 = arith.constant 0 : i32
      %dma_start3A_142 = arith.constant 0 : i32
      %dma_start3A_143 = tpu.memref_slice %arg6[%while3A_135, %dma_start3A_141, %dma_start3A_142] : memref<40x2x128xi32, #tpu.memory_space<vmem>> -> memref<1x2x128xi32, #tpu.memory_space<vmem>>
      %dma_start3A_144 = tpu.memref_squeeze %dma_start3A_143 : memref<1x2x128xi32, #tpu.memory_space<vmem>> -> memref<2x128xi32, #tpu.memory_space<vmem>>
      %dma_start3A_145 = arith.constant 0 : i32
      %dma_start3A_146 = tpu.memref_slice %dma_start3A_144[%dma_start3A_136, %dma_start3A_145] : memref<2x128xi32, #tpu.memory_space<vmem>> -> memref<1x128xi32, #tpu.memory_space<vmem>>
      %dma_start3A_147 = tpu.memref_squeeze %dma_start3A_146 : memref<1x128xi32, #tpu.memory_space<vmem>> -> memref<128xi32, #tpu.memory_space<vmem>>
      %dma_start3A_148 = arith.constant 0 : i32
      %dma_start3A_149 = arith.constant 0 : i32
      %dma_start3A_150 = tpu.memref_slice %arg9[%dma_start3A_148, %dma_start3A_149] : memref<10240x16xf32, #tpu.memory_space<vmem_shared>> -> memref<10240x16xf32, #tpu.memory_space<vmem_shared>>
      tpu.enqueue_indirect_dma source(%dma_start3A_140 : memref<128x16xf32, #tpu.memory_space<vmem>>) target(%dma_start3A_150 : memref<10240x16xf32, #tpu.memory_space<vmem_shared>>) offsets(%dma_start3A_147 : memref<128xi32, #tpu.memory_space<vmem>>) semaphore(%arg15 : memref<!tpu.dma_semaphore, #tpu.memory_space<semaphore_mem>>) {add = true}
    }
    %while3A_120 = arith.constant 0 : i32
    %while3A_121 = arith.constant 0 : i32
    %while3A_122 = arith.subi %select_n3A, %while3A_121 : i32
    %while3A_123 = arith.addi %while3A_121, %while3A_122 : i32
    %while3A_124 = arith.constant 1 : i32
    %while3A_125 = arith.divsi %while3A_122, %while3A_124 : i32
    %while3A_126 = arith.muli %while3A_125, %while3A_124 : i32
    %while3A_127 = arith.addi %while3A_121, %while3A_126 : i32
    %while3A_128 = arith.constant 1 : i32
    scf.for %while3A_135 = %while3A_121 to %while3A_127 step %while3A_128  : i32 {
      %dma_wait3A_136 = arith.constant 1 : i32
      %dma_wait3A_137 = arith.constant 0 : i32
      %dma_wait3A_138 = arith.constant 0 : i32
      %dma_wait3A_139 = tpu.memref_slice %arg7[%while3A_135, %dma_wait3A_137, %dma_wait3A_138] : memref<40x128x16xf32, #tpu.memory_space<vmem>> -> memref<1x128x16xf32, #tpu.memory_space<vmem>>
      %dma_wait3A_140 = tpu.memref_squeeze %dma_wait3A_139 : memref<1x128x16xf32, #tpu.memory_space<vmem>> -> memref<128x16xf32, #tpu.memory_space<vmem>>
      %dma_wait3A_141 = arith.constant 0 : i32
      %dma_wait3A_142 = arith.constant 0 : i32
      %dma_wait3A_143 = tpu.memref_slice %arg6[%while3A_135, %dma_wait3A_141, %dma_wait3A_142] : memref<40x2x128xi32, #tpu.memory_space<vmem>> -> memref<1x2x128xi32, #tpu.memory_space<vmem>>
      %dma_wait3A_144 = tpu.memref_squeeze %dma_wait3A_143 : memref<1x2x128xi32, #tpu.memory_space<vmem>> -> memref<2x128xi32, #tpu.memory_space<vmem>>
      %dma_wait3A_145 = arith.constant 0 : i32
      %dma_wait3A_146 = tpu.memref_slice %dma_wait3A_144[%dma_wait3A_136, %dma_wait3A_145] : memref<2x128xi32, #tpu.memory_space<vmem>> -> memref<1x128xi32, #tpu.memory_space<vmem>>
      %dma_wait3A_147 = tpu.memref_squeeze %dma_wait3A_146 : memref<1x128xi32, #tpu.memory_space<vmem>> -> memref<128xi32, #tpu.memory_space<vmem>>
      %dma_wait3A_148 = arith.constant 0 : i32
      %dma_wait3A_149 = arith.constant 0 : i32
      %dma_wait3A_150 = tpu.memref_slice %arg9[%dma_wait3A_148, %dma_wait3A_149] : memref<10240x16xf32, #tpu.memory_space<vmem_shared>> -> memref<10240x16xf32, #tpu.memory_space<vmem_shared>>
      tpu.wait_indirect_dma semaphore(%arg15 : memref<!tpu.dma_semaphore, #tpu.memory_space<semaphore_mem>>) src(%dma_wait3A_140 : memref<128x16xf32, #tpu.memory_space<vmem>>) dst(%dma_wait3A_150 : memref<10240x16xf32, #tpu.memory_space<vmem_shared>>)
    }
    %while3A_129 = arith.constant 1 : i32
    scf.for %while3A_135 = %while3A_127 to %while3A_123 step %while3A_129  : i32 {
      %dma_wait3A_136 = arith.constant 1 : i32
      %dma_wait3A_137 = arith.constant 0 : i32
      %dma_wait3A_138 = arith.constant 0 : i32
      %dma_wait3A_139 = tpu.memref_slice %arg7[%while3A_135, %dma_wait3A_137, %dma_wait3A_138] : memref<40x128x16xf32, #tpu.memory_space<vmem>> -> memref<1x128x16xf32, #tpu.memory_space<vmem>>
      %dma_wait3A_140 = tpu.memref_squeeze %dma_wait3A_139 : memref<1x128x16xf32, #tpu.memory_space<vmem>> -> memref<128x16xf32, #tpu.memory_space<vmem>>
      %dma_wait3A_141 = arith.constant 0 : i32
      %dma_wait3A_142 = arith.constant 0 : i32
      %dma_wait3A_143 = tpu.memref_slice %arg6[%while3A_135, %dma_wait3A_141, %dma_wait3A_142] : memref<40x2x128xi32, #tpu.memory_space<vmem>> -> memref<1x2x128xi32, #tpu.memory_space<vmem>>
      %dma_wait3A_144 = tpu.memref_squeeze %dma_wait3A_143 : memref<1x2x128xi32, #tpu.memory_space<vmem>> -> memref<2x128xi32, #tpu.memory_space<vmem>>
      %dma_wait3A_145 = arith.constant 0 : i32
      %dma_wait3A_146 = tpu.memref_slice %dma_wait3A_144[%dma_wait3A_136, %dma_wait3A_145] : memref<2x128xi32, #tpu.memory_space<vmem>> -> memref<1x128xi32, #tpu.memory_space<vmem>>
      %dma_wait3A_147 = tpu.memref_squeeze %dma_wait3A_146 : memref<1x128xi32, #tpu.memory_space<vmem>> -> memref<128xi32, #tpu.memory_space<vmem>>
      %dma_wait3A_148 = arith.constant 0 : i32
      %dma_wait3A_149 = arith.constant 0 : i32
      %dma_wait3A_150 = tpu.memref_slice %arg9[%dma_wait3A_148, %dma_wait3A_149] : memref<10240x16xf32, #tpu.memory_space<vmem_shared>> -> memref<10240x16xf32, #tpu.memory_space<vmem_shared>>
      tpu.wait_indirect_dma semaphore(%arg15 : memref<!tpu.dma_semaphore, #tpu.memory_space<semaphore_mem>>) src(%dma_wait3A_140 : memref<128x16xf32, #tpu.memory_space<vmem>>) dst(%dma_wait3A_150 : memref<10240x16xf32, #tpu.memory_space<vmem_shared>>)
    }
    %barrier3A_130 = arith.constant 0 : index
    tpu.barrier barrier_id(%barrier3A_130)
    %mul3A_131 = arith.constant 640 : i32
    %mul3A_132 = arith.muli %arg1, %mul3A_131 : i32
    "tpu.region"() ({
      %run_scoped3A = tpu.sem_alloc : memref<!tpu.dma_semaphore, #tpu.memory_space<semaphore_mem>>
      %dma_start3A_135 = arith.constant 0 : i32
      %dma_start3A_136 = tpu.memref_slice %arg9[%mul3A_132, %dma_start3A_135] : memref<10240x16xf32, #tpu.memory_space<vmem_shared>> -> memref<640x16xf32, #tpu.memory_space<vmem_shared>>
      %dma_start3A_137 = arith.constant 0 : i32
      %dma_start3A_138 = tpu.memref_slice %arg9[%mul3A_132, %dma_start3A_137] : memref<10240x16xf32, #tpu.memory_space<vmem_shared>> -> memref<640x16xf32, #tpu.memory_space<vmem_shared>>
      tpu.enqueue_dma source(%dma_start3A_138 : memref<640x16xf32, #tpu.memory_space<vmem_shared>>) target(%arg8 : memref<640x16xf32, #tpu.memory_space<vmem>>) target_semaphore(%run_scoped3A : memref<!tpu.dma_semaphore, #tpu.memory_space<semaphore_mem>>)
      %dma_wait3A_139 = arith.constant 0 : i32
      %dma_wait3A_140 = tpu.memref_slice %arg9[%mul3A_132, %dma_wait3A_139] : memref<10240x16xf32, #tpu.memory_space<vmem_shared>> -> memref<640x16xf32, #tpu.memory_space<vmem_shared>>
      %dma_wait3A_141 = arith.constant 0 : i32
      %dma_wait3A_142 = tpu.memref_slice %arg9[%mul3A_132, %dma_wait3A_141] : memref<10240x16xf32, #tpu.memory_space<vmem_shared>> -> memref<640x16xf32, #tpu.memory_space<vmem_shared>>
      tpu.wait_dma2 semaphore(%run_scoped3A : memref<!tpu.dma_semaphore, #tpu.memory_space<semaphore_mem>>) src(%dma_wait3A_142 : memref<640x16xf32, #tpu.memory_space<vmem_shared>>) dst(%arg8 : memref<640x16xf32, #tpu.memory_space<vmem>>)
      tpu.yield
    }) : () -> ()
    %mul3A_133 = arith.constant 640 : i32
    %mul3A_134 = arith.muli %arg1, %mul3A_133 : i32
    "tpu.region"() ({
      %run_scoped3A = tpu.sem_alloc : memref<!tpu.dma_semaphore, #tpu.memory_space<semaphore_mem>>
      %dma_start3A_135 = arith.constant 0 : i32
      %dma_start3A_136 = arith.constant 0 : i32
      %dma_start3A_137 = tpu.memref_slice %arg5[%arg0, %dma_start3A_135, %dma_start3A_136] : memref<2x10240x16xf32, #tpu.memory_space<hbm>> -> memref<1x10240x16xf32, #tpu.memory_space<hbm>>
      %dma_start3A_138 = tpu.memref_squeeze %dma_start3A_137 : memref<1x10240x16xf32, #tpu.memory_space<hbm>> -> memref<10240x16xf32, #tpu.memory_space<hbm>>
      %dma_start3A_139 = arith.constant 0 : i32
      %dma_start3A_140 = tpu.memref_slice %dma_start3A_138[%mul3A_134, %dma_start3A_139] : memref<10240x16xf32, #tpu.memory_space<hbm>> -> memref<640x16xf32, #tpu.memory_space<hbm>>
      %dma_start3A_141 = arith.constant 0 : i32
      %dma_start3A_142 = arith.constant 0 : i32
      %dma_start3A_143 = tpu.memref_slice %arg5[%arg0, %dma_start3A_141, %dma_start3A_142] : memref<2x10240x16xf32, #tpu.memory_space<hbm>> -> memref<1x10240x16xf32, #tpu.memory_space<hbm>>
      %dma_start3A_144 = tpu.memref_squeeze %dma_start3A_143 : memref<1x10240x16xf32, #tpu.memory_space<hbm>> -> memref<10240x16xf32, #tpu.memory_space<hbm>>
      %dma_start3A_145 = arith.constant 0 : i32
      %dma_start3A_146 = tpu.memref_slice %dma_start3A_144[%mul3A_134, %dma_start3A_145] : memref<10240x16xf32, #tpu.memory_space<hbm>> -> memref<640x16xf32, #tpu.memory_space<hbm>>
      tpu.enqueue_dma source(%arg8 : memref<640x16xf32, #tpu.memory_space<vmem>>) target(%dma_start3A_146 : memref<640x16xf32, #tpu.memory_space<hbm>>) target_semaphore(%run_scoped3A : memref<!tpu.dma_semaphore, #tpu.memory_space<semaphore_mem>>)
      %dma_wait3A_147 = arith.constant 0 : i32
      %dma_wait3A_148 = arith.constant 0 : i32
      %dma_wait3A_149 = tpu.memref_slice %arg5[%arg0, %dma_wait3A_147, %dma_wait3A_148] : memref<2x10240x16xf32, #tpu.memory_space<hbm>> -> memref<1x10240x16xf32, #tpu.memory_space<hbm>>
      %dma_wait3A_150 = tpu.memref_squeeze %dma_wait3A_149 : memref<1x10240x16xf32, #tpu.memory_space<hbm>> -> memref<10240x16xf32, #tpu.memory_space<hbm>>
      %dma_wait3A_151 = arith.constant 0 : i32
      %dma_wait3A_152 = tpu.memref_slice %dma_wait3A_150[%mul3A_134, %dma_wait3A_151] : memref<10240x16xf32, #tpu.memory_space<hbm>> -> memref<640x16xf32, #tpu.memory_space<hbm>>
      %dma_wait3A_153 = arith.constant 0 : i32
      %dma_wait3A_154 = arith.constant 0 : i32
      %dma_wait3A_155 = tpu.memref_slice %arg5[%arg0, %dma_wait3A_153, %dma_wait3A_154] : memref<2x10240x16xf32, #tpu.memory_space<hbm>> -> memref<1x10240x16xf32, #tpu.memory_space<hbm>>
      %dma_wait3A_156 = tpu.memref_squeeze %dma_wait3A_155 : memref<1x10240x16xf32, #tpu.memory_space<hbm>> -> memref<10240x16xf32, #tpu.memory_space<hbm>>
      %dma_wait3A_157 = arith.constant 0 : i32
      %dma_wait3A_158 = tpu.memref_slice %dma_wait3A_156[%mul3A_134, %dma_wait3A_157] : memref<10240x16xf32, #tpu.memory_space<hbm>> -> memref<640x16xf32, #tpu.memory_space<hbm>>
      tpu.wait_dma2 semaphore(%run_scoped3A : memref<!tpu.dma_semaphore, #tpu.memory_space<semaphore_mem>>) src(%arg8 : memref<640x16xf32, #tpu.memory_space<vmem>>) dst(%dma_wait3A_158 : memref<640x16xf32, #tpu.memory_space<hbm>>)
      tpu.yield
    }) : () -> ()
    return
  }
}

module attributes {stable_mosaic.version = 14 : i64} {
  func.func @_mm1_body(%arg0: i32, %arg1: memref<256x8x256xf32, #tpu.memory_space<vmem>>, %arg2: memref<256x16xf32, #tpu.memory_space<vmem>>, %arg3: memref<256x128xf32, #tpu.memory_space<vmem>>) attributes {dimension_semantics = [#tpu.dimension_semantics<arbitrary>], iteration_bounds = array<i64: 5>, scalar_prefetch = 0 : i64, scratch_operands = 0 : i64, tpu.core_type = #tpu.core_type<tc>, window_params = [{transform_indices = @transform_0, window_bounds = array<i64: 256, 8, 256>}, {pipeline_mode = #tpu.pipeline_mode<synchronous>, transform_indices = @transform_1, window_bounds = array<i64: 256, 16>}, {transform_indices = @transform_2, window_bounds = array<i64: 256, 128>}]} {
    %get3A = arith.constant 0 : index
    %get3A_0 = arith.constant 0 : index
    %get3A_1 = vector.load %arg2[%get3A, %get3A_0] : memref<256x16xf32, #tpu.memory_space<vmem>>, vector<256x16xf32>
    %get3A_2 = arith.constant 0 : index
    %get3A_3 = arith.constant 0 : index
    %get3A_4 = arith.constant 0 : index
    %get3A_5 = vector.load %arg1[%get3A_2, %get3A_3, %get3A_4] : memref<256x8x256xf32, #tpu.memory_space<vmem>>, vector<256x1x256xf32>
    %get3A_6 = vector.shape_cast %get3A_5 : vector<256x1x256xf32> to vector<256x256xf32>
    %dot_general3A = arith.constant dense<0.000000e+00> : vector<256x16xf32>
    %dot_general3A_7 = tpu.matmul %get3A_6, %get3A_1, %dot_general3A {dimension_numbers = #tpu.dot_dimension_numbers<[1], [0], [0], [1], [0, 0, 1, 1], [], []>, transpose_lhs_hint = false} : vector<256x256xf32>, vector<256x16xf32>, vector<256x16xf32> -> vector<256x16xf32>
    %get3A_8 = arith.constant 0 : index
    %get3A_9 = arith.constant 1 : index
    %get3A_10 = arith.constant 0 : index
    %get3A_11 = vector.load %arg1[%get3A_8, %get3A_9, %get3A_10] : memref<256x8x256xf32, #tpu.memory_space<vmem>>, vector<256x1x256xf32>
    %get3A_12 = vector.shape_cast %get3A_11 : vector<256x1x256xf32> to vector<256x256xf32>
    %dot_general3A_13 = arith.constant dense<0.000000e+00> : vector<256x16xf32>
    %dot_general3A_14 = tpu.matmul %get3A_12, %get3A_1, %dot_general3A_13 {dimension_numbers = #tpu.dot_dimension_numbers<[1], [0], [0], [1], [0, 0, 1, 1], [], []>, transpose_lhs_hint = false} : vector<256x256xf32>, vector<256x16xf32>, vector<256x16xf32> -> vector<256x16xf32>
    %get3A_15 = arith.constant 0 : index
    %get3A_16 = arith.constant 2 : index
    %get3A_17 = arith.constant 0 : index
    %get3A_18 = vector.load %arg1[%get3A_15, %get3A_16, %get3A_17] : memref<256x8x256xf32, #tpu.memory_space<vmem>>, vector<256x1x256xf32>
    %get3A_19 = vector.shape_cast %get3A_18 : vector<256x1x256xf32> to vector<256x256xf32>
    %dot_general3A_20 = arith.constant dense<0.000000e+00> : vector<256x16xf32>
    %dot_general3A_21 = tpu.matmul %get3A_19, %get3A_1, %dot_general3A_20 {dimension_numbers = #tpu.dot_dimension_numbers<[1], [0], [0], [1], [0, 0, 1, 1], [], []>, transpose_lhs_hint = false} : vector<256x256xf32>, vector<256x16xf32>, vector<256x16xf32> -> vector<256x16xf32>
    %get3A_22 = arith.constant 0 : index
    %get3A_23 = arith.constant 3 : index
    %get3A_24 = arith.constant 0 : index
    %get3A_25 = vector.load %arg1[%get3A_22, %get3A_23, %get3A_24] : memref<256x8x256xf32, #tpu.memory_space<vmem>>, vector<256x1x256xf32>
    %get3A_26 = vector.shape_cast %get3A_25 : vector<256x1x256xf32> to vector<256x256xf32>
    %dot_general3A_27 = arith.constant dense<0.000000e+00> : vector<256x16xf32>
    %dot_general3A_28 = tpu.matmul %get3A_26, %get3A_1, %dot_general3A_27 {dimension_numbers = #tpu.dot_dimension_numbers<[1], [0], [0], [1], [0, 0, 1, 1], [], []>, transpose_lhs_hint = false} : vector<256x256xf32>, vector<256x16xf32>, vector<256x16xf32> -> vector<256x16xf32>
    %get3A_29 = arith.constant 0 : index
    %get3A_30 = arith.constant 4 : index
    %get3A_31 = arith.constant 0 : index
    %get3A_32 = vector.load %arg1[%get3A_29, %get3A_30, %get3A_31] : memref<256x8x256xf32, #tpu.memory_space<vmem>>, vector<256x1x256xf32>
    %get3A_33 = vector.shape_cast %get3A_32 : vector<256x1x256xf32> to vector<256x256xf32>
    %dot_general3A_34 = arith.constant dense<0.000000e+00> : vector<256x16xf32>
    %dot_general3A_35 = tpu.matmul %get3A_33, %get3A_1, %dot_general3A_34 {dimension_numbers = #tpu.dot_dimension_numbers<[1], [0], [0], [1], [0, 0, 1, 1], [], []>, transpose_lhs_hint = false} : vector<256x256xf32>, vector<256x16xf32>, vector<256x16xf32> -> vector<256x16xf32>
    %get3A_36 = arith.constant 0 : index
    %get3A_37 = arith.constant 5 : index
    %get3A_38 = arith.constant 0 : index
    %get3A_39 = vector.load %arg1[%get3A_36, %get3A_37, %get3A_38] : memref<256x8x256xf32, #tpu.memory_space<vmem>>, vector<256x1x256xf32>
    %get3A_40 = vector.shape_cast %get3A_39 : vector<256x1x256xf32> to vector<256x256xf32>
    %dot_general3A_41 = arith.constant dense<0.000000e+00> : vector<256x16xf32>
    %dot_general3A_42 = tpu.matmul %get3A_40, %get3A_1, %dot_general3A_41 {dimension_numbers = #tpu.dot_dimension_numbers<[1], [0], [0], [1], [0, 0, 1, 1], [], []>, transpose_lhs_hint = false} : vector<256x256xf32>, vector<256x16xf32>, vector<256x16xf32> -> vector<256x16xf32>
    %get3A_43 = arith.constant 0 : index
    %get3A_44 = arith.constant 6 : index
    %get3A_45 = arith.constant 0 : index
    %get3A_46 = vector.load %arg1[%get3A_43, %get3A_44, %get3A_45] : memref<256x8x256xf32, #tpu.memory_space<vmem>>, vector<256x1x256xf32>
    %get3A_47 = vector.shape_cast %get3A_46 : vector<256x1x256xf32> to vector<256x256xf32>
    %dot_general3A_48 = arith.constant dense<0.000000e+00> : vector<256x16xf32>
    %dot_general3A_49 = tpu.matmul %get3A_47, %get3A_1, %dot_general3A_48 {dimension_numbers = #tpu.dot_dimension_numbers<[1], [0], [0], [1], [0, 0, 1, 1], [], []>, transpose_lhs_hint = false} : vector<256x256xf32>, vector<256x16xf32>, vector<256x16xf32> -> vector<256x16xf32>
    %get3A_50 = arith.constant 0 : index
    %get3A_51 = arith.constant 7 : index
    %get3A_52 = arith.constant 0 : index
    %get3A_53 = vector.load %arg1[%get3A_50, %get3A_51, %get3A_52] : memref<256x8x256xf32, #tpu.memory_space<vmem>>, vector<256x1x256xf32>
    %get3A_54 = vector.shape_cast %get3A_53 : vector<256x1x256xf32> to vector<256x256xf32>
    %dot_general3A_55 = arith.constant dense<0.000000e+00> : vector<256x16xf32>
    %dot_general3A_56 = tpu.matmul %get3A_54, %get3A_1, %dot_general3A_55 {dimension_numbers = #tpu.dot_dimension_numbers<[1], [0], [0], [1], [0, 0, 1, 1], [], []>, transpose_lhs_hint = false} : vector<256x256xf32>, vector<256x16xf32>, vector<256x16xf32> -> vector<256x16xf32>
    %concatenate3A = tpu.concatenate %dot_general3A_7, %dot_general3A_14, %dot_general3A_21, %dot_general3A_28, %dot_general3A_35, %dot_general3A_42, %dot_general3A_49, %dot_general3A_56 in 1 : vector<256x16xf32>, vector<256x16xf32>, vector<256x16xf32>, vector<256x16xf32>, vector<256x16xf32>, vector<256x16xf32>, vector<256x16xf32>, vector<256x16xf32> -> vector<256x128xf32>
    %swap3A = arith.constant 0 : index
    %swap3A_57 = arith.constant 0 : index
    %swap3A_58 = vector.load %arg3[%swap3A, %swap3A_57] : memref<256x128xf32, #tpu.memory_space<vmem>>, vector<256x128xf32>
    tpu.vector_store %arg3[%swap3A, %swap3A_57], %concatenate3A {strides = array<i32>} : memref<256x128xf32, #tpu.memory_space<vmem>>, vector<256x128xf32>,
    return
  }
  func.func @transform_0(%arg0: i32) -> (i32, i32, i32) {
    %c0_i32 = arith.constant 0 : i32
    %c0_i32_0 = arith.constant 0 : i32
    %c0_i32_1 = arith.constant 0 : i32
    return %arg0, %c0_i32, %c0_i32_0 : i32, i32, i32
  }
  func.func @transform_1(%arg0: i32) -> (i32, i32) {
    %c0_i32 = arith.constant 0 : i32
    %c0_i32_0 = arith.constant 0 : i32
    %c0_i32_1 = arith.constant 0 : i32
    return %c0_i32, %c0_i32_0 : i32, i32
  }
  func.func @transform_2(%arg0: i32) -> (i32, i32) {
    %c0_i32 = arith.constant 0 : i32
    %c0_i32_0 = arith.constant 0 : i32
    return %arg0, %c0_i32 : i32, i32
  }
}

module attributes {stable_mosaic.version = 14 : i64} {
  func.func @_ew1_body(%arg0: i32, %arg1: memref<256x128xf32, #tpu.memory_space<vmem>>, %arg2: memref<2x256x128xf32, #tpu.memory_space<vmem>>, %arg3: memref<256x128xf32, #tpu.memory_space<vmem>>) attributes {dimension_semantics = [#tpu.dimension_semantics<arbitrary>], iteration_bounds = array<i64: 5>, scalar_prefetch = 0 : i64, scratch_operands = 0 : i64, tpu.core_type = #tpu.core_type<tc>, window_params = [{transform_indices = @transform_0, window_bounds = array<i64: 256, 128>}, {transform_indices = @transform_1, window_bounds = array<i64: 2, 256, 128>}, {transform_indices = @transform_2, window_bounds = array<i64: 256, 128>}]} {
    %get3A = arith.constant 0 : index
    %get3A_0 = arith.constant 0 : index
    %get3A_1 = arith.constant 0 : index
    %get3A_2 = vector.load %arg2[%get3A, %get3A_0, %get3A_1] : memref<2x256x128xf32, #tpu.memory_space<vmem>>, vector<1x256x128xf32>
    %get3A_3 = vector.shape_cast %get3A_2 : vector<1x256x128xf32> to vector<256x128xf32>
    %get3A_4 = arith.constant 1 : index
    %get3A_5 = arith.constant 0 : index
    %get3A_6 = arith.constant 0 : index
    %get3A_7 = vector.load %arg2[%get3A_4, %get3A_5, %get3A_6] : memref<2x256x128xf32, #tpu.memory_space<vmem>>, vector<1x256x128xf32>
    %get3A_8 = vector.shape_cast %get3A_7 : vector<1x256x128xf32> to vector<256x128xf32>
    %add3A = arith.addf %get3A_3, %get3A_8 : vector<256x128xf32>
    %add3A_9 = arith.constant 1.000000e+00 : f32
    %add3A_10 = vector.broadcast %add3A_9 : f32 to vector<256x128xf32>
    %add3A_11 = arith.addf %add3A, %add3A_10 : vector<256x128xf32>
    %rsqrt3A = math.rsqrt %add3A_11 : vector<256x128xf32>
    %get3A_12 = arith.constant 0 : index
    %get3A_13 = arith.constant 0 : index
    %get3A_14 = vector.load %arg1[%get3A_12, %get3A_13] : memref<256x128xf32, #tpu.memory_space<vmem>>, vector<256x128xf32>
    %mul3A = arith.mulf %rsqrt3A, %get3A_14 : vector<256x128xf32>
    %swap3A = arith.constant 0 : index
    %swap3A_15 = arith.constant 0 : index
    %swap3A_16 = vector.load %arg3[%swap3A, %swap3A_15] : memref<256x128xf32, #tpu.memory_space<vmem>>, vector<256x128xf32>
    tpu.vector_store %arg3[%swap3A, %swap3A_15], %mul3A {strides = array<i32>} : memref<256x128xf32, #tpu.memory_space<vmem>>, vector<256x128xf32>,
    return
  }
  func.func @transform_0(%arg0: i32) -> (i32, i32) {
    %c0_i32 = arith.constant 0 : i32
    %c0_i32_0 = arith.constant 0 : i32
    return %arg0, %c0_i32 : i32, i32
  }
  func.func @transform_1(%arg0: i32) -> (i32, i32, i32) {
    %c0_i32 = arith.constant 0 : i32
    %c0_i32_0 = arith.constant 0 : i32
    %c0_i32_1 = arith.constant 0 : i32
    return %c0_i32, %arg0, %c0_i32_0 : i32, i32, i32
  }
  func.func @transform_2(%arg0: i32) -> (i32, i32) {
    %c0_i32 = arith.constant 0 : i32
    %c0_i32_0 = arith.constant 0 : i32
    return %arg0, %c0_i32 : i32, i32
  }
}

module attributes {stable_mosaic.version = 14 : i64} {
  func.func @_l2_body(%arg0: i32, %arg1: memref<2x256x128xf32, #tpu.memory_space<vmem>>, %arg2: memref<256x128xf32, #tpu.memory_space<vmem>>, %arg3: memref<2x256x128xf32, #tpu.memory_space<vmem>>, %arg4: memref<128x128xf32, #tpu.memory_space<vmem>>, %arg5: memref<1x128xf32, #tpu.memory_space<vmem>>, %arg6: memref<256x128xf32, #tpu.memory_space<vmem>>) attributes {dimension_semantics = [#tpu.dimension_semantics<arbitrary>], iteration_bounds = array<i64: 5>, scalar_prefetch = 0 : i64, scratch_operands = 0 : i64, tpu.core_type = #tpu.core_type<tc>, window_params = [{transform_indices = @transform_0, window_bounds = array<i64: 2, 256, 128>}, {transform_indices = @transform_1, window_bounds = array<i64: 256, 128>}, {transform_indices = @transform_2, window_bounds = array<i64: 2, 256, 128>}, {pipeline_mode = #tpu.pipeline_mode<synchronous>, transform_indices = @transform_3, window_bounds = array<i64: 128, 128>}, {pipeline_mode = #tpu.pipeline_mode<synchronous>, transform_indices = @transform_4, window_bounds = array<i64: 1, 128>}, {transform_indices = @transform_5, window_bounds = array<i64: 256, 128>}]} {
    %get3A = arith.constant 0 : index
    %get3A_0 = arith.constant 0 : index
    %get3A_1 = arith.constant 0 : index
    %get3A_2 = vector.load %arg3[%get3A, %get3A_0, %get3A_1] : memref<2x256x128xf32, #tpu.memory_space<vmem>>, vector<1x256x128xf32>
    %get3A_3 = vector.shape_cast %get3A_2 : vector<1x256x128xf32> to vector<256x128xf32>
    %get3A_4 = arith.constant 1 : index
    %get3A_5 = arith.constant 0 : index
    %get3A_6 = arith.constant 0 : index
    %get3A_7 = vector.load %arg3[%get3A_4, %get3A_5, %get3A_6] : memref<2x256x128xf32, #tpu.memory_space<vmem>>, vector<1x256x128xf32>
    %get3A_8 = vector.shape_cast %get3A_7 : vector<1x256x128xf32> to vector<256x128xf32>
    %add3A = arith.addf %get3A_3, %get3A_8 : vector<256x128xf32>
    %add3A_9 = arith.constant 1.000000e+00 : f32
    %add3A_10 = vector.broadcast %add3A_9 : f32 to vector<256x128xf32>
    %add3A_11 = arith.addf %add3A, %add3A_10 : vector<256x128xf32>
    %rsqrt3A = math.rsqrt %add3A_11 : vector<256x128xf32>
    %get3A_12 = arith.constant 0 : index
    %get3A_13 = arith.constant 0 : index
    %get3A_14 = arith.constant 0 : index
    %get3A_15 = vector.load %arg1[%get3A_12, %get3A_13, %get3A_14] : memref<2x256x128xf32, #tpu.memory_space<vmem>>, vector<1x256x128xf32>
    %get3A_16 = vector.shape_cast %get3A_15 : vector<1x256x128xf32> to vector<256x128xf32>
    %get3A_17 = arith.constant 1 : index
    %get3A_18 = arith.constant 0 : index
    %get3A_19 = arith.constant 0 : index
    %get3A_20 = vector.load %arg1[%get3A_17, %get3A_18, %get3A_19] : memref<2x256x128xf32, #tpu.memory_space<vmem>>, vector<1x256x128xf32>
    %get3A_21 = vector.shape_cast %get3A_20 : vector<1x256x128xf32> to vector<256x128xf32>
    %add3A_22 = arith.addf %get3A_16, %get3A_21 : vector<256x128xf32>
    %get3A_23 = arith.constant 0 : index
    %get3A_24 = arith.constant 0 : index
    %get3A_25 = vector.load %arg2[%get3A_23, %get3A_24] : memref<256x128xf32, #tpu.memory_space<vmem>>, vector<256x128xf32>
    %add3A_26 = arith.addf %add3A_22, %get3A_25 : vector<256x128xf32>
    %mul3A = arith.mulf %rsqrt3A, %add3A_26 : vector<256x128xf32>
    %get3A_27 = arith.constant 0 : index
    %get3A_28 = arith.constant 0 : index
    %get3A_29 = vector.load %arg5[%get3A_27, %get3A_28] : memref<1x128xf32, #tpu.memory_space<vmem>>, vector<1x128xf32>
    %add3A_30 = vector.broadcast %get3A_29 : vector<1x128xf32> to vector<256x128xf32>
    %add3A_31 = arith.addf %mul3A, %add3A_30 : vector<256x128xf32>
    %max3A = arith.constant 0.000000e+00 : f32
    %max3A_32 = vector.broadcast %max3A : f32 to vector<256x128xf32>
    %max3A_33 = arith.maximumf %add3A_31, %max3A_32 : vector<256x128xf32>
    %get3A_34 = arith.constant 0 : index
    %get3A_35 = arith.constant 0 : index
    %get3A_36 = vector.load %arg4[%get3A_34, %get3A_35] : memref<128x128xf32, #tpu.memory_space<vmem>>, vector<128x128xf32>
    %dot_general3A = arith.constant dense<0.000000e+00> : vector<256x128xf32>
    %dot_general3A_37 = tpu.matmul %max3A_33, %get3A_36, %dot_general3A {dimension_numbers = #tpu.dot_dimension_numbers<[1], [0], [0], [1], [0, 0, 1, 1], [], []>, transpose_lhs_hint = false} : vector<256x128xf32>, vector<128x128xf32>, vector<256x128xf32> -> vector<256x128xf32>
    %mul3A_38 = arith.mulf %rsqrt3A, %dot_general3A_37 : vector<256x128xf32>
    %swap3A = arith.constant 0 : index
    %swap3A_39 = arith.constant 0 : index
    %swap3A_40 = vector.load %arg6[%swap3A, %swap3A_39] : memref<256x128xf32, #tpu.memory_space<vmem>>, vector<256x128xf32>
    tpu.vector_store %arg6[%swap3A, %swap3A_39], %mul3A_38 {strides = array<i32>} : memref<256x128xf32, #tpu.memory_space<vmem>>, vector<256x128xf32>,
    return
  }
  func.func @transform_0(%arg0: i32) -> (i32, i32, i32) {
    %c0_i32 = arith.constant 0 : i32
    %c0_i32_0 = arith.constant 0 : i32
    %c0_i32_1 = arith.constant 0 : i32
    return %c0_i32, %arg0, %c0_i32_0 : i32, i32, i32
  }
  func.func @transform_1(%arg0: i32) -> (i32, i32) {
    %c0_i32 = arith.constant 0 : i32
    %c0_i32_0 = arith.constant 0 : i32
    return %arg0, %c0_i32 : i32, i32
  }
  func.func @transform_2(%arg0: i32) -> (i32, i32, i32) {
    %c0_i32 = arith.constant 0 : i32
    %c0_i32_0 = arith.constant 0 : i32
    %c0_i32_1 = arith.constant 0 : i32
    return %c0_i32, %arg0, %c0_i32_0 : i32, i32, i32
  }
  func.func @transform_3(%arg0: i32) -> (i32, i32) {
    %c0_i32 = arith.constant 0 : i32
    %c0_i32_0 = arith.constant 0 : i32
    %c0_i32_1 = arith.constant 0 : i32
    return %c0_i32, %c0_i32_0 : i32, i32
  }
  func.func @transform_4(%arg0: i32) -> (i32, i32) {
    %c0_i32 = arith.constant 0 : i32
    %c0_i32_0 = arith.constant 0 : i32
    %c0_i32_1 = arith.constant 0 : i32
    return %c0_i32, %c0_i32_0 : i32, i32
  }
  func.func @transform_5(%arg0: i32) -> (i32, i32) {
    %c0_i32 = arith.constant 0 : i32
    %c0_i32_0 = arith.constant 0 : i32
    return %arg0, %c0_i32 : i32, i32
  }
}

module attributes {stable_mosaic.version = 14 : i64} {
  func.func @_l3_body(%arg0: i32, %arg1: memref<2x128x128xf32, #tpu.memory_space<vmem>>, %arg2: memref<128x128xf32, #tpu.memory_space<vmem>>, %arg3: memref<2x128x128xf32, #tpu.memory_space<vmem>>, %arg4: memref<16x256xf32, #tpu.memory_space<vmem>>, %arg5: memref<1x128xf32, #tpu.memory_space<vmem>>, %arg6: memref<1x256xf32, #tpu.memory_space<vmem>>, %arg7: memref<128x8x256xf32, #tpu.memory_space<vmem>>) attributes {dimension_semantics = [#tpu.dimension_semantics<arbitrary>], iteration_bounds = array<i64: 10>, scalar_prefetch = 0 : i64, scratch_operands = 0 : i64, tpu.core_type = #tpu.core_type<tc>, window_params = [{transform_indices = @transform_0, window_bounds = array<i64: 2, 128, 128>}, {transform_indices = @transform_1, window_bounds = array<i64: 128, 128>}, {transform_indices = @transform_2, window_bounds = array<i64: 2, 128, 128>}, {pipeline_mode = #tpu.pipeline_mode<synchronous>, transform_indices = @transform_3, window_bounds = array<i64: 16, 256>}, {pipeline_mode = #tpu.pipeline_mode<synchronous>, transform_indices = @transform_4, window_bounds = array<i64: 1, 128>}, {pipeline_mode = #tpu.pipeline_mode<synchronous>, transform_indices = @transform_5, window_bounds = array<i64: 1, 256>}, {transform_indices = @transform_6, window_bounds = array<i64: 128, 8, 256>}]} {
    %get3A = arith.constant 0 : index
    %get3A_0 = arith.constant 0 : index
    %get3A_1 = arith.constant 0 : index
    %get3A_2 = vector.load %arg3[%get3A, %get3A_0, %get3A_1] : memref<2x128x128xf32, #tpu.memory_space<vmem>>, vector<1x128x128xf32>
    %get3A_3 = vector.shape_cast %get3A_2 : vector<1x128x128xf32> to vector<128x128xf32>
    %get3A_4 = arith.constant 1 : index
    %get3A_5 = arith.constant 0 : index
    %get3A_6 = arith.constant 0 : index
    %get3A_7 = vector.load %arg3[%get3A_4, %get3A_5, %get3A_6] : memref<2x128x128xf32, #tpu.memory_space<vmem>>, vector<1x128x128xf32>
    %get3A_8 = vector.shape_cast %get3A_7 : vector<1x128x128xf32> to vector<128x128xf32>
    %add3A = arith.addf %get3A_3, %get3A_8 : vector<128x128xf32>
    %add3A_9 = arith.constant 1.000000e+00 : f32
    %add3A_10 = vector.broadcast %add3A_9 : f32 to vector<128x128xf32>
    %add3A_11 = arith.addf %add3A, %add3A_10 : vector<128x128xf32>
    %rsqrt3A = math.rsqrt %add3A_11 : vector<128x128xf32>
    %get3A_12 = arith.constant 0 : index
    %get3A_13 = arith.constant 0 : index
    %get3A_14 = arith.constant 0 : index
    %get3A_15 = vector.load %arg1[%get3A_12, %get3A_13, %get3A_14] : memref<2x128x128xf32, #tpu.memory_space<vmem>>, vector<1x128x128xf32>
    %get3A_16 = vector.shape_cast %get3A_15 : vector<1x128x128xf32> to vector<128x128xf32>
    %get3A_17 = arith.constant 1 : index
    %get3A_18 = arith.constant 0 : index
    %get3A_19 = arith.constant 0 : index
    %get3A_20 = vector.load %arg1[%get3A_17, %get3A_18, %get3A_19] : memref<2x128x128xf32, #tpu.memory_space<vmem>>, vector<1x128x128xf32>
    %get3A_21 = vector.shape_cast %get3A_20 : vector<1x128x128xf32> to vector<128x128xf32>
    %add3A_22 = arith.addf %get3A_16, %get3A_21 : vector<128x128xf32>
    %get3A_23 = arith.constant 0 : index
    %get3A_24 = arith.constant 0 : index
    %get3A_25 = vector.load %arg2[%get3A_23, %get3A_24] : memref<128x128xf32, #tpu.memory_space<vmem>>, vector<128x128xf32>
    %add3A_26 = arith.addf %add3A_22, %get3A_25 : vector<128x128xf32>
    %mul3A = arith.mulf %rsqrt3A, %add3A_26 : vector<128x128xf32>
    %get3A_27 = arith.constant 0 : index
    %get3A_28 = arith.constant 0 : index
    %get3A_29 = vector.load %arg5[%get3A_27, %get3A_28] : memref<1x128xf32, #tpu.memory_space<vmem>>, vector<1x128xf32>
    %add3A_30 = vector.broadcast %get3A_29 : vector<1x128xf32> to vector<128x128xf32>
    %add3A_31 = arith.addf %mul3A, %add3A_30 : vector<128x128xf32>
    %max3A = arith.constant 0.000000e+00 : f32
    %max3A_32 = vector.broadcast %max3A : f32 to vector<128x128xf32>
    %max3A_33 = arith.maximumf %add3A_31, %max3A_32 : vector<128x128xf32>
    %get3A_34 = arith.constant 0 : index
    %get3A_35 = arith.constant 0 : index
    %get3A_36 = vector.load %arg4[%get3A_34, %get3A_35] : memref<16x256xf32, #tpu.memory_space<vmem>>, vector<16x256xf32>
    %get3A_37 = arith.constant 0 : index
    %get3A_38 = arith.constant 0 : index
    %get3A_39 = vector.load %arg6[%get3A_37, %get3A_38] : memref<1x256xf32, #tpu.memory_space<vmem>>, vector<1x256xf32>
    %slice3A = vector.extract_strided_slice %max3A_33 {offsets = [0, 0], sizes = [128, 16], strides = [1, 1]} : vector<128x128xf32> to vector<128x16xf32>
    %dot_general3A = arith.constant dense<0.000000e+00> : vector<128x256xf32>
    %dot_general3A_40 = tpu.matmul %slice3A, %get3A_36, %dot_general3A {dimension_numbers = #tpu.dot_dimension_numbers<[1], [0], [0], [1], [0, 0, 1, 1], [], []>, transpose_lhs_hint = false} : vector<128x16xf32>, vector<16x256xf32>, vector<128x256xf32> -> vector<128x256xf32>
    %add3A_41 = vector.broadcast %get3A_39 : vector<1x256xf32> to vector<128x256xf32>
    %add3A_42 = arith.addf %dot_general3A_40, %add3A_41 : vector<128x256xf32>
    %logistic3A = arith.negf %add3A_42 : vector<128x256xf32>
    %logistic3A_43 = math.exp %logistic3A : vector<128x256xf32>
    %logistic3A_44 = arith.constant 1.000000e+00 : f32
    %logistic3A_45 = vector.broadcast %logistic3A_44 : f32 to vector<128x256xf32>
    %logistic3A_46 = arith.addf %logistic3A_45, %logistic3A_43 : vector<128x256xf32>
    %logistic3A_47 = arith.divf %logistic3A_45, %logistic3A_46 : vector<128x256xf32>
    %swap3A = arith.constant 0 : index
    %swap3A_48 = arith.constant 0 : index
    %swap3A_49 = arith.constant 0 : index
    %swap3A_50 = vector.load %arg7[%swap3A, %swap3A_48, %swap3A_49] : memref<128x8x256xf32, #tpu.memory_space<vmem>>, vector<128x1x256xf32>
    %swap3A_51 = vector.shape_cast %swap3A_50 : vector<128x1x256xf32> to vector<128x256xf32>
    %swap3A_52 = vector.shape_cast %logistic3A_47 : vector<128x256xf32> to vector<128x1x256xf32>
    tpu.vector_store %arg7[%swap3A, %swap3A_48, %swap3A_49], %swap3A_52 {strides = array<i32>} : memref<128x8x256xf32, #tpu.memory_space<vmem>>, vector<128x1x256xf32>,
    %slice3A_53 = vector.extract_strided_slice %max3A_33 {offsets = [0, 16], sizes = [128, 16], strides = [1, 1]} : vector<128x128xf32> to vector<128x16xf32>
    %dot_general3A_54 = arith.constant dense<0.000000e+00> : vector<128x256xf32>
    %dot_general3A_55 = tpu.matmul %slice3A_53, %get3A_36, %dot_general3A_54 {dimension_numbers = #tpu.dot_dimension_numbers<[1], [0], [0], [1], [0, 0, 1, 1], [], []>, transpose_lhs_hint = false} : vector<128x16xf32>, vector<16x256xf32>, vector<128x256xf32> -> vector<128x256xf32>
    %add3A_56 = vector.broadcast %get3A_39 : vector<1x256xf32> to vector<128x256xf32>
    %add3A_57 = arith.addf %dot_general3A_55, %add3A_56 : vector<128x256xf32>
    %logistic3A_58 = arith.negf %add3A_57 : vector<128x256xf32>
    %logistic3A_59 = math.exp %logistic3A_58 : vector<128x256xf32>
    %logistic3A_60 = arith.constant 1.000000e+00 : f32
    %logistic3A_61 = vector.broadcast %logistic3A_60 : f32 to vector<128x256xf32>
    %logistic3A_62 = arith.addf %logistic3A_61, %logistic3A_59 : vector<128x256xf32>
    %logistic3A_63 = arith.divf %logistic3A_61, %logistic3A_62 : vector<128x256xf32>
    %swap3A_64 = arith.constant 0 : index
    %swap3A_65 = arith.constant 1 : index
    %swap3A_66 = arith.constant 0 : index
    %swap3A_67 = vector.load %arg7[%swap3A_64, %swap3A_65, %swap3A_66] : memref<128x8x256xf32, #tpu.memory_space<vmem>>, vector<128x1x256xf32>
    %swap3A_68 = vector.shape_cast %swap3A_67 : vector<128x1x256xf32> to vector<128x256xf32>
    %swap3A_69 = vector.shape_cast %logistic3A_63 : vector<128x256xf32> to vector<128x1x256xf32>
    tpu.vector_store %arg7[%swap3A_64, %swap3A_65, %swap3A_66], %swap3A_69 {strides = array<i32>} : memref<128x8x256xf32, #tpu.memory_space<vmem>>, vector<128x1x256xf32>,
    %slice3A_70 = vector.extract_strided_slice %max3A_33 {offsets = [0, 32], sizes = [128, 16], strides = [1, 1]} : vector<128x128xf32> to vector<128x16xf32>
    %dot_general3A_71 = arith.constant dense<0.000000e+00> : vector<128x256xf32>
    %dot_general3A_72 = tpu.matmul %slice3A_70, %get3A_36, %dot_general3A_71 {dimension_numbers = #tpu.dot_dimension_numbers<[1], [0], [0], [1], [0, 0, 1, 1], [], []>, transpose_lhs_hint = false} : vector<128x16xf32>, vector<16x256xf32>, vector<128x256xf32> -> vector<128x256xf32>
    %add3A_73 = vector.broadcast %get3A_39 : vector<1x256xf32> to vector<128x256xf32>
    %add3A_74 = arith.addf %dot_general3A_72, %add3A_73 : vector<128x256xf32>
    %logistic3A_75 = arith.negf %add3A_74 : vector<128x256xf32>
    %logistic3A_76 = math.exp %logistic3A_75 : vector<128x256xf32>
    %logistic3A_77 = arith.constant 1.000000e+00 : f32
    %logistic3A_78 = vector.broadcast %logistic3A_77 : f32 to vector<128x256xf32>
    %logistic3A_79 = arith.addf %logistic3A_78, %logistic3A_76 : vector<128x256xf32>
    %logistic3A_80 = arith.divf %logistic3A_78, %logistic3A_79 : vector<128x256xf32>
    %swap3A_81 = arith.constant 0 : index
    %swap3A_82 = arith.constant 2 : index
    %swap3A_83 = arith.constant 0 : index
    %swap3A_84 = vector.load %arg7[%swap3A_81, %swap3A_82, %swap3A_83] : memref<128x8x256xf32, #tpu.memory_space<vmem>>, vector<128x1x256xf32>
    %swap3A_85 = vector.shape_cast %swap3A_84 : vector<128x1x256xf32> to vector<128x256xf32>
    %swap3A_86 = vector.shape_cast %logistic3A_80 : vector<128x256xf32> to vector<128x1x256xf32>
    tpu.vector_store %arg7[%swap3A_81, %swap3A_82, %swap3A_83], %swap3A_86 {strides = array<i32>} : memref<128x8x256xf32, #tpu.memory_space<vmem>>, vector<128x1x256xf32>,
    %slice3A_87 = vector.extract_strided_slice %max3A_33 {offsets = [0, 48], sizes = [128, 16], strides = [1, 1]} : vector<128x128xf32> to vector<128x16xf32>
    %dot_general3A_88 = arith.constant dense<0.000000e+00> : vector<128x256xf32>
    %dot_general3A_89 = tpu.matmul %slice3A_87, %get3A_36, %dot_general3A_88 {dimension_numbers = #tpu.dot_dimension_numbers<[1], [0], [0], [1], [0, 0, 1, 1], [], []>, transpose_lhs_hint = false} : vector<128x16xf32>, vector<16x256xf32>, vector<128x256xf32> -> vector<128x256xf32>
    %add3A_90 = vector.broadcast %get3A_39 : vector<1x256xf32> to vector<128x256xf32>
    %add3A_91 = arith.addf %dot_general3A_89, %add3A_90 : vector<128x256xf32>
    %logistic3A_92 = arith.negf %add3A_91 : vector<128x256xf32>
    %logistic3A_93 = math.exp %logistic3A_92 : vector<128x256xf32>
    %logistic3A_94 = arith.constant 1.000000e+00 : f32
    %logistic3A_95 = vector.broadcast %logistic3A_94 : f32 to vector<128x256xf32>
    %logistic3A_96 = arith.addf %logistic3A_95, %logistic3A_93 : vector<128x256xf32>
    %logistic3A_97 = arith.divf %logistic3A_95, %logistic3A_96 : vector<128x256xf32>
    %swap3A_98 = arith.constant 0 : index
    %swap3A_99 = arith.constant 3 : index
    %swap3A_100 = arith.constant 0 : index
    %swap3A_101 = vector.load %arg7[%swap3A_98, %swap3A_99, %swap3A_100] : memref<128x8x256xf32, #tpu.memory_space<vmem>>, vector<128x1x256xf32>
    %swap3A_102 = vector.shape_cast %swap3A_101 : vector<128x1x256xf32> to vector<128x256xf32>
    %swap3A_103 = vector.shape_cast %logistic3A_97 : vector<128x256xf32> to vector<128x1x256xf32>
    tpu.vector_store %arg7[%swap3A_98, %swap3A_99, %swap3A_100], %swap3A_103 {strides = array<i32>} : memref<128x8x256xf32, #tpu.memory_space<vmem>>, vector<128x1x256xf32>,
    %slice3A_104 = vector.extract_strided_slice %max3A_33 {offsets = [0, 64], sizes = [128, 16], strides = [1, 1]} : vector<128x128xf32> to vector<128x16xf32>
    %dot_general3A_105 = arith.constant dense<0.000000e+00> : vector<128x256xf32>
    %dot_general3A_106 = tpu.matmul %slice3A_104, %get3A_36, %dot_general3A_105 {dimension_numbers = #tpu.dot_dimension_numbers<[1], [0], [0], [1], [0, 0, 1, 1], [], []>, transpose_lhs_hint = false} : vector<128x16xf32>, vector<16x256xf32>, vector<128x256xf32> -> vector<128x256xf32>
    %add3A_107 = vector.broadcast %get3A_39 : vector<1x256xf32> to vector<128x256xf32>
    %add3A_108 = arith.addf %dot_general3A_106, %add3A_107 : vector<128x256xf32>
    %logistic3A_109 = arith.negf %add3A_108 : vector<128x256xf32>
    %logistic3A_110 = math.exp %logistic3A_109 : vector<128x256xf32>
    %logistic3A_111 = arith.constant 1.000000e+00 : f32
    %logistic3A_112 = vector.broadcast %logistic3A_111 : f32 to vector<128x256xf32>
    %logistic3A_113 = arith.addf %logistic3A_112, %logistic3A_110 : vector<128x256xf32>
    %logistic3A_114 = arith.divf %logistic3A_112, %logistic3A_113 : vector<128x256xf32>
    %swap3A_115 = arith.constant 0 : index
    %swap3A_116 = arith.constant 4 : index
    %swap3A_117 = arith.constant 0 : index
    %swap3A_118 = vector.load %arg7[%swap3A_115, %swap3A_116, %swap3A_117] : memref<128x8x256xf32, #tpu.memory_space<vmem>>, vector<128x1x256xf32>
    %swap3A_119 = vector.shape_cast %swap3A_118 : vector<128x1x256xf32> to vector<128x256xf32>
    %swap3A_120 = vector.shape_cast %logistic3A_114 : vector<128x256xf32> to vector<128x1x256xf32>
    tpu.vector_store %arg7[%swap3A_115, %swap3A_116, %swap3A_117], %swap3A_120 {strides = array<i32>} : memref<128x8x256xf32, #tpu.memory_space<vmem>>, vector<128x1x256xf32>,
    %slice3A_121 = vector.extract_strided_slice %max3A_33 {offsets = [0, 80], sizes = [128, 16], strides = [1, 1]} : vector<128x128xf32> to vector<128x16xf32>
    %dot_general3A_122 = arith.constant dense<0.000000e+00> : vector<128x256xf32>
    %dot_general3A_123 = tpu.matmul %slice3A_121, %get3A_36, %dot_general3A_122 {dimension_numbers = #tpu.dot_dimension_numbers<[1], [0], [0], [1], [0, 0, 1, 1], [], []>, transpose_lhs_hint = false} : vector<128x16xf32>, vector<16x256xf32>, vector<128x256xf32> -> vector<128x256xf32>
    %add3A_124 = vector.broadcast %get3A_39 : vector<1x256xf32> to vector<128x256xf32>
    %add3A_125 = arith.addf %dot_general3A_123, %add3A_124 : vector<128x256xf32>
    %logistic3A_126 = arith.negf %add3A_125 : vector<128x256xf32>
    %logistic3A_127 = math.exp %logistic3A_126 : vector<128x256xf32>
    %logistic3A_128 = arith.constant 1.000000e+00 : f32
    %logistic3A_129 = vector.broadcast %logistic3A_128 : f32 to vector<128x256xf32>
    %logistic3A_130 = arith.addf %logistic3A_129, %logistic3A_127 : vector<128x256xf32>
    %logistic3A_131 = arith.divf %logistic3A_129, %logistic3A_130 : vector<128x256xf32>
    %swap3A_132 = arith.constant 0 : index
    %swap3A_133 = arith.constant 5 : index
    %swap3A_134 = arith.constant 0 : index
    %swap3A_135 = vector.load %arg7[%swap3A_132, %swap3A_133, %swap3A_134] : memref<128x8x256xf32, #tpu.memory_space<vmem>>, vector<128x1x256xf32>
    %swap3A_136 = vector.shape_cast %swap3A_135 : vector<128x1x256xf32> to vector<128x256xf32>
    %swap3A_137 = vector.shape_cast %logistic3A_131 : vector<128x256xf32> to vector<128x1x256xf32>
    tpu.vector_store %arg7[%swap3A_132, %swap3A_133, %swap3A_134], %swap3A_137 {strides = array<i32>} : memref<128x8x256xf32, #tpu.memory_space<vmem>>, vector<128x1x256xf32>,
    %slice3A_138 = vector.extract_strided_slice %max3A_33 {offsets = [0, 96], sizes = [128, 16], strides = [1, 1]} : vector<128x128xf32> to vector<128x16xf32>
    %dot_general3A_139 = arith.constant dense<0.000000e+00> : vector<128x256xf32>
    %dot_general3A_140 = tpu.matmul %slice3A_138, %get3A_36, %dot_general3A_139 {dimension_numbers = #tpu.dot_dimension_numbers<[1], [0], [0], [1], [0, 0, 1, 1], [], []>, transpose_lhs_hint = false} : vector<128x16xf32>, vector<16x256xf32>, vector<128x256xf32> -> vector<128x256xf32>
    %add3A_141 = vector.broadcast %get3A_39 : vector<1x256xf32> to vector<128x256xf32>
    %add3A_142 = arith.addf %dot_general3A_140, %add3A_141 : vector<128x256xf32>
    %logistic3A_143 = arith.negf %add3A_142 : vector<128x256xf32>
    %logistic3A_144 = math.exp %logistic3A_143 : vector<128x256xf32>
    %logistic3A_145 = arith.constant 1.000000e+00 : f32
    %logistic3A_146 = vector.broadcast %logistic3A_145 : f32 to vector<128x256xf32>
    %logistic3A_147 = arith.addf %logistic3A_146, %logistic3A_144 : vector<128x256xf32>
    %logistic3A_148 = arith.divf %logistic3A_146, %logistic3A_147 : vector<128x256xf32>
    %swap3A_149 = arith.constant 0 : index
    %swap3A_150 = arith.constant 6 : index
    %swap3A_151 = arith.constant 0 : index
    %swap3A_152 = vector.load %arg7[%swap3A_149, %swap3A_150, %swap3A_151] : memref<128x8x256xf32, #tpu.memory_space<vmem>>, vector<128x1x256xf32>
    %swap3A_153 = vector.shape_cast %swap3A_152 : vector<128x1x256xf32> to vector<128x256xf32>
    %swap3A_154 = vector.shape_cast %logistic3A_148 : vector<128x256xf32> to vector<128x1x256xf32>
    tpu.vector_store %arg7[%swap3A_149, %swap3A_150, %swap3A_151], %swap3A_154 {strides = array<i32>} : memref<128x8x256xf32, #tpu.memory_space<vmem>>, vector<128x1x256xf32>,
    %slice3A_155 = vector.extract_strided_slice %max3A_33 {offsets = [0, 112], sizes = [128, 16], strides = [1, 1]} : vector<128x128xf32> to vector<128x16xf32>
    %dot_general3A_156 = arith.constant dense<0.000000e+00> : vector<128x256xf32>
    %dot_general3A_157 = tpu.matmul %slice3A_155, %get3A_36, %dot_general3A_156 {dimension_numbers = #tpu.dot_dimension_numbers<[1], [0], [0], [1], [0, 0, 1, 1], [], []>, transpose_lhs_hint = false} : vector<128x16xf32>, vector<16x256xf32>, vector<128x256xf32> -> vector<128x256xf32>
    %add3A_158 = vector.broadcast %get3A_39 : vector<1x256xf32> to vector<128x256xf32>
    %add3A_159 = arith.addf %dot_general3A_157, %add3A_158 : vector<128x256xf32>
    %logistic3A_160 = arith.negf %add3A_159 : vector<128x256xf32>
    %logistic3A_161 = math.exp %logistic3A_160 : vector<128x256xf32>
    %logistic3A_162 = arith.constant 1.000000e+00 : f32
    %logistic3A_163 = vector.broadcast %logistic3A_162 : f32 to vector<128x256xf32>
    %logistic3A_164 = arith.addf %logistic3A_163, %logistic3A_161 : vector<128x256xf32>
    %logistic3A_165 = arith.divf %logistic3A_163, %logistic3A_164 : vector<128x256xf32>
    %swap3A_166 = arith.constant 0 : index
    %swap3A_167 = arith.constant 7 : index
    %swap3A_168 = arith.constant 0 : index
    %swap3A_169 = vector.load %arg7[%swap3A_166, %swap3A_167, %swap3A_168] : memref<128x8x256xf32, #tpu.memory_space<vmem>>, vector<128x1x256xf32>
    %swap3A_170 = vector.shape_cast %swap3A_169 : vector<128x1x256xf32> to vector<128x256xf32>
    %swap3A_171 = vector.shape_cast %logistic3A_165 : vector<128x256xf32> to vector<128x1x256xf32>
    tpu.vector_store %arg7[%swap3A_166, %swap3A_167, %swap3A_168], %swap3A_171 {strides = array<i32>} : memref<128x8x256xf32, #tpu.memory_space<vmem>>, vector<128x1x256xf32>,
    return
  }
  func.func @transform_0(%arg0: i32) -> (i32, i32, i32) {
    %c0_i32 = arith.constant 0 : i32
    %c0_i32_0 = arith.constant 0 : i32
    %c0_i32_1 = arith.constant 0 : i32
    return %c0_i32, %arg0, %c0_i32_0 : i32, i32, i32
  }
  func.func @transform_1(%arg0: i32) -> (i32, i32) {
    %c0_i32 = arith.constant 0 : i32
    %c0_i32_0 = arith.constant 0 : i32
    return %arg0, %c0_i32 : i32, i32
  }
  func.func @transform_2(%arg0: i32) -> (i32, i32, i32) {
    %c0_i32 = arith.constant 0 : i32
    %c0_i32_0 = arith.constant 0 : i32
    %c0_i32_1 = arith.constant 0 : i32
    return %c0_i32, %arg0, %c0_i32_0 : i32, i32, i32
  }
  func.func @transform_3(%arg0: i32) -> (i32, i32) {
    %c0_i32 = arith.constant 0 : i32
    %c0_i32_0 = arith.constant 0 : i32
    %c0_i32_1 = arith.constant 0 : i32
    return %c0_i32, %c0_i32_0 : i32, i32
  }
  func.func @transform_4(%arg0: i32) -> (i32, i32) {
    %c0_i32 = arith.constant 0 : i32
    %c0_i32_0 = arith.constant 0 : i32
    %c0_i32_1 = arith.constant 0 : i32
    return %c0_i32, %c0_i32_0 : i32, i32
  }
  func.func @transform_5(%arg0: i32) -> (i32, i32) {
    %c0_i32 = arith.constant 0 : i32
    %c0_i32_0 = arith.constant 0 : i32
    %c0_i32_1 = arith.constant 0 : i32
    return %c0_i32, %c0_i32_0 : i32, i32
  }
  func.func @transform_6(%arg0: i32) -> (i32, i32, i32) {
    %c0_i32 = arith.constant 0 : i32
    %c0_i32_0 = arith.constant 0 : i32
    %c0_i32_1 = arith.constant 0 : i32
    return %arg0, %c0_i32, %c0_i32_0 : i32, i32, i32
  }
}

</mosaic_0001>

<sc_bundles>
// kernel: kernel.12.cloned.1.call-start
scs
__scs_entry_jumppad:
0x0: {  	(pc) =	sbr.rel $0x88, $3  }
0x1: {  	(tag) =	ssettag $0x0;
	lr =	simm.s32 $0x1  }
0x2: {  	[smem:$0x3F99] =	sst lr;
	_ =	strace $0xD0000000  }
0x3: {  	_ = 	snop  }
0x4: {  	_ = 	snop  }
0x5: {  	_ = 	snop  }
0x6: {  	_ = 	snop  }
0x7: {  	_ = 	snop  }
__scs_overlays_trampoline_lowered:
0x8: {  	[smem:$0x3FA8] =	sst s0  }
0x9: {  	[smem:$0x3FA9] =	sst s1  }
0xa: {  	[smem:$0x3FAA] =	sst s2  }
0xb: {  	[smem:$0x3FAB] =	sst s3  }
0xc: {  	[smem:$0x3FAC] =	sst s4  }
0xd: {  	[smem:$0x3FAD] =	sst s5  }
0xe: {  	[smem:$0x3FAE] =	sst s6  }
0xf: {  	[smem:$0x3FAF] =	sst s7  }
0x10: {  	[smem:$0x3FB0] =	sst s8  }
0x11: {  	[smem:$0x3FB1] =	sst s9;
	s0 =	simm.s32 @!p0 $0x0  }
0x12: {  	s1 =	sld [smem:$0x3F97];
	s0 =	simm.s32 @p0 $0x1  }
0x13: {  	[smem:$0x3FB2] =	sst s0;
	s0 =	simm.s32 @!p1 $0x0  }
0x14: {  	s2 =	sld [smem:$0x3F96];
	s0 =	simm.s32 @p1 $0x1  }
0x15: {  	[smem:$0x3FB3] =	sst s0;
	s0 =	simm.s32 @!p2 $0x0  }
0x16: {  	s3 =	sld [smem:$0x3FDB];
	s0 =	simm.s32 @p2 $0x1  }
0x17: {  	s4 =	simm.s32 $0x1BF5;
	[smem:$0x3FB5] =	sst s0  }
0x18: {  	s0 =	sld [smem:$0x3F98];
	_ =	swait.ge [sflag:s4], $0x0  }
0x19: {  	s7 =	sld [smem:$0x3F99]  }
0x1a: {  	s8 =	sadd.s32 $0xFFFFE003, lr  }
0x1b: {  	s9 =	sadd.s32 $0xFFFFFEF7, lr;
	s5 =	simm.s32 $0xFFFFFFFF;
	p2 =	slt.u32 s8, $0xFFFFF086  }
0x1c: {  	p1 =	slt.u32 s9, $0xF7A;
	s5 =	simm.s32 @!p2 $0x0  }
0x1d: {  	s5 =	simm.s32 @p1 $0x1;
	p0 =	seq.s32 s7, s2  }
0x1e: {  	s7 =	smul.u32 @!p0 $0xF7A, s2;
	p2 =	seq.s32 @!p0 s5, $0x0  }
0x1f: {  	s9 =	smul.u32 $0xF7A, s1;
	s8 =	simm.s32 @!p0 $0x1BF5;
	p2 =	por !p2, p0  }
0x20: {  	[sflag:s8] =	ssyncset.s32 @!p0 $0xFFFFF086;
	s6 =	sadd.s32 @!p0 s3, s7;
	s7 =	simm.s32 @!p0 $0x108  }
0x21: {  	s3 =	sadd.s32 s3, s9;
	s6 =	sadd.s32 @!p0 $0x88, s6;
	s7 =	simm.s32 @p2 $0x1082  }
0x22: {  	[simem:s7], [sflag:s8] =	dma.local @!p0 [hbm:s6], $0xF7A  }
0x23: {  	s9 =	sor.u32 $0xD0000000, s2;
	s6 =	simm.s32 $0x108;
	_ =	swait.ge @!p0 [sflag:s8], $0x0  }
0x24: {  	s3 =	sadd.s32 $0x88, s3;
	s6 =	simm.s32 @!p1 $0x1082;
	[sflag:s4] =	ssyncset.s32 $0xFFFFF086  }
0x25: {  	[simem:s6], [sflag:s4] =	dma.local [hbm:s3], $0xF7A  }
0x26: {  	[smem:$0x3F99] =	sst s1;
	(tag) =	ssettag s2;
	_ =	strace s9  }
0x27: {  	s1 =	sld [smem:$0x3FA9]  }
0x28: {  	s2 =	sld [smem:$0x3FAA]  }
0x29: {  	s4 =	sld [smem:$0x3FAC]  }
0x2a: {  	p0 =	seq.s32 s5, $0x0;
	s5 =	sld [smem:$0x3FAD]  }
0x2b: {  	s6 =	sld [smem:$0x3FAE]  }
0x2c: {  	s7 =	sld [smem:$0x3FAF]  }
0x2d: {  	s3 =	simm.s32 $0x108;
	s8 =	sld [smem:$0x3FB0]  }
0x2e: {  	s3 =	simm.s32 @!p0 $0x1082;
	s9 =	sld [smem:$0x3FB1]  }
0x2f: {  	lr =	sadd.s32 s0, s3;
	s0 =	sld [smem:$0x3FA8]  }
0x30: {  	s3 =	sld [smem:$0x3FAB]  }
0x31: {  	[smem:$0x3FB4] =	sst s10  }
0x32: {  	s10 =	sld [smem:$0x3FB2];
	_ =	sdelay $0x3  }
0x33: {  	p0 =	seq.s32 s10, $0x1;
	s10 =	sld [smem:$0x3FB4];
	_ =	sdelay $0x3  }
0x34: {  	[smem:$0x3FB4] =	sst s10  }
0x35: {  	s10 =	sld [smem:$0x3FB3];
	_ =	sdelay $0x3  }
0x36: {  	p1 =	seq.s32 s10, $0x1;
	s10 =	sld [smem:$0x3FB4];
	_ =	sdelay $0x3  }
0x37: {  	[smem:$0x3FB4] =	sst s10  }
0x38: {  	s10 =	sld [smem:$0x3FB5]  }
0x39: {  	_ = 	snop;
	(pc) =	sbr.ind lr, $3  }
0x3a: {  	_ = 	snop  }
0x3b: {  	_ = 	snop  }
0x3c: {  	p2 =	seq.s32 s10, $0x1;
	s10 =	sld [smem:$0x3FB4]  }
0x3d: {  	_ =	shalt  }
0x3e: {  	_ =	shalt  }
0x3f: {  	_ =	shalt  }
0x40: {  	_ =	shalt  }
0x41: {  	_ =	shalt  }
0x42: {  	_ =	shalt  }
0x43: {  	_ =	shalt  }
0x44: {  	_ =	shalt  }
0x45: {  	_ =	shalt  }
0x46: {  	_ =	shalt  }
0x47: {  	_ =	shalt  }
0x48: {  	_ =	shalt  }
0x49: {  	_ =	shalt  }
0x4a: {  	_ =	shalt  }
0x4b: {  	_ =	shalt  }
0x4c: {  	_ =	shalt  }
0x4d: {  	_ =	shalt  }
0x4e: {  	_ =	shalt  }
0x4f: {  	_ =	shalt  }
0x50: {  	_ =	shalt  }
0x51: {  	_ =	shalt  }
0x52: {  	_ =	shalt  }
0x53: {  	_ =	shalt  }
0x54: {  	_ =	shalt  }
0x55: {  	_ =	shalt  }
0x56: {  	_ =	shalt  }
0x57: {  	_ =	shalt  }
0x58: {  	_ =	shalt  }
0x59: {  	_ =	shalt  }
0x5a: {  	_ =	shalt  }
0x5b: {  	_ =	shalt  }
0x5c: {  	_ =	shalt  }
0x5d: {  	_ =	shalt  }
0x5e: {  	_ =	shalt  }
0x5f: {  	_ =	shalt  }
0x60: {  	_ =	shalt  }
0x61: {  	_ =	shalt  }
0x62: {  	_ =	shalt  }
0x63: {  	_ =	shalt  }
0x64: {  	_ =	shalt  }
0x65: {  	_ =	shalt  }
0x66: {  	_ =	shalt  }
0x67: {  	_ =	shalt  }
0x68: {  	_ =	shalt  }
0x69: {  	_ =	shalt  }
0x6a: {  	_ =	shalt  }
0x6b: {  	_ =	shalt  }
0x6c: {  	_ =	shalt  }
0x6d: {  	_ =	shalt  }
0x6e: {  	_ =	shalt  }
0x6f: {  	_ =	shalt  }
0x70: {  	_ =	shalt  }
0x71: {  	_ =	shalt  }
0x72: {  	_ =	shalt  }
0x73: {  	_ =	shalt  }
0x74: {  	_ =	shalt  }
0x75: {  	_ =	shalt  }
0x76: {  	_ =	shalt  }
0x77: {  	_ =	shalt  }
0x78: {  	_ =	shalt  }
0x79: {  	_ =	shalt  }
0x7a: {  	_ =	shalt  }
0x7b: {  	_ =	shalt  }
0x7c: {  	_ =	shalt  }
0x7d: {  	_ =	shalt  }
0x7e: {  	_ =	shalt  }
0x7f: {  	_ =	shalt  }
0x80: {  	_ =	shalt  }
0x81: {  	_ =	shalt  }
0x82: {  	_ =	shalt  }
0x83: {  	_ =	shalt  }
0x84: {  	_ =	shalt  }
0x85: {  	_ =	shalt  }
0x86: {  	_ =	shalt  }
0x87: {  	_ =	shalt  }
.Lfunc_end0:
.L_simem_size_0:
called_computation.1_lowered:
.L_overlay_start_0:
0x88: {  	s2 =	sld [smem:$0x3FD9]  }
0x89: {  	s3 =	sld [smem:$0x3FFE];
	_ =	sdelay $0x1  }
0x8a: {  	s1 =	srdreg.scid  }
0x8b: {  	s0 =	sand.u32 $0x1, s1  }
0x8c: {  	s17 =	sshll.u32 s0, $0xA;
	s2 =	sadd.s32 s3, s2  }
0x8d: {  	s2 =	sadd.s32 s2, s17  }
0x8e: {  	[smem:$0x3FC0] =	sst s2  }
0x8f: {  	_ = 	snop  }
0x90: {  	s2 =	sld [smem:$0x3FD0];
	(tm) =	ssettm $0x1  }
0x91: {  	s18 =	sld [smem:$0x3FFB];
	_ =	sdelay $0x3  }
0x92: {  	_ =	strace s18  }
0x93: {  	s3 =	sld [smem:$0x3FFC];
	_ =	sdelay $0x3  }
0x94: {  	_ =	strace s3  }
0x95: {  	s3 =	sld [smem:$0x3FFD];
	_ =	sdelay $0x3  }
0x96: {  	_ =	strace s3  }
0x97: {  	_ =	strace $0x8FFFFFFF  }
0x98: {  	s19 =	sld [smem:$0x3FDB];
	_ =	sdelay $0x1  }
0x99: {  	s4 =	simm.s32 $_scs_section_size  }
0x9a: {  	s5 =	simm.s32 $_size__tile_overlayer_lowered;
	s6 =	simm.s32 $_tile_overlayer_lowered  }
0x9b: {  	s22 =	simm.s32 $0x1BFF;
	s21 =	sshll.u32 s6, $0x1;
	s3 =	sadd.s32 s4, s19  }
0x9c: {  	s7 =	simm.s32 $0x0;
	s20 =	sshll.u32 s5, $0x1;
	s5 =	sadd.s32 s21, s3  }
0x9d: {  	[timem:s7], [sflag:s22] =	dma.local [hbm:s5], s20  }
0x9e: {  	_ =	swait.ge [sflag:s22], s20  }
0x9f: {  	s4 =	ssub.s32 $0x0, s20;
	[sflag:s22] =	ssyncset.done $0x0  }
0xa0: {  	[sflag:s22] =	ssyncadd.s32 s4;
	_ =	sdelay $0x1  }
0xa1: {  	s23 =	simm.s32 $0x1B8B  }
0xa2: {  	_ =	swait.ge [sflag:s23], $0x1  }
0xa3: {  	[sflag:s23] =	ssyncset.done $0x0  }
0xa4: {  	s25 =	simm.s32 $0x1B8E;
	s24 =	sld [smem:$0x3FFE];
	[sflag:s23] =	ssyncadd.s32 $0xFFFFFFFF  }
0xa5: {  	s26 =	simm.s32 $execute0_lowered;
	[smem:$0x3FD2] =	sst s25  }
0xa6: {  	s5 =	sshll.u32 s26, $0x1;
	_ =	strace $0x80000049;
	[dreg:$0x1] =	wrdreg $0xFFFFFFFF  }
0xa7: {  	s28 =	simm.s32 $_size_execute0_lowered;
	s3 =	sadd.s32 s3, s5;
	[dreg:$0x0] =	wrdreg $0x0  }
0xa8: {  	s5 =	sshll.u32 s28, $0x1;
	[dreg:$0x2] =	wrdreg s3  }
0xa9: {  	[dreg:$0x3] =	wrdreg s5  }
0xaa: {  	[dreg:$0x4] =	wrdreg $0xC0  }
0xab: {  	_ =	task [dreg:s7], $0x5FFFF  }
0xac: {  	[dreg:$0x1] =	wrdreg $0xFFFFFFFF  }
0xad: {  	[dreg:$0x0] =	wrdreg $0x60  }
0xae: {  	[dreg:$0x2] =	wrdreg s24  }
0xaf: {  	[dreg:$0x3] =	wrdreg s2  }
0xb0: {  	[dreg:$0x4] =	wrdreg $0x190000  }
0xb1: {  	[dreg:$0x5] =	wrdreg $0x9  }
0xb2: {  	_ =	task.clear_ibuf [dreg:s7], $0x6FFFF;
	_ =	strace $0x90000049  }
0xb3: {  	s29 =	simm.s32 $0x9;
	_ =	strace $0x8000004B  }
0xb4: {  	_ =	swait.ge [sflag:s29], $0x1  }
0xb5: {  	[sflag:s29] =	ssyncadd.s32 $0xFFFFFFFF  }
0xb6: {  	_ =	strace $0x9000004B  }
0xb7: {  	_ =	sfence  }
0xb8: {  	s30 =	sld [smem:$0x0];
	_ =	sdelay $0x2  }
0xb9: {  	s31 =	sshll.u32 s1, $0xD;
	s1 =	sshrl.u32 s1, $0x2  }
0xba: {  	s3 =	sand.u32 $0x4000, s31;
	s1 =	sadd.s32 s1, s30  }
0xbb: {  	s0 =	sor.u32 s3, s0;
	s1 =	sshll.u32 s1, $0x11  }
0xbc: {  	s0 =	sor.u32 s1, s0  }
0xbd: {  	s0 =	sadd.s32 $0x8F2B, s0  }
0xbe: {  	[sflag:s0] =	ssyncadd.remote.s32 $0x1  }
0xbf: {  	_ =	sfence.sel $0xFFFF  }
0xc0: {  	[dreg:$0x0] =	wrdreg $0xFFFFFFFF;
	(pc) =	sbr.abs _section_cstart, $3  }
0xc1: {  	[dreg:$0x1] =	wrdreg $0xFFFFFFFF  }
0xc2: {  	_ =	task.clear_ibuf [dreg:s7], $0x2FFFF;
	_ =	strace $0x9FFFFFFF  }
0xc3: {  	(tm) =	ssettm $0x7FFFFFFF  }
tec
execute0_lowered:
.L_overlay_start_1:
0x0: {  	(tag) =	ssettag $0x1  }
0x1: {  	s0 =	rddreg [dreg:$0x0]  }
0x2: {  	s5 =	rddreg [dreg:$0x1]  }
0x3: {  	s1 =	rddreg [dreg:$0x2];
	s2 =	simm.s32 $0x0;
	s6 =	stileid.u32  }
0x4: {  	s3 =	srdreg.scid;
	s15 =	simm.s32 $0xE000;
	s17 =	simm.s32 $0xE800  }
0x5: {  	s19 =	simm.s32 $0xF000;
	s21 =	simm.s32 $0xF800;
	s29 =	simm.s32 $0x11000  }
0x6: {  	s31 =	simm.s32 $0x7;
	s18 =	simm.s32 $0x3;
	s22 =	simm.s32 $0x4  }
0x7: {  	s28 =	simm.s32 $0x5;
	s20 =	simm.s32 $0x0;
	[smem:$0x7FF] =	sst s2  }
0x8: {  	s7 =	smul.u32 $0x2800, s6;
	s8 =	sand.u32 $0x1, s3;
	s3 =	sadd.s32 $0x11800, s0  }
0x9: {  	s9 =	sadd.s32 $0x2800, s0;
	s11 =	sshll.u32 s6, $0x1;
	p0 =	seq.s32 s6, $0x0  }
0xa: {  	_ =	strace $0x8000004A;
	s4 =	ssub.s32 $0x2, s8;
	s23 =	sor.u32 s8, s11  }
0xb: {  	s12 =	sshll.u32 s8, $0x5;
	s14 =	smul.u32 $0x5000, s8;
	s13 =	sshrl.u32 s7, $0x3  }
0xc: {  	s10 =	sshrl.u32 s4, $0x1;
	s11 =	smul.u32 $0x4E0, s23;
	s12 =	sadd.s32 s12, s9  }
0xd: {  	s8 =	sadd.s32 s7, s1;
	s7 =	simm.s32 $0xC800;
	s23 =	simm.s32 $0x10000  }
0xe: {  	s0 =	sadd.s32 s13, s0;
	s10 =	ssub.s32 s4, s10;
	s4 =	simm.s32 $0x28  }
0xf: {  	s25 =	sadd.s32 $0x9C00, s12;
	s26 =	sadd.s32 s5, s14;
	s12 =	simm.s32 $0x80  }
0x10: {  	s5 =	simm.s32 $0xB800;
	s14 =	simm.s32 $0x2;
	s4 =	simm.s32 @!p0 $0x27  }
0x11: {  	s24 =	sadd.s32 s9, s11;
	[dreg:$0x5] =	wrdreg s25;
	s0 =	sadd.s32 $0xC800, s0  }
0x12: {  	s30 =	smax.u32 s10, $0x1;
	p0 =	sne.s32 s6, $0x0;
	[dreg:$0x4] =	wrdreg s24  }
0x13: {  	s11 =	simm.s32 $0x1;
	s6 =	simm.s32 $0xC000;
	[dreg:$0x6] =	wrdreg s0  }
0x14: {  	s9 =	simm.s32 $0xD800;
	[dreg:$0x7] =	wrdreg s30;
	s10 =	sadd.s32 $0xFFFFFFE2, s4  }
0x15: {  	s0 =	sadd.s32 s13, s26;
	s13 =	simm.s32 $0xD000;
	s26 =	simm.s32 $0x10800  }
0x16: {  	s24 =	simm.s32 $0x16800;
	[dreg:$0x8] =	wrdreg s0;
	s0 =	simm.s32 $0x6  }
.LBB2_1:
0x17: {  	s16 =	rddreg [dreg:$0x4]  }
0x18: {  	[tilespmem:s2], [sflag:$0x1] =	stream.linear.gather [hbm4b:s16+s2], $0x2700, $0x38;
	[tilespmem:$0x1B800] =	vst v63  }
0x19: {  	s25 =	simm.s32 @!p0 $0x2700;
	s30 =	rddreg [dreg:$0x5];
	s16 =	simm.s32 @!p0 $0x0  }
0x1a: {  	[tilespmem:s25], [sflag:$0x7] =	stream.linear.gather @!p0 [hbm4b:s30+s16], $0x100, $0x38;
	[tilespmem:$0x1B800] =	vst v63  }
0x1b: {  	s16 =	simm.s32 @!p0 $0x7  }
0x1c: {  	_ =	swait.ge @!p0 [sflag:s16], $0x100  }
0x1d: {  	[sflag:s16] =	ssyncset.done @!p0 $0x0  }
0x1e: {  	[sflag:s16] =	ssyncadd.s32 @!p0 $0xFFFFFF00  }
0x1f: {  	_ =	swait.ge [sflag:s11], $0x2700  }
0x20: {  	[sflag:s11] =	ssyncset.done $0x0  }
0x21: {  	s25 =	simm.s32 $0x2800;
	[sflag:s11] =	ssyncadd.s32 $0xFFFFD900  }
0x22: {  	[tilespmem:s25], [sflag:$0x2] =	stream.indirect.gather [hbm4b:s3+s12], $0x10, s2, s12, $0xb8;
	[tilespmem:$0x1B800] =	vst v63  }
0x23: {  	s16 =	simm.s32 $0x100;
	s25 =	simm.s32 $0x3000  }
0x24: {  	[tilespmem:s25], [sflag:$0x2] =	stream.indirect.gather [hbm4b:s3+s12], $0x10, s16, s12, $0xb8;
	[tilespmem:$0x1B800] =	vst v63  }
0x25: {  	s16 =	simm.s32 $0x200;
	s25 =	simm.s32 $0x3800  }
0x26: {  	[tilespmem:s25], [sflag:$0x2] =	stream.indirect.gather [hbm4b:s3+s12], $0x10, s16, s12, $0xb8;
	[tilespmem:$0x1B800] =	vst v63  }
0x27: {  	s16 =	simm.s32 $0x300;
	s25 =	simm.s32 $0x4000  }
0x28: {  	[tilespmem:s25], [sflag:$0x2] =	stream.indirect.gather [hbm4b:s3+s12], $0x10, s16, s12, $0xb8;
	[tilespmem:$0x1B800] =	vst v63  }
0x29: {  	s16 =	simm.s32 $0x400;
	s25 =	simm.s32 $0x4800  }
0x2a: {  	[tilespmem:s25], [sflag:$0x2] =	stream.indirect.gather [hbm4b:s3+s12], $0x10, s16, s12, $0xb8;
	[tilespmem:$0x1B800] =	vst v63  }
0x2b: {  	s16 =	simm.s32 $0x500;
	s25 =	simm.s32 $0x5000  }
0x2c: {  	[tilespmem:s25], [sflag:$0x2] =	stream.indirect.gather [hbm4b:s3+s12], $0x10, s16, s12, $0xb8;
	[tilespmem:$0x1B800] =	vst v63  }
0x2d: {  	s16 =	simm.s32 $0x600;
	s25 =	simm.s32 $0x5800  }
0x2e: {  	[tilespmem:s25], [sflag:$0x2] =	stream.indirect.gather [hbm4b:s3+s12], $0x10, s16, s12, $0xb8;
	[tilespmem:$0x1B800] =	vst v63  }
0x2f: {  	s16 =	simm.s32 $0x700;
	s25 =	simm.s32 $0x6000  }
0x30: {  	[tilespmem:s25], [sflag:$0x2] =	stream.indirect.gather [hbm4b:s3+s12], $0x10, s16, s12, $0xb8;
	[tilespmem:$0x1B800] =	vst v63  }
0x31: {  	s16 =	simm.s32 $0x800;
	s25 =	simm.s32 $0x6800  }
0x32: {  	[tilespmem:s25], [sflag:$0x2] =	stream.indirect.gather [hbm4b:s3+s12], $0x10, s16, s12, $0xb8;
	[tilespmem:$0x1B800] =	vst v63  }
0x33: {  	s16 =	simm.s32 $0x900;
	s25 =	simm.s32 $0x7000  }
0x34: {  	[tilespmem:s25], [sflag:$0x2] =	stream.indirect.gather [hbm4b:s3+s12], $0x10, s16, s12, $0xb8;
	[tilespmem:$0x1B800] =	vst v63  }
0x35: {  	s16 =	simm.s32 $0xA00;
	s25 =	simm.s32 $0x7800  }
0x36: {  	[tilespmem:s25], [sflag:$0x3] =	stream.indirect.gather [hbm4b:s3+s12], $0x10, s16, s12, $0xb8;
	[tilespmem:$0x1B800] =	vst v63  }
0x37: {  	s16 =	simm.s32 $0xB00;
	s25 =	simm.s32 $0x8000  }
0x38: {  	[tilespmem:s25], [sflag:$0x3] =	stream.indirect.gather [hbm4b:s3+s12], $0x10, s16, s12, $0xb8;
	[tilespmem:$0x1B800] =	vst v63  }
0x39: {  	s16 =	simm.s32 $0xC00;
	s25 =	simm.s32 $0x8800  }
0x3a: {  	[tilespmem:s25], [sflag:$0x3] =	stream.indirect.gather [hbm4b:s3+s12], $0x10, s16, s12, $0xb8;
	[tilespmem:$0x1B800] =	vst v63  }
0x3b: {  	s16 =	simm.s32 $0xD00;
	s25 =	simm.s32 $0x9000  }
0x3c: {  	[tilespmem:s25], [sflag:$0x3] =	stream.indirect.gather [hbm4b:s3+s12], $0x10, s16, s12, $0xb8;
	[tilespmem:$0x1B800] =	vst v63  }
0x3d: {  	s16 =	simm.s32 $0xE00;
	s25 =	simm.s32 $0x9800  }
0x3e: {  	[tilespmem:s25], [sflag:$0x3] =	stream.indirect.gather [hbm4b:s3+s12], $0x10, s16, s12, $0xb8;
	[tilespmem:$0x1B800] =	vst v63  }
0x3f: {  	s16 =	simm.s32 $0xF00;
	s25 =	simm.s32 $0xA000  }
0x40: {  	[tilespmem:s25], [sflag:$0x3] =	stream.indirect.gather [hbm4b:s3+s12], $0x10, s16, s12, $0xb8;
	[tilespmem:$0x1B800] =	vst v63  }
0x41: {  	s16 =	simm.s32 $0x1000;
	s25 =	simm.s32 $0xA800  }
0x42: {  	[tilespmem:s25], [sflag:$0x3] =	stream.indirect.gather [hbm4b:s3+s12], $0x10, s16, s12, $0xb8;
	[tilespmem:$0x1B800] =	vst v63  }
0x43: {  	s16 =	simm.s32 $0x1100;
	s25 =	simm.s32 $0xB000  }
0x44: {  	[tilespmem:s25], [sflag:$0x3] =	stream.indirect.gather [hbm4b:s3+s12], $0x10, s16, s12, $0xb8;
	[tilespmem:$0x1B800] =	vst v63  }
0x45: {  	s25 =	simm.s32 $0x1200  }
0x46: {  	[tilespmem:s5], [sflag:$0x3] =	stream.indirect.gather [hbm4b:s3+s12], $0x10, s25, s12, $0xb8;
	[tilespmem:$0x1B800] =	vst v63  }
0x47: {  	s25 =	simm.s32 $0x1300  }
0x48: {  	[tilespmem:s6], [sflag:$0x3] =	stream.indirect.gather [hbm4b:s3+s12], $0x10, s25, s12, $0xb8;
	[tilespmem:$0x1B800] =	vst v63  }
0x49: {  	s25 =	simm.s32 $0x1400  }
0x4a: {  	[tilespmem:s7], [sflag:$0x4] =	stream.indirect.gather [hbm4b:s3+s12], $0x10, s25, s12, $0xb8;
	[tilespmem:$0x1B800] =	vst v63  }
0x4b: {  	s25 =	simm.s32 $0x1500  }
0x4c: {  	[tilespmem:s13], [sflag:$0x4] =	stream.indirect.gather [hbm4b:s3+s12], $0x10, s25, s12, $0xb8;
	[tilespmem:$0x1B800] =	vst v63  }
0x4d: {  	s25 =	simm.s32 $0x1600  }
0x4e: {  	[tilespmem:s9], [sflag:$0x4] =	stream.indirect.gather [hbm4b:s3+s12], $0x10, s25, s12, $0xb8;
	[tilespmem:$0x1B800] =	vst v63  }
0x4f: {  	s25 =	simm.s32 $0x1700  }
0x50: {  	[tilespmem:s15], [sflag:$0x4] =	stream.indirect.gather [hbm4b:s3+s12], $0x10, s25, s12, $0xb8;
	[tilespmem:$0x1B800] =	vst v63  }
0x51: {  	s25 =	simm.s32 $0x1800  }
0x52: {  	[tilespmem:s17], [sflag:$0x4] =	stream.indirect.gather [hbm4b:s3+s12], $0x10, s25, s12, $0xb8;
	[tilespmem:$0x1B800] =	vst v63  }
0x53: {  	s25 =	simm.s32 $0x1900  }
0x54: {  	[tilespmem:s19], [sflag:$0x4] =	stream.indirect.gather [hbm4b:s3+s12], $0x10, s25, s12, $0xb8;
	[tilespmem:$0x1B800] =	vst v63  }
0x55: {  	s25 =	simm.s32 $0x1A00  }
0x56: {  	[tilespmem:s21], [sflag:$0x4] =	stream.indirect.gather [hbm4b:s3+s12], $0x10, s25, s12, $0xb8;
	[tilespmem:$0x1B800] =	vst v63  }
0x57: {  	s25 =	simm.s32 $0x1B00  }
0x58: {  	[tilespmem:s23], [sflag:$0x4] =	stream.indirect.gather [hbm4b:s3+s12], $0x10, s25, s12, $0xb8;
	[tilespmem:$0x1B800] =	vst v63  }
0x59: {  	p1 =	sne.s32 s10, $0x1;
	s25 =	simm.s32 $0x1C00  }
0x5a: {  	[tilespmem:s26], [sflag:$0x4] =	stream.indirect.gather [hbm4b:s3+s12], $0x10, s25, s12, $0xb8;
	[tilespmem:$0x1B800] =	vst v63  }
.Ltmp0:
0x5b: {  	_ = 	snop;
	(pc) =	sbr.rel @!p1 .LBB2_3-.Ltmp0, $4  }
0x5c: {  	s25 =	simm.s32 $0x1D00  }
0x5d: {  	[tilespmem:s29], [sflag:$0x4] =	stream.indirect.gather [hbm4b:s3+s12], $0x10, s25, s12, $0xb8;
	[tilespmem:$0x1B800] =	vst v63  }
0x5e: {  	s30 =	simm.s32 $0x1E00;
	s16 =	sadd.s32 $0xFFFFFFFF, s10;
	s25 =	simm.s32 $0x11800  }
0x5f: {  	[tilespmem:s25], [sflag:$0x5] =	stream.indirect.gather [hbm4b:s3+s12], $0x10, s30, s12, $0xb8;
	[tilespmem:$0x1B800] =	vst v63  }
.LBB2_2:
0x60: {  	p2 =	sne.s32 s16, $0x1  }
.Ltmp1:
0x61: {  	_ = 	snop;
	(pc) =	sbr.rel @p2 .LBB2_2-.Ltmp1, $4  }
0x62: {  	_ = 	snop  }
0x63: {  	s30 =	sadd.s32 $0x100, s30;
	s25 =	sadd.s32 $0x800, s25  }
0x64: {  	s16 =	sadd.s32 $0xFFFFFFFF, s16  }
0x65: {  	[tilespmem:s25], [sflag:$0x5] =	stream.indirect.gather [hbm4b:s3+s12], $0x10, s30, s12, $0xb8;
	[tilespmem:$0x1B800] =	vst v63  }
.LBB2_3:
0x66: {  	s16 =	rddreg [dreg:$0x6]  }
0x67: {  	[tilespmem:s24], [sflag:$0x7] =	stream.linear.gather [hbm4b:s16+s2], $0x2800, $0x38;
	[tilespmem:$0x1B800] =	vst v63  }
0x68: {  	_ =	swait.ge [sflag:s31], $0x2800  }
0x69: {  	[sflag:s31] =	ssyncset.done $0x0  }
0x6a: {  	[sflag:s31] =	ssyncadd.s32 $0xFFFFD800  }
0x6b: {  	[spmem:s8] =	stream.linear.scatter [tilespmem:s24], [sflag:$0x7], $0x2800, $0x38;
	[tilespmem:$0x1B800] =	vst v63  }
0x6c: {  	_ =	swait.ge [sflag:s31], $0x2800  }
0x6d: {  	[sflag:s31] =	ssyncset.done $0x0  }
0x6e: {  	[sflag:s31] =	ssyncadd.s32 $0xFFFFD800  }
0x6f: {  	[bflag:$0x0] =	sbarrier.arrive $0xFFFF  }
0x70: {  	_ =	swait.ge [sflag:s14], $0x800  }
0x71: {  	[sflag:s14] =	ssyncset.done $0x0  }
0x72: {  	[sflag:s14] =	ssyncadd.s32 $0xFFFFF800  }
0x73: {  	_ =	swait.ge [sflag:s14], $0x800  }
0x74: {  	[sflag:s14] =	ssyncset.done $0x0  }
0x75: {  	[sflag:s14] =	ssyncadd.s32 $0xFFFFF800  }
0x76: {  	_ =	swait.ge [sflag:s14], $0x800  }
0x77: {  	[sflag:s14] =	ssyncset.done $0x0  }
0x78: {  	[sflag:s14] =	ssyncadd.s32 $0xFFFFF800  }
0x79: {  	_ =	swait.ge [sflag:s14], $0x800  }
0x7a: {  	[sflag:s14] =	ssyncset.done $0x0  }
0x7b: {  	[sflag:s14] =	ssyncadd.s32 $0xFFFFF800  }
0x7c: {  	_ =	swait.ge [sflag:s14], $0x800  }
0x7d: {  	[sflag:s14] =	ssyncset.done $0x0  }
0x7e: {  	[sflag:s14] =	ssyncadd.s32 $0xFFFFF800  }
0x7f: {  	_ =	swait.ge [sflag:s14], $0x800  }
0x80: {  	[sflag:s14] =	ssyncset.done $0x0  }
0x81: {  	[sflag:s14] =	ssyncadd.s32 $0xFFFFF800  }
0x82: {  	_ =	swait.ge [sflag:s14], $0x800  }
0x83: {  	[sflag:s14] =	ssyncset.done $0x0  }
0x84: {  	[sflag:s14] =	ssyncadd.s32 $0xFFFFF800  }
0x85: {  	_ =	swait.ge [sflag:s14], $0x800  }
0x86: {  	[sflag:s14] =	ssyncset.done $0x0  }
0x87: {  	[sflag:s14] =	ssyncadd.s32 $0xFFFFF800  }
0x88: {  	_ =	swait.ge [sflag:s14], $0x800  }
0x89: {  	[sflag:s14] =	ssyncset.done $0x0  }
0x8a: {  	[sflag:s14] =	ssyncadd.s32 $0xFFFFF800  }
0x8b: {  	_ =	swait.ge [sflag:s14], $0x800  }
0x8c: {  	[sflag:s14] =	ssyncset.done $0x0  }
0x8d: {  	s25 =	simm.s32 $0x2800;
	[sflag:s14] =	ssyncadd.s32 $0xFFFFF800  }
0x8e: {  	[spmem:s1] =	stream.indirect.scatter.add.f32 [tilespmem:s25], [sflag:$0x6], $0x10, s12, s12, $0xb8;
	[tilespmem:$0x1B800] =	vst v63  }
0x8f: {  	s30 =	simm.s32 $0x3000;
	s25 =	simm.s32 $0x180  }
0x90: {  	[spmem:s1] =	stream.indirect.scatter.add.f32 [tilespmem:s30], [sflag:$0x6], $0x10, s25, s12, $0xb8;
	[tilespmem:$0x1B800] =	vst v63  }
0x91: {  	s25 =	simm.s32 $0x3800;
	s30 =	simm.s32 $0x280  }
0x92: {  	[spmem:s1] =	stream.indirect.scatter.add.f32 [tilespmem:s25], [sflag:$0x6], $0x10, s30, s12, $0xb8;
	[tilespmem:$0x1B800] =	vst v63  }
0x93: {  	s25 =	simm.s32 $0x4000;
	s30 =	simm.s32 $0x380  }
0x94: {  	[spmem:s1] =	stream.indirect.scatter.add.f32 [tilespmem:s25], [sflag:$0x6], $0x10, s30, s12, $0xb8;
	[tilespmem:$0x1B800] =	vst v63  }
0x95: {  	s25 =	simm.s32 $0x4800;
	s30 =	simm.s32 $0x480  }
0x96: {  	[spmem:s1] =	stream.indirect.scatter.add.f32 [tilespmem:s25], [sflag:$0x6], $0x10, s30, s12, $0xb8;
	[tilespmem:$0x1B800] =	vst v63  }
0x97: {  	s25 =	simm.s32 $0x5000;
	s30 =	simm.s32 $0x580  }
0x98: {  	[spmem:s1] =	stream.indirect.scatter.add.f32 [tilespmem:s25], [sflag:$0x6], $0x10, s30, s12, $0xb8;
	[tilespmem:$0x1B800] =	vst v63  }
0x99: {  	s25 =	simm.s32 $0x5800;
	s30 =	simm.s32 $0x680  }
0x9a: {  	[spmem:s1] =	stream.indirect.scatter.add.f32 [tilespmem:s25], [sflag:$0x6], $0x10, s30, s12, $0xb8;
	[tilespmem:$0x1B800] =	vst v63  }
0x9b: {  	s25 =	simm.s32 $0x6000;
	s30 =	simm.s32 $0x780  }
0x9c: {  	[spmem:s1] =	stream.indirect.scatter.add.f32 [tilespmem:s25], [sflag:$0x6], $0x10, s30, s12, $0xb8;
	[tilespmem:$0x1B800] =	vst v63  }
0x9d: {  	s25 =	simm.s32 $0x6800;
	s30 =	simm.s32 $0x880  }
0x9e: {  	[spmem:s1] =	stream.indirect.scatter.add.f32 [tilespmem:s25], [sflag:$0x6], $0x10, s30, s12, $0xb8;
	[tilespmem:$0x1B800] =	vst v63  }
0x9f: {  	s25 =	simm.s32 $0x7000;
	s30 =	simm.s32 $0x980  }
0xa0: {  	[spmem:s1] =	stream.indirect.scatter.add.f32 [tilespmem:s25], [sflag:$0x6], $0x10, s30, s12, $0xb8;
	[tilespmem:$0x1B800] =	vst v63  }
0xa1: {  	_ =	swait.ge [sflag:s18], $0x800  }
0xa2: {  	[sflag:s18] =	ssyncset.done $0x0  }
0xa3: {  	[sflag:s18] =	ssyncadd.s32 $0xFFFFF800  }
0xa4: {  	_ =	swait.ge [sflag:s18], $0x800  }
0xa5: {  	[sflag:s18] =	ssyncset.done $0x0  }
0xa6: {  	[sflag:s18] =	ssyncadd.s32 $0xFFFFF800  }
0xa7: {  	_ =	swait.ge [sflag:s18], $0x800  }
0xa8: {  	[sflag:s18] =	ssyncset.done $0x0  }
0xa9: {  	[sflag:s18] =	ssyncadd.s32 $0xFFFFF800  }
0xaa: {  	_ =	swait.ge [sflag:s18], $0x800  }
0xab: {  	[sflag:s18] =	ssyncset.done $0x0  }
0xac: {  	[sflag:s18] =	ssyncadd.s32 $0xFFFFF800  }
0xad: {  	_ =	swait.ge [sflag:s18], $0x800  }
0xae: {  	[sflag:s18] =	ssyncset.done $0x0  }
0xaf: {  	[sflag:s18] =	ssyncadd.s32 $0xFFFFF800  }
0xb0: {  	_ =	swait.ge [sflag:s18], $0x800  }
0xb1: {  	[sflag:s18] =	ssyncset.done $0x0  }
0xb2: {  	[sflag:s18] =	ssyncadd.s32 $0xFFFFF800  }
0xb3: {  	_ =	swait.ge [sflag:s18], $0x800  }
0xb4: {  	[sflag:s18] =	ssyncset.done $0x0  }
0xb5: {  	[sflag:s18] =	ssyncadd.s32 $0xFFFFF800  }
0xb6: {  	_ =	swait.ge [sflag:s18], $0x800  }
0xb7: {  	[sflag:s18] =	ssyncset.done $0x0  }
0xb8: {  	[sflag:s18] =	ssyncadd.s32 $0xFFFFF800  }
0xb9: {  	_ =	swait.ge [sflag:s18], $0x800  }
0xba: {  	[sflag:s18] =	ssyncset.done $0x0  }
0xbb: {  	[sflag:s18] =	ssyncadd.s32 $0xFFFFF800  }
0xbc: {  	_ =	swait.ge [sflag:s18], $0x800  }
0xbd: {  	[sflag:s18] =	ssyncset.done $0x0  }
0xbe: {  	s25 =	simm.s32 $0x7800;
	s30 =	simm.s32 $0xA80;
	[sflag:s18] =	ssyncadd.s32 $0xFFFFF800  }
0xbf: {  	[spmem:s1] =	stream.indirect.scatter.add.f32 [tilespmem:s25], [sflag:$0x6], $0x10, s30, s12, $0xb8;
	[tilespmem:$0x1B800] =	vst v63  }
0xc0: {  	s25 =	simm.s32 $0x8000;
	s30 =	simm.s32 $0xB80  }
0xc1: {  	[spmem:s1] =	stream.indirect.scatter.add.f32 [tilespmem:s25], [sflag:$0x6], $0x10, s30, s12, $0xb8;
	[tilespmem:$0x1B800] =	vst v63  }
0xc2: {  	s25 =	simm.s32 $0x8800;
	s30 =	simm.s32 $0xC80  }
0xc3: {  	[spmem:s1] =	stream.indirect.scatter.add.f32 [tilespmem:s25], [sflag:$0x6], $0x10, s30, s12, $0xb8;
	[tilespmem:$0x1B800] =	vst v63  }
0xc4: {  	s25 =	simm.s32 $0x9000;
	s30 =	simm.s32 $0xD80  }
0xc5: {  	[spmem:s1] =	stream.indirect.scatter.add.f32 [tilespmem:s25], [sflag:$0x6], $0x10, s30, s12, $0xb8;
	[tilespmem:$0x1B800] =	vst v63  }
0xc6: {  	s25 =	simm.s32 $0x9800;
	s30 =	simm.s32 $0xE80  }
0xc7: {  	[spmem:s1] =	stream.indirect.scatter.add.f32 [tilespmem:s25], [sflag:$0x6], $0x10, s30, s12, $0xb8;
	[tilespmem:$0x1B800] =	vst v63  }
0xc8: {  	s25 =	simm.s32 $0xA000;
	s30 =	simm.s32 $0xF80  }
0xc9: {  	[spmem:s1] =	stream.indirect.scatter.add.f32 [tilespmem:s25], [sflag:$0x6], $0x10, s30, s12, $0xb8;
	[tilespmem:$0x1B800] =	vst v63  }
0xca: {  	s25 =	simm.s32 $0xA800;
	s30 =	simm.s32 $0x1080  }
0xcb: {  	[spmem:s1] =	stream.indirect.scatter.add.f32 [tilespmem:s25], [sflag:$0x6], $0x10, s30, s12, $0xb8;
	[tilespmem:$0x1B800] =	vst v63  }
0xcc: {  	s25 =	simm.s32 $0xB000;
	s30 =	simm.s32 $0x1180  }
0xcd: {  	[spmem:s1] =	stream.indirect.scatter.add.f32 [tilespmem:s25], [sflag:$0x6], $0x10, s30, s12, $0xb8;
	[tilespmem:$0x1B800] =	vst v63  }
0xce: {  	s25 =	simm.s32 $0x1280  }
0xcf: {  	[spmem:s1] =	stream.indirect.scatter.add.f32 [tilespmem:s5], [sflag:$0x6], $0x10, s25, s12, $0xb8;
	[tilespmem:$0x1B800] =	vst v63  }
0xd0: {  	s30 =	simm.s32 $0x1380  }
0xd1: {  	[spmem:s1] =	stream.indirect.scatter.add.f32 [tilespmem:s6], [sflag:$0x6], $0x10, s30, s12, $0xb8;
	[tilespmem:$0x1B800] =	vst v63  }
0xd2: {  	_ =	swait.ge [sflag:s22], $0x800  }
0xd3: {  	[sflag:s22] =	ssyncset.done $0x0  }
0xd4: {  	[sflag:s22] =	ssyncadd.s32 $0xFFFFF800  }
0xd5: {  	_ =	swait.ge [sflag:s22], $0x800  }
0xd6: {  	[sflag:s22] =	ssyncset.done $0x0  }
0xd7: {  	[sflag:s22] =	ssyncadd.s32 $0xFFFFF800  }
0xd8: {  	_ =	swait.ge [sflag:s22], $0x800  }
0xd9: {  	[sflag:s22] =	ssyncset.done $0x0  }
0xda: {  	[sflag:s22] =	ssyncadd.s32 $0xFFFFF800  }
0xdb: {  	_ =	swait.ge [sflag:s22], $0x800  }
0xdc: {  	[sflag:s22] =	ssyncset.done $0x0  }
0xdd: {  	[sflag:s22] =	ssyncadd.s32 $0xFFFFF800  }
0xde: {  	_ =	swait.ge [sflag:s22], $0x800  }
0xdf: {  	[sflag:s22] =	ssyncset.done $0x0  }
0xe0: {  	[sflag:s22] =	ssyncadd.s32 $0xFFFFF800  }
0xe1: {  	_ =	swait.ge [sflag:s22], $0x800  }
0xe2: {  	[sflag:s22] =	ssyncset.done $0x0  }
0xe3: {  	[sflag:s22] =	ssyncadd.s32 $0xFFFFF800  }
0xe4: {  	_ =	swait.ge [sflag:s22], $0x800  }
0xe5: {  	[sflag:s22] =	ssyncset.done $0x0  }
0xe6: {  	[sflag:s22] =	ssyncadd.s32 $0xFFFFF800  }
0xe7: {  	_ =	swait.ge [sflag:s22], $0x800  }
0xe8: {  	[sflag:s22] =	ssyncset.done $0x0  }
0xe9: {  	[sflag:s22] =	ssyncadd.s32 $0xFFFFF800  }
0xea: {  	_ =	swait.ge [sflag:s22], $0x800  }
0xeb: {  	[sflag:s22] =	ssyncset.done $0x0  }
0xec: {  	[sflag:s22] =	ssyncadd.s32 $0xFFFFF800  }
0xed: {  	_ =	swait.ge [sflag:s22], $0x800  }
0xee: {  	[sflag:s22] =	ssyncset.done $0x0  }
0xef: {  	s25 =	simm.s32 $0x1480;
	[sflag:s22] =	ssyncadd.s32 $0xFFFFF800  }
0xf0: {  	[spmem:s1] =	stream.indirect.scatter.add.f32 [tilespmem:s7], [sflag:$0x6], $0x10, s25, s12, $0xb8;
	[tilespmem:$0x1B800] =	vst v63  }
0xf1: {  	s30 =	simm.s32 $0x1580  }
0xf2: {  	[spmem:s1] =	stream.indirect.scatter.add.f32 [tilespmem:s13], [sflag:$0x6], $0x10, s30, s12, $0xb8;
	[tilespmem:$0x1B800] =	vst v63  }
0xf3: {  	s25 =	simm.s32 $0x1680  }
0xf4: {  	[spmem:s1] =	stream.indirect.scatter.add.f32 [tilespmem:s9], [sflag:$0x6], $0x10, s25, s12, $0xb8;
	[tilespmem:$0x1B800] =	vst v63  }
0xf5: {  	s30 =	simm.s32 $0x1780  }
0xf6: {  	[spmem:s1] =	stream.indirect.scatter.add.f32 [tilespmem:s15], [sflag:$0x6], $0x10, s30, s12, $0xb8;
	[tilespmem:$0x1B800] =	vst v63  }
0xf7: {  	s25 =	simm.s32 $0x1880  }
0xf8: {  	[spmem:s1] =	stream.indirect.scatter.add.f32 [tilespmem:s17], [sflag:$0x6], $0x10, s25, s12, $0xb8;
	[tilespmem:$0x1B800] =	vst v63  }
0xf9: {  	s30 =	simm.s32 $0x1980  }
0xfa: {  	[spmem:s1] =	stream.indirect.scatter.add.f32 [tilespmem:s19], [sflag:$0x6], $0x10, s30, s12, $0xb8;
	[tilespmem:$0x1B800] =	vst v63  }
0xfb: {  	s25 =	simm.s32 $0x1A80  }
0xfc: {  	[spmem:s1] =	stream.indirect.scatter.add.f32 [tilespmem:s21], [sflag:$0x6], $0x10, s25, s12, $0xb8;
	[tilespmem:$0x1B800] =	vst v63  }
0xfd: {  	s30 =	simm.s32 $0x1B80  }
0xfe: {  	[spmem:s1] =	stream.indirect.scatter.add.f32 [tilespmem:s23], [sflag:$0x6], $0x10, s30, s12, $0xb8;
	[tilespmem:$0x1B800] =	vst v63  }
0xff: {  	s25 =	simm.s32 $0x1C80  }
0x100: {  	[spmem:s1] =	stream.indirect.scatter.add.f32 [tilespmem:s26], [sflag:$0x6], $0x10, s25, s12, $0xb8;
	[tilespmem:$0x1B800] =	vst v63  }
0x101: {  	s16 =	smov.u32 s10;
	s30 =	simm.s32 $0x1D80  }
0x102: {  	[spmem:s1] =	stream.indirect.scatter.add.f32 [tilespmem:s29], [sflag:$0x6], $0x10, s30, s12, $0xb8;
	[tilespmem:$0x1B800] =	vst v63  }
.LBB2_4:
0x103: {  	p2 =	sne.s32 s16, $0x1  }
.Ltmp2:
0x104: {  	_ = 	snop;
	(pc) =	sbr.rel @p2 .LBB2_4-.Ltmp2, $4  }
0x105: {  	_ = 	snop  }
0x106: {  	_ =	swait.ge [sflag:s28], $0x800  }
0x107: {  	[sflag:s28] =	ssyncset.done $0x0  }
0x108: {  	s16 =	sadd.s32 $0xFFFFFFFF, s16;
	[sflag:s28] =	ssyncadd.s32 $0xFFFFF800  }
.Ltmp3:
0x109: {  	(pc) =	sbr.rel @!p1 .LBB2_7-.Ltmp3, $3  }
0x10a: {  	_ =	sdelay $0x1  }
0x10b: {  	s25 =	simm.s32 $0x1E80;
	s30 =	simm.s32 $0x11800;
	s16 =	sadd.s32 $0xFFFFFFFF, s10  }
0x10c: {  	[spmem:s1] =	stream.indirect.scatter.add.f32 [tilespmem:s30], [sflag:$0x6], $0x10, s25, s12, $0xb8;
	[tilespmem:$0x1B800] =	vst v63  }
.LBB2_6:
0x10d: {  	p1 =	sne.s32 s16, $0x1  }
.Ltmp4:
0x10e: {  	_ = 	snop;
	(pc) =	sbr.rel @p1 .LBB2_6-.Ltmp4, $4  }
0x10f: {  	_ = 	snop  }
0x110: {  	s25 =	sadd.s32 $0x100, s25;
	s30 =	sadd.s32 $0x800, s30  }
0x111: {  	s16 =	sadd.s32 $0xFFFFFFFF, s16  }
0x112: {  	[spmem:s1] =	stream.indirect.scatter.add.f32 [tilespmem:s30], [sflag:$0x6], $0x10, s25, s12, $0xb8;
	[tilespmem:$0x1B800] =	vst v63  }
.LBB2_7:
0x113: {  	p1 =	sne.s32 s4, $0x1  }
.Ltmp5:
0x114: {  	_ = 	snop;
	(pc) =	sbr.rel @!p1 .LBB2_9-.Ltmp5, $3  }
0x115: {  	_ =	sdelay $0x1  }
0x116: {  	_ =	swait.ge [sflag:s0], $0x800  }
0x117: {  	s30 =	sadd.s32 $0xFFFFFFFF, s4;
	[sflag:s0] =	ssyncset.done $0x0  }
.LBB2_8:
0x118: {  	p1 =	sne.s32 s30, $0x1;
	s30 =	sadd.s32 $0xFFFFFFFF, s30;
	[sflag:s0] =	ssyncadd.s32 $0xFFFFF800  }
.Ltmp6:
0x119: {  	(pc) =	sbr.rel @p1 .LBB2_8-.Ltmp6, $3  }
0x11a: {  	_ =	sdelay $0x1  }
0x11b: {  	_ =	swait.ge [sflag:s0], $0x800  }
0x11c: {  	[sflag:s0] =	ssyncset.done $0x0  }
.LBB2_9:
0x11d: {  	[sflag:s0] =	ssyncadd.s32 $0xFFFFF800  }
0x11e: {  	[bflag:$0x0] =	sbarrier.arrive $0xFFFF  }
0x11f: {  	[tilespmem:s24], [sflag:$0x7] =	stream.linear.gather [spmem:s8], $0x2800, $0x38;
	[tilespmem:$0x1B800] =	vst v63  }
0x120: {  	_ =	swait.ge [sflag:s31], $0x2800  }
0x121: {  	[sflag:s31] =	ssyncset.done $0x0  }
0x122: {  	s16 =	rddreg [dreg:$0x8];
	[sflag:s31] =	ssyncadd.s32 $0xFFFFD800  }
0x123: {  	[hbm4b:s16+s2] =	stream.linear.scatter [tilespmem:s24], [sflag:$0x7], $0x2800, $0x38;
	[tilespmem:$0x1B800] =	vst v63  }
0x124: {  	_ =	swait.ge [sflag:s31], $0x2800  }
0x125: {  	s20 =	sadd.s32 $0x1, s20;
	s30 =	rddreg [dreg:$0x7]  }
0x126: {  	p1 =	sne.s32 s20, s30  }
.Ltmp7:
0x127: {  	_ = 	snop;
	(pc) =	sbr.rel @p1 .LBB2_1-.Ltmp7, $3  }
0x128: {  	_ =	sdelay $0x1  }
0x129: {  	[sflag:s31] =	ssyncset.done $0x0  }
0x12a: {  	[sflag:s31] =	ssyncadd.s32 $0xFFFFD800  }
0x12b: {  	_ =	sfence.sel $0x180000  }
0x12c: {  	[bflag:$0x0] =	sbarrier.arrive $0xFFFF  }
0x12d: {  	_ =	strace $0x9000004A  }
0x12e: {  	[bflag:$0x2] =	sbarrier.arrive $0xFFFF  }
0x12f: {  	s0 =	rddreg [dreg:$0x3]  }
0x130: {  	s0 =	sadd.s32 @!p0 $0x100000, s0  }
0x131: {  	[sflag:s0] =	ssyncadd.tile.s32 @!p0 $0x1;
	_ =	shalt  }
.Lfunc_end2:
_tile_overlayer_lowered:
.L_overlay_start_2:
0x132: {  	(tag) =	ssettag $0x2  }
0x133: {  	s0 =	rddreg [dreg:$0x0];
	s2 =	stileid.u32  }
0x134: {  	s1 =	rddreg [dreg:$0x1];
	p0 =	sne.s32 s2, $0x0  }
0x135: {  	s3 =	rddreg [dreg:$0x2];
	[bflag:$0x3] =	sbarrier.arrive $0xFFFF;
	s2 =	simm.s32 @!p0 $0x1C07  }
0x136: {  	[timem:s3], [sflag:s2] =	dma.local @!p0 [hbm:s0], s1  }
0x137: {  	s0 =	simm.s32 @!p0 $0x7  }
0x138: {  	_ =	swait.ge @!p0 [sflag:s0], s1  }
0x139: {  	s1 =	ssub.s32 @!p0 $0x0, s1;
	[sflag:s0] =	ssyncset.done @!p0 $0x0  }
0x13a: {  	[sflag:s0] =	ssyncadd.s32 @!p0 s1  }
0x13b: {  	[bflag:$0x3] =	sbarrier.arrive $0xFFFF  }
0x13c: {  	_ =	shalt  }

// kernel: kernel.15.cloned.1.call-start
scs
__scs_entry_jumppad:
0x0: {  	(pc) =	sbr.rel $0x88, $3  }
0x1: {  	(tag) =	ssettag $0x0;
	lr =	simm.s32 $0x1  }
0x2: {  	[smem:$0x3F99] =	sst lr;
	_ =	strace $0xD0000000  }
0x3: {  	_ = 	snop  }
0x4: {  	_ = 	snop  }
0x5: {  	_ = 	snop  }
0x6: {  	_ = 	snop  }
0x7: {  	_ = 	snop  }
__scs_overlays_trampoline_lowered:
0x8: {  	[smem:$0x3FA8] =	sst s0  }
0x9: {  	[smem:$0x3FA9] =	sst s1  }
0xa: {  	[smem:$0x3FAA] =	sst s2  }
0xb: {  	[smem:$0x3FAB] =	sst s3  }
0xc: {  	[smem:$0x3FAC] =	sst s4  }
0xd: {  	[smem:$0x3FAD] =	sst s5  }
0xe: {  	[smem:$0x3FAE] =	sst s6  }
0xf: {  	[smem:$0x3FAF] =	sst s7  }
0x10: {  	[smem:$0x3FB0] =	sst s8  }
0x11: {  	[smem:$0x3FB1] =	sst s9;
	s0 =	simm.s32 @!p0 $0x0  }
0x12: {  	s1 =	sld [smem:$0x3F97];
	s0 =	simm.s32 @p0 $0x1  }
0x13: {  	[smem:$0x3FB2] =	sst s0;
	s0 =	simm.s32 @!p1 $0x0  }
0x14: {  	s2 =	sld [smem:$0x3F96];
	s0 =	simm.s32 @p1 $0x1  }
0x15: {  	[smem:$0x3FB3] =	sst s0;
	s0 =	simm.s32 @!p2 $0x0  }
0x16: {  	s3 =	sld [smem:$0x3FDB];
	s0 =	simm.s32 @p2 $0x1  }
0x17: {  	s4 =	simm.s32 $0x1BF5;
	[smem:$0x3FB5] =	sst s0  }
0x18: {  	s0 =	sld [smem:$0x3F98];
	_ =	swait.ge [sflag:s4], $0x0  }
0x19: {  	s7 =	sld [smem:$0x3F99]  }
0x1a: {  	s8 =	sadd.s32 $0xFFFFE003, lr  }
0x1b: {  	s9 =	sadd.s32 $0xFFFFFEF7, lr;
	s5 =	simm.s32 $0xFFFFFFFF;
	p2 =	slt.u32 s8, $0xFFFFF086  }
0x1c: {  	p1 =	slt.u32 s9, $0xF7A;
	s5 =	simm.s32 @!p2 $0x0  }
0x1d: {  	s5 =	simm.s32 @p1 $0x1;
	p0 =	seq.s32 s7, s2  }
0x1e: {  	s7 =	smul.u32 @!p0 $0xF7A, s2;
	p2 =	seq.s32 @!p0 s5, $0x0  }
0x1f: {  	s9 =	smul.u32 $0xF7A, s1;
	s8 =	simm.s32 @!p0 $0x1BF5;
	p2 =	por !p2, p0  }
0x20: {  	[sflag:s8] =	ssyncset.s32 @!p0 $0xFFFFF086;
	s6 =	sadd.s32 @!p0 s3, s7;
	s7 =	simm.s32 @!p0 $0x108  }
0x21: {  	s3 =	sadd.s32 s3, s9;
	s6 =	sadd.s32 @!p0 $0x88, s6;
	s7 =	simm.s32 @p2 $0x1082  }
0x22: {  	[simem:s7], [sflag:s8] =	dma.local @!p0 [hbm:s6], $0xF7A  }
0x23: {  	s9 =	sor.u32 $0xD0000000, s2;
	s6 =	simm.s32 $0x108;
	_ =	swait.ge @!p0 [sflag:s8], $0x0  }
0x24: {  	s3 =	sadd.s32 $0x88, s3;
	s6 =	simm.s32 @!p1 $0x1082;
	[sflag:s4] =	ssyncset.s32 $0xFFFFF086  }
0x25: {  	[simem:s6], [sflag:s4] =	dma.local [hbm:s3], $0xF7A  }
0x26: {  	[smem:$0x3F99] =	sst s1;
	(tag) =	ssettag s2;
	_ =	strace s9  }
0x27: {  	s1 =	sld [smem:$0x3FA9]  }
0x28: {  	s2 =	sld [smem:$0x3FAA]  }
0x29: {  	s4 =	sld [smem:$0x3FAC]  }
0x2a: {  	p0 =	seq.s32 s5, $0x0;
	s5 =	sld [smem:$0x3FAD]  }
0x2b: {  	s6 =	sld [smem:$0x3FAE]  }
0x2c: {  	s7 =	sld [smem:$0x3FAF]  }
0x2d: {  	s3 =	simm.s32 $0x108;
	s8 =	sld [smem:$0x3FB0]  }
0x2e: {  	s3 =	simm.s32 @!p0 $0x1082;
	s9 =	sld [smem:$0x3FB1]  }
0x2f: {  	lr =	sadd.s32 s0, s3;
	s0 =	sld [smem:$0x3FA8]  }
0x30: {  	s3 =	sld [smem:$0x3FAB]  }
0x31: {  	[smem:$0x3FB4] =	sst s10  }
0x32: {  	s10 =	sld [smem:$0x3FB2];
	_ =	sdelay $0x3  }
0x33: {  	p0 =	seq.s32 s10, $0x1;
	s10 =	sld [smem:$0x3FB4];
	_ =	sdelay $0x3  }
0x34: {  	[smem:$0x3FB4] =	sst s10  }
0x35: {  	s10 =	sld [smem:$0x3FB3];
	_ =	sdelay $0x3  }
0x36: {  	p1 =	seq.s32 s10, $0x1;
	s10 =	sld [smem:$0x3FB4];
	_ =	sdelay $0x3  }
0x37: {  	[smem:$0x3FB4] =	sst s10  }
0x38: {  	s10 =	sld [smem:$0x3FB5]  }
0x39: {  	_ = 	snop;
	(pc) =	sbr.ind lr, $3  }
0x3a: {  	_ = 	snop  }
0x3b: {  	_ = 	snop  }
0x3c: {  	p2 =	seq.s32 s10, $0x1;
	s10 =	sld [smem:$0x3FB4]  }
0x3d: {  	_ =	shalt  }
0x3e: {  	_ =	shalt  }
0x3f: {  	_ =	shalt  }
0x40: {  	_ =	shalt  }
0x41: {  	_ =	shalt  }
0x42: {  	_ =	shalt  }
0x43: {  	_ =	shalt  }
0x44: {  	_ =	shalt  }
0x45: {  	_ =	shalt  }
0x46: {  	_ =	shalt  }
0x47: {  	_ =	shalt  }
0x48: {  	_ =	shalt  }
0x49: {  	_ =	shalt  }
0x4a: {  	_ =	shalt  }
0x4b: {  	_ =	shalt  }
0x4c: {  	_ =	shalt  }
0x4d: {  	_ =	shalt  }
0x4e: {  	_ =	shalt  }
0x4f: {  	_ =	shalt  }
0x50: {  	_ =	shalt  }
0x51: {  	_ =	shalt  }
0x52: {  	_ =	shalt  }
0x53: {  	_ =	shalt  }
0x54: {  	_ =	shalt  }
0x55: {  	_ =	shalt  }
0x56: {  	_ =	shalt  }
0x57: {  	_ =	shalt  }
0x58: {  	_ =	shalt  }
0x59: {  	_ =	shalt  }
0x5a: {  	_ =	shalt  }
0x5b: {  	_ =	shalt  }
0x5c: {  	_ =	shalt  }
0x5d: {  	_ =	shalt  }
0x5e: {  	_ =	shalt  }
0x5f: {  	_ =	shalt  }
0x60: {  	_ =	shalt  }
0x61: {  	_ =	shalt  }
0x62: {  	_ =	shalt  }
0x63: {  	_ =	shalt  }
0x64: {  	_ =	shalt  }
0x65: {  	_ =	shalt  }
0x66: {  	_ =	shalt  }
0x67: {  	_ =	shalt  }
0x68: {  	_ =	shalt  }
0x69: {  	_ =	shalt  }
0x6a: {  	_ =	shalt  }
0x6b: {  	_ =	shalt  }
0x6c: {  	_ =	shalt  }
0x6d: {  	_ =	shalt  }
0x6e: {  	_ =	shalt  }
0x6f: {  	_ =	shalt  }
0x70: {  	_ =	shalt  }
0x71: {  	_ =	shalt  }
0x72: {  	_ =	shalt  }
0x73: {  	_ =	shalt  }
0x74: {  	_ =	shalt  }
0x75: {  	_ =	shalt  }
0x76: {  	_ =	shalt  }
0x77: {  	_ =	shalt  }
0x78: {  	_ =	shalt  }
0x79: {  	_ =	shalt  }
0x7a: {  	_ =	shalt  }
0x7b: {  	_ =	shalt  }
0x7c: {  	_ =	shalt  }
0x7d: {  	_ =	shalt  }
0x7e: {  	_ =	shalt  }
0x7f: {  	_ =	shalt  }
0x80: {  	_ =	shalt  }
0x81: {  	_ =	shalt  }
0x82: {  	_ =	shalt  }
0x83: {  	_ =	shalt  }
0x84: {  	_ =	shalt  }
0x85: {  	_ =	shalt  }
0x86: {  	_ =	shalt  }
0x87: {  	_ =	shalt  }
.Lfunc_end0:
.L_simem_size_0:
called_computation.2_lowered:
.L_overlay_start_0:
0x88: {  	s2 =	sld [smem:$0x3FD9]  }
0x89: {  	s3 =	sld [smem:$0x3FFE];
	_ =	sdelay $0x1  }
0x8a: {  	s1 =	srdreg.scid  }
0x8b: {  	s0 =	sand.u32 $0x1, s1  }
0x8c: {  	s17 =	sshll.u32 s0, $0xA;
	s2 =	sadd.s32 s3, s2  }
0x8d: {  	s2 =	sadd.s32 s2, s17  }
0x8e: {  	[smem:$0x3FC0] =	sst s2  }
0x8f: {  	_ = 	snop  }
0x90: {  	s2 =	sld [smem:$0x3FD0];
	(tm) =	ssettm $0x1  }
0x91: {  	s18 =	sld [smem:$0x3FFB];
	_ =	sdelay $0x3  }
0x92: {  	_ =	strace s18  }
0x93: {  	s3 =	sld [smem:$0x3FFC];
	_ =	sdelay $0x3  }
0x94: {  	_ =	strace s3  }
0x95: {  	s3 =	sld [smem:$0x3FFD];
	_ =	sdelay $0x3  }
0x96: {  	_ =	strace s3  }
0x97: {  	_ =	strace $0x8FFFFFFF  }
0x98: {  	s19 =	sld [smem:$0x3FDB];
	_ =	sdelay $0x1  }
0x99: {  	s4 =	simm.s32 $_scs_section_size  }
0x9a: {  	s5 =	simm.s32 $_size__tile_overlayer_lowered;
	s6 =	simm.s32 $_tile_overlayer_lowered  }
0x9b: {  	s22 =	simm.s32 $0x1BFF;
	s21 =	sshll.u32 s6, $0x1;
	s3 =	sadd.s32 s4, s19  }
0x9c: {  	s7 =	simm.s32 $0x0;
	s20 =	sshll.u32 s5, $0x1;
	s5 =	sadd.s32 s21, s3  }
0x9d: {  	[timem:s7], [sflag:s22] =	dma.local [hbm:s5], s20  }
0x9e: {  	_ =	swait.ge [sflag:s22], s20  }
0x9f: {  	s4 =	ssub.s32 $0x0, s20;
	[sflag:s22] =	ssyncset.done $0x0  }
0xa0: {  	[sflag:s22] =	ssyncadd.s32 s4;
	_ =	sdelay $0x1  }
0xa1: {  	s23 =	simm.s32 $0x1B8B  }
0xa2: {  	_ =	swait.ge [sflag:s23], $0x1  }
0xa3: {  	[sflag:s23] =	ssyncset.done $0x0  }
0xa4: {  	s25 =	simm.s32 $0x1B8E;
	s24 =	sld [smem:$0x3FFE];
	[sflag:s23] =	ssyncadd.s32 $0xFFFFFFFF  }
0xa5: {  	s26 =	simm.s32 $execute0_lowered;
	[smem:$0x3FD2] =	sst s25  }
0xa6: {  	s5 =	sshll.u32 s26, $0x1;
	_ =	strace $0x8000004C;
	[dreg:$0x1] =	wrdreg $0xFFFFFFFF  }
0xa7: {  	s28 =	simm.s32 $_size_execute0_lowered;
	s3 =	sadd.s32 s3, s5;
	[dreg:$0x0] =	wrdreg $0x0  }
0xa8: {  	s5 =	sshll.u32 s28, $0x1;
	[dreg:$0x2] =	wrdreg s3  }
0xa9: {  	[dreg:$0x3] =	wrdreg s5  }
0xaa: {  	[dreg:$0x4] =	wrdreg $0xC0  }
0xab: {  	_ =	task [dreg:s7], $0x5FFFF  }
0xac: {  	[dreg:$0x1] =	wrdreg $0xFFFFFFFF  }
0xad: {  	[dreg:$0x0] =	wrdreg $0x60  }
0xae: {  	[dreg:$0x2] =	wrdreg s24  }
0xaf: {  	[dreg:$0x3] =	wrdreg s2  }
0xb0: {  	[dreg:$0x4] =	wrdreg $0x190000  }
0xb1: {  	[dreg:$0x5] =	wrdreg $0x9  }
0xb2: {  	_ =	task.clear_ibuf [dreg:s7], $0x6FFFF;
	_ =	strace $0x9000004C  }
0xb3: {  	s29 =	simm.s32 $0x9;
	_ =	strace $0x8000004E  }
0xb4: {  	_ =	swait.ge [sflag:s29], $0x1  }
0xb5: {  	[sflag:s29] =	ssyncadd.s32 $0xFFFFFFFF  }
0xb6: {  	_ =	strace $0x9000004E  }
0xb7: {  	_ =	sfence  }
0xb8: {  	s30 =	sld [smem:$0x0];
	_ =	sdelay $0x2  }
0xb9: {  	s31 =	sshll.u32 s1, $0xD;
	s1 =	sshrl.u32 s1, $0x2  }
0xba: {  	s3 =	sand.u32 $0x4000, s31;
	s1 =	sadd.s32 s1, s30  }
0xbb: {  	s0 =	sor.u32 s3, s0;
	s1 =	sshll.u32 s1, $0x11  }
0xbc: {  	s0 =	sor.u32 s1, s0  }
0xbd: {  	s0 =	sadd.s32 $0x8F2B, s0  }
0xbe: {  	[sflag:s0] =	ssyncadd.remote.s32 $0x1  }
0xbf: {  	_ =	sfence.sel $0xFFFF  }
0xc0: {  	[dreg:$0x0] =	wrdreg $0xFFFFFFFF;
	(pc) =	sbr.abs _section_cstart, $3  }
0xc1: {  	[dreg:$0x1] =	wrdreg $0xFFFFFFFF  }
0xc2: {  	_ =	task.clear_ibuf [dreg:s7], $0x2FFFF;
	_ =	strace $0x9FFFFFFF  }
0xc3: {  	(tm) =	ssettm $0x7FFFFFFF  }
tec
execute0_lowered:
.L_overlay_start_1:
0x0: {  	(tag) =	ssettag $0x1  }
0x1: {  	s0 =	rddreg [dreg:$0x0]  }
0x2: {  	s5 =	rddreg [dreg:$0x1]  }
0x3: {  	s1 =	rddreg [dreg:$0x2];
	s2 =	simm.s32 $0x0;
	s6 =	stileid.u32  }
0x4: {  	s3 =	srdreg.scid;
	s15 =	simm.s32 $0xE000;
	s17 =	simm.s32 $0xE800  }
0x5: {  	s19 =	simm.s32 $0xF000;
	s21 =	simm.s32 $0xF800;
	s29 =	simm.s32 $0x11000  }
0x6: {  	s31 =	simm.s32 $0x7;
	s18 =	simm.s32 $0x3;
	s22 =	simm.s32 $0x4  }
0x7: {  	s28 =	simm.s32 $0x5;
	s20 =	simm.s32 $0x0;
	[smem:$0x7FF] =	sst s2  }
0x8: {  	s7 =	smul.u32 $0x2800, s6;
	s8 =	sand.u32 $0x1, s3;
	s3 =	sadd.s32 $0x11800, s0  }
0x9: {  	s9 =	sadd.s32 $0x2800, s0;
	s11 =	sshll.u32 s6, $0x1;
	p0 =	seq.s32 s6, $0x0  }
0xa: {  	_ =	strace $0x8000004D;
	s4 =	ssub.s32 $0x2, s8;
	s23 =	sor.u32 s8, s11  }
0xb: {  	s12 =	sshll.u32 s8, $0x5;
	s14 =	smul.u32 $0x5000, s8;
	s13 =	sshrl.u32 s7, $0x3  }
0xc: {  	s10 =	sshrl.u32 s4, $0x1;
	s11 =	smul.u32 $0x4E0, s23;
	s12 =	sadd.s32 s12, s9  }
0xd: {  	s8 =	sadd.s32 s7, s1;
	s7 =	simm.s32 $0xC800;
	s23 =	simm.s32 $0x10000  }
0xe: {  	s0 =	sadd.s32 s13, s0;
	s10 =	ssub.s32 s4, s10;
	s4 =	simm.s32 $0x28  }
0xf: {  	s25 =	sadd.s32 $0x9C00, s12;
	s26 =	sadd.s32 s5, s14;
	s12 =	simm.s32 $0x80  }
0x10: {  	s5 =	simm.s32 $0xB800;
	s14 =	simm.s32 $0x2;
	s4 =	simm.s32 @!p0 $0x27  }
0x11: {  	s24 =	sadd.s32 s9, s11;
	[dreg:$0x5] =	wrdreg s25;
	s0 =	sadd.s32 $0xC800, s0  }
0x12: {  	s30 =	smax.u32 s10, $0x1;
	p0 =	sne.s32 s6, $0x0;
	[dreg:$0x4] =	wrdreg s24  }
0x13: {  	s11 =	simm.s32 $0x1;
	s6 =	simm.s32 $0xC000;
	[dreg:$0x6] =	wrdreg s0  }
0x14: {  	s9 =	simm.s32 $0xD800;
	[dreg:$0x7] =	wrdreg s30;
	s10 =	sadd.s32 $0xFFFFFFE2, s4  }
0x15: {  	s0 =	sadd.s32 s13, s26;
	s13 =	simm.s32 $0xD000;
	s26 =	simm.s32 $0x10800  }
0x16: {  	s24 =	simm.s32 $0x16800;
	[dreg:$0x8] =	wrdreg s0;
	s0 =	simm.s32 $0x6  }
.LBB2_1:
0x17: {  	s16 =	rddreg [dreg:$0x4]  }
0x18: {  	[tilespmem:s2], [sflag:$0x1] =	stream.linear.gather [hbm4b:s16+s2], $0x2700, $0x38;
	[tilespmem:$0x1B800] =	vst v63  }
0x19: {  	s25 =	simm.s32 @!p0 $0x2700;
	s30 =	rddreg [dreg:$0x5];
	s16 =	simm.s32 @!p0 $0x0  }
0x1a: {  	[tilespmem:s25], [sflag:$0x7] =	stream.linear.gather @!p0 [hbm4b:s30+s16], $0x100, $0x38;
	[tilespmem:$0x1B800] =	vst v63  }
0x1b: {  	s16 =	simm.s32 @!p0 $0x7  }
0x1c: {  	_ =	swait.ge @!p0 [sflag:s16], $0x100  }
0x1d: {  	[sflag:s16] =	ssyncset.done @!p0 $0x0  }
0x1e: {  	[sflag:s16] =	ssyncadd.s32 @!p0 $0xFFFFFF00  }
0x1f: {  	_ =	swait.ge [sflag:s11], $0x2700  }
0x20: {  	[sflag:s11] =	ssyncset.done $0x0  }
0x21: {  	s25 =	simm.s32 $0x2800;
	[sflag:s11] =	ssyncadd.s32 $0xFFFFD900  }
0x22: {  	[tilespmem:s25], [sflag:$0x2] =	stream.indirect.gather [hbm4b:s3+s12], $0x10, s2, s12, $0xb8;
	[tilespmem:$0x1B800] =	vst v63  }
0x23: {  	s16 =	simm.s32 $0x100;
	s25 =	simm.s32 $0x3000  }
0x24: {  	[tilespmem:s25], [sflag:$0x2] =	stream.indirect.gather [hbm4b:s3+s12], $0x10, s16, s12, $0xb8;
	[tilespmem:$0x1B800] =	vst v63  }
0x25: {  	s16 =	simm.s32 $0x200;
	s25 =	simm.s32 $0x3800  }
0x26: {  	[tilespmem:s25], [sflag:$0x2] =	stream.indirect.gather [hbm4b:s3+s12], $0x10, s16, s12, $0xb8;
	[tilespmem:$0x1B800] =	vst v63  }
0x27: {  	s16 =	simm.s32 $0x300;
	s25 =	simm.s32 $0x4000  }
0x28: {  	[tilespmem:s25], [sflag:$0x2] =	stream.indirect.gather [hbm4b:s3+s12], $0x10, s16, s12, $0xb8;
	[tilespmem:$0x1B800] =	vst v63  }
0x29: {  	s16 =	simm.s32 $0x400;
	s25 =	simm.s32 $0x4800  }
0x2a: {  	[tilespmem:s25], [sflag:$0x2] =	stream.indirect.gather [hbm4b:s3+s12], $0x10, s16, s12, $0xb8;
	[tilespmem:$0x1B800] =	vst v63  }
0x2b: {  	s16 =	simm.s32 $0x500;
	s25 =	simm.s32 $0x5000  }
0x2c: {  	[tilespmem:s25], [sflag:$0x2] =	stream.indirect.gather [hbm4b:s3+s12], $0x10, s16, s12, $0xb8;
	[tilespmem:$0x1B800] =	vst v63  }
0x2d: {  	s16 =	simm.s32 $0x600;
	s25 =	simm.s32 $0x5800  }
0x2e: {  	[tilespmem:s25], [sflag:$0x2] =	stream.indirect.gather [hbm4b:s3+s12], $0x10, s16, s12, $0xb8;
	[tilespmem:$0x1B800] =	vst v63  }
0x2f: {  	s16 =	simm.s32 $0x700;
	s25 =	simm.s32 $0x6000  }
0x30: {  	[tilespmem:s25], [sflag:$0x2] =	stream.indirect.gather [hbm4b:s3+s12], $0x10, s16, s12, $0xb8;
	[tilespmem:$0x1B800] =	vst v63  }
0x31: {  	s16 =	simm.s32 $0x800;
	s25 =	simm.s32 $0x6800  }
0x32: {  	[tilespmem:s25], [sflag:$0x2] =	stream.indirect.gather [hbm4b:s3+s12], $0x10, s16, s12, $0xb8;
	[tilespmem:$0x1B800] =	vst v63  }
0x33: {  	s16 =	simm.s32 $0x900;
	s25 =	simm.s32 $0x7000  }
0x34: {  	[tilespmem:s25], [sflag:$0x2] =	stream.indirect.gather [hbm4b:s3+s12], $0x10, s16, s12, $0xb8;
	[tilespmem:$0x1B800] =	vst v63  }
0x35: {  	s16 =	simm.s32 $0xA00;
	s25 =	simm.s32 $0x7800  }
0x36: {  	[tilespmem:s25], [sflag:$0x3] =	stream.indirect.gather [hbm4b:s3+s12], $0x10, s16, s12, $0xb8;
	[tilespmem:$0x1B800] =	vst v63  }
0x37: {  	s16 =	simm.s32 $0xB00;
	s25 =	simm.s32 $0x8000  }
0x38: {  	[tilespmem:s25], [sflag:$0x3] =	stream.indirect.gather [hbm4b:s3+s12], $0x10, s16, s12, $0xb8;
	[tilespmem:$0x1B800] =	vst v63  }
0x39: {  	s16 =	simm.s32 $0xC00;
	s25 =	simm.s32 $0x8800  }
0x3a: {  	[tilespmem:s25], [sflag:$0x3] =	stream.indirect.gather [hbm4b:s3+s12], $0x10, s16, s12, $0xb8;
	[tilespmem:$0x1B800] =	vst v63  }
0x3b: {  	s16 =	simm.s32 $0xD00;
	s25 =	simm.s32 $0x9000  }
0x3c: {  	[tilespmem:s25], [sflag:$0x3] =	stream.indirect.gather [hbm4b:s3+s12], $0x10, s16, s12, $0xb8;
	[tilespmem:$0x1B800] =	vst v63  }
0x3d: {  	s16 =	simm.s32 $0xE00;
	s25 =	simm.s32 $0x9800  }
0x3e: {  	[tilespmem:s25], [sflag:$0x3] =	stream.indirect.gather [hbm4b:s3+s12], $0x10, s16, s12, $0xb8;
	[tilespmem:$0x1B800] =	vst v63  }
0x3f: {  	s16 =	simm.s32 $0xF00;
	s25 =	simm.s32 $0xA000  }
0x40: {  	[tilespmem:s25], [sflag:$0x3] =	stream.indirect.gather [hbm4b:s3+s12], $0x10, s16, s12, $0xb8;
	[tilespmem:$0x1B800] =	vst v63  }
0x41: {  	s16 =	simm.s32 $0x1000;
	s25 =	simm.s32 $0xA800  }
0x42: {  	[tilespmem:s25], [sflag:$0x3] =	stream.indirect.gather [hbm4b:s3+s12], $0x10, s16, s12, $0xb8;
	[tilespmem:$0x1B800] =	vst v63  }
0x43: {  	s16 =	simm.s32 $0x1100;
	s25 =	simm.s32 $0xB000  }
0x44: {  	[tilespmem:s25], [sflag:$0x3] =	stream.indirect.gather [hbm4b:s3+s12], $0x10, s16, s12, $0xb8;
	[tilespmem:$0x1B800] =	vst v63  }
0x45: {  	s25 =	simm.s32 $0x1200  }
0x46: {  	[tilespmem:s5], [sflag:$0x3] =	stream.indirect.gather [hbm4b:s3+s12], $0x10, s25, s12, $0xb8;
	[tilespmem:$0x1B800] =	vst v63  }
0x47: {  	s25 =	simm.s32 $0x1300  }
0x48: {  	[tilespmem:s6], [sflag:$0x3] =	stream.indirect.gather [hbm4b:s3+s12], $0x10, s25, s12, $0xb8;
	[tilespmem:$0x1B800] =	vst v63  }
0x49: {  	s25 =	simm.s32 $0x1400  }
0x4a: {  	[tilespmem:s7], [sflag:$0x4] =	stream.indirect.gather [hbm4b:s3+s12], $0x10, s25, s12, $0xb8;
	[tilespmem:$0x1B800] =	vst v63  }
0x4b: {  	s25 =	simm.s32 $0x1500  }
0x4c: {  	[tilespmem:s13], [sflag:$0x4] =	stream.indirect.gather [hbm4b:s3+s12], $0x10, s25, s12, $0xb8;
	[tilespmem:$0x1B800] =	vst v63  }
0x4d: {  	s25 =	simm.s32 $0x1600  }
0x4e: {  	[tilespmem:s9], [sflag:$0x4] =	stream.indirect.gather [hbm4b:s3+s12], $0x10, s25, s12, $0xb8;
	[tilespmem:$0x1B800] =	vst v63  }
0x4f: {  	s25 =	simm.s32 $0x1700  }
0x50: {  	[tilespmem:s15], [sflag:$0x4] =	stream.indirect.gather [hbm4b:s3+s12], $0x10, s25, s12, $0xb8;
	[tilespmem:$0x1B800] =	vst v63  }
0x51: {  	s25 =	simm.s32 $0x1800  }
0x52: {  	[tilespmem:s17], [sflag:$0x4] =	stream.indirect.gather [hbm4b:s3+s12], $0x10, s25, s12, $0xb8;
	[tilespmem:$0x1B800] =	vst v63  }
0x53: {  	s25 =	simm.s32 $0x1900  }
0x54: {  	[tilespmem:s19], [sflag:$0x4] =	stream.indirect.gather [hbm4b:s3+s12], $0x10, s25, s12, $0xb8;
	[tilespmem:$0x1B800] =	vst v63  }
0x55: {  	s25 =	simm.s32 $0x1A00  }
0x56: {  	[tilespmem:s21], [sflag:$0x4] =	stream.indirect.gather [hbm4b:s3+s12], $0x10, s25, s12, $0xb8;
	[tilespmem:$0x1B800] =	vst v63  }
0x57: {  	s25 =	simm.s32 $0x1B00  }
0x58: {  	[tilespmem:s23], [sflag:$0x4] =	stream.indirect.gather [hbm4b:s3+s12], $0x10, s25, s12, $0xb8;
	[tilespmem:$0x1B800] =	vst v63  }
0x59: {  	p1 =	sne.s32 s10, $0x1;
	s25 =	simm.s32 $0x1C00  }
0x5a: {  	[tilespmem:s26], [sflag:$0x4] =	stream.indirect.gather [hbm4b:s3+s12], $0x10, s25, s12, $0xb8;
	[tilespmem:$0x1B800] =	vst v63  }
.Ltmp0:
0x5b: {  	_ = 	snop;
	(pc) =	sbr.rel @!p1 .LBB2_3-.Ltmp0, $4  }
0x5c: {  	s25 =	simm.s32 $0x1D00  }
0x5d: {  	[tilespmem:s29], [sflag:$0x4] =	stream.indirect.gather [hbm4b:s3+s12], $0x10, s25, s12, $0xb8;
	[tilespmem:$0x1B800] =	vst v63  }
0x5e: {  	s30 =	simm.s32 $0x1E00;
	s16 =	sadd.s32 $0xFFFFFFFF, s10;
	s25 =	simm.s32 $0x11800  }
0x5f: {  	[tilespmem:s25], [sflag:$0x5] =	stream.indirect.gather [hbm4b:s3+s12], $0x10, s30, s12, $0xb8;
	[tilespmem:$0x1B800] =	vst v63  }
.LBB2_2:
0x60: {  	p2 =	sne.s32 s16, $0x1  }
.Ltmp1:
0x61: {  	_ = 	snop;
	(pc) =	sbr.rel @p2 .LBB2_2-.Ltmp1, $4  }
0x62: {  	_ = 	snop  }
0x63: {  	s30 =	sadd.s32 $0x100, s30;
	s25 =	sadd.s32 $0x800, s25  }
0x64: {  	s16 =	sadd.s32 $0xFFFFFFFF, s16  }
0x65: {  	[tilespmem:s25], [sflag:$0x5] =	stream.indirect.gather [hbm4b:s3+s12], $0x10, s30, s12, $0xb8;
	[tilespmem:$0x1B800] =	vst v63  }
.LBB2_3:
0x66: {  	s16 =	rddreg [dreg:$0x6]  }
0x67: {  	[tilespmem:s24], [sflag:$0x7] =	stream.linear.gather [hbm4b:s16+s2], $0x2800, $0x38;
	[tilespmem:$0x1B800] =	vst v63  }
0x68: {  	_ =	swait.ge [sflag:s31], $0x2800  }
0x69: {  	[sflag:s31] =	ssyncset.done $0x0  }
0x6a: {  	[sflag:s31] =	ssyncadd.s32 $0xFFFFD800  }
0x6b: {  	[spmem:s8] =	stream.linear.scatter [tilespmem:s24], [sflag:$0x7], $0x2800, $0x38;
	[tilespmem:$0x1B800] =	vst v63  }
0x6c: {  	_ =	swait.ge [sflag:s31], $0x2800  }
0x6d: {  	[sflag:s31] =	ssyncset.done $0x0  }
0x6e: {  	[sflag:s31] =	ssyncadd.s32 $0xFFFFD800  }
0x6f: {  	[bflag:$0x0] =	sbarrier.arrive $0xFFFF  }
0x70: {  	_ =	swait.ge [sflag:s14], $0x800  }
0x71: {  	[sflag:s14] =	ssyncset.done $0x0  }
0x72: {  	[sflag:s14] =	ssyncadd.s32 $0xFFFFF800  }
0x73: {  	_ =	swait.ge [sflag:s14], $0x800  }
0x74: {  	[sflag:s14] =	ssyncset.done $0x0  }
0x75: {  	[sflag:s14] =	ssyncadd.s32 $0xFFFFF800  }
0x76: {  	_ =	swait.ge [sflag:s14], $0x800  }
0x77: {  	[sflag:s14] =	ssyncset.done $0x0  }
0x78: {  	[sflag:s14] =	ssyncadd.s32 $0xFFFFF800  }
0x79: {  	_ =	swait.ge [sflag:s14], $0x800  }
0x7a: {  	[sflag:s14] =	ssyncset.done $0x0  }
0x7b: {  	[sflag:s14] =	ssyncadd.s32 $0xFFFFF800  }
0x7c: {  	_ =	swait.ge [sflag:s14], $0x800  }
0x7d: {  	[sflag:s14] =	ssyncset.done $0x0  }
0x7e: {  	[sflag:s14] =	ssyncadd.s32 $0xFFFFF800  }
0x7f: {  	_ =	swait.ge [sflag:s14], $0x800  }
0x80: {  	[sflag:s14] =	ssyncset.done $0x0  }
0x81: {  	[sflag:s14] =	ssyncadd.s32 $0xFFFFF800  }
0x82: {  	_ =	swait.ge [sflag:s14], $0x800  }
0x83: {  	[sflag:s14] =	ssyncset.done $0x0  }
0x84: {  	[sflag:s14] =	ssyncadd.s32 $0xFFFFF800  }
0x85: {  	_ =	swait.ge [sflag:s14], $0x800  }
0x86: {  	[sflag:s14] =	ssyncset.done $0x0  }
0x87: {  	[sflag:s14] =	ssyncadd.s32 $0xFFFFF800  }
0x88: {  	_ =	swait.ge [sflag:s14], $0x800  }
0x89: {  	[sflag:s14] =	ssyncset.done $0x0  }
0x8a: {  	[sflag:s14] =	ssyncadd.s32 $0xFFFFF800  }
0x8b: {  	_ =	swait.ge [sflag:s14], $0x800  }
0x8c: {  	[sflag:s14] =	ssyncset.done $0x0  }
0x8d: {  	s25 =	simm.s32 $0x2800;
	[sflag:s14] =	ssyncadd.s32 $0xFFFFF800  }
0x8e: {  	[spmem:s1] =	stream.indirect.scatter.add.f32 [tilespmem:s25], [sflag:$0x6], $0x10, s12, s12, $0xb8;
	[tilespmem:$0x1B800] =	vst v63  }
0x8f: {  	s30 =	simm.s32 $0x3000;
	s25 =	simm.s32 $0x180  }
0x90: {  	[spmem:s1] =	stream.indirect.scatter.add.f32 [tilespmem:s30], [sflag:$0x6], $0x10, s25, s12, $0xb8;
	[tilespmem:$0x1B800] =	vst v63  }
0x91: {  	s25 =	simm.s32 $0x3800;
	s30 =	simm.s32 $0x280  }
0x92: {  	[spmem:s1] =	stream.indirect.scatter.add.f32 [tilespmem:s25], [sflag:$0x6], $0x10, s30, s12, $0xb8;
	[tilespmem:$0x1B800] =	vst v63  }
0x93: {  	s25 =	simm.s32 $0x4000;
	s30 =	simm.s32 $0x380  }
0x94: {  	[spmem:s1] =	stream.indirect.scatter.add.f32 [tilespmem:s25], [sflag:$0x6], $0x10, s30, s12, $0xb8;
	[tilespmem:$0x1B800] =	vst v63  }
0x95: {  	s25 =	simm.s32 $0x4800;
	s30 =	simm.s32 $0x480  }
0x96: {  	[spmem:s1] =	stream.indirect.scatter.add.f32 [tilespmem:s25], [sflag:$0x6], $0x10, s30, s12, $0xb8;
	[tilespmem:$0x1B800] =	vst v63  }
0x97: {  	s25 =	simm.s32 $0x5000;
	s30 =	simm.s32 $0x580  }
0x98: {  	[spmem:s1] =	stream.indirect.scatter.add.f32 [tilespmem:s25], [sflag:$0x6], $0x10, s30, s12, $0xb8;
	[tilespmem:$0x1B800] =	vst v63  }
0x99: {  	s25 =	simm.s32 $0x5800;
	s30 =	simm.s32 $0x680  }
0x9a: {  	[spmem:s1] =	stream.indirect.scatter.add.f32 [tilespmem:s25], [sflag:$0x6], $0x10, s30, s12, $0xb8;
	[tilespmem:$0x1B800] =	vst v63  }
0x9b: {  	s25 =	simm.s32 $0x6000;
	s30 =	simm.s32 $0x780  }
0x9c: {  	[spmem:s1] =	stream.indirect.scatter.add.f32 [tilespmem:s25], [sflag:$0x6], $0x10, s30, s12, $0xb8;
	[tilespmem:$0x1B800] =	vst v63  }
0x9d: {  	s25 =	simm.s32 $0x6800;
	s30 =	simm.s32 $0x880  }
0x9e: {  	[spmem:s1] =	stream.indirect.scatter.add.f32 [tilespmem:s25], [sflag:$0x6], $0x10, s30, s12, $0xb8;
	[tilespmem:$0x1B800] =	vst v63  }
0x9f: {  	s25 =	simm.s32 $0x7000;
	s30 =	simm.s32 $0x980  }
0xa0: {  	[spmem:s1] =	stream.indirect.scatter.add.f32 [tilespmem:s25], [sflag:$0x6], $0x10, s30, s12, $0xb8;
	[tilespmem:$0x1B800] =	vst v63  }
0xa1: {  	_ =	swait.ge [sflag:s18], $0x800  }
0xa2: {  	[sflag:s18] =	ssyncset.done $0x0  }
0xa3: {  	[sflag:s18] =	ssyncadd.s32 $0xFFFFF800  }
0xa4: {  	_ =	swait.ge [sflag:s18], $0x800  }
0xa5: {  	[sflag:s18] =	ssyncset.done $0x0  }
0xa6: {  	[sflag:s18] =	ssyncadd.s32 $0xFFFFF800  }
0xa7: {  	_ =	swait.ge [sflag:s18], $0x800  }
0xa8: {  	[sflag:s18] =	ssyncset.done $0x0  }
0xa9: {  	[sflag:s18] =	ssyncadd.s32 $0xFFFFF800  }
0xaa: {  	_ =	swait.ge [sflag:s18], $0x800  }
0xab: {  	[sflag:s18] =	ssyncset.done $0x0  }
0xac: {  	[sflag:s18] =	ssyncadd.s32 $0xFFFFF800  }
0xad: {  	_ =	swait.ge [sflag:s18], $0x800  }
0xae: {  	[sflag:s18] =	ssyncset.done $0x0  }
0xaf: {  	[sflag:s18] =	ssyncadd.s32 $0xFFFFF800  }
0xb0: {  	_ =	swait.ge [sflag:s18], $0x800  }
0xb1: {  	[sflag:s18] =	ssyncset.done $0x0  }
0xb2: {  	[sflag:s18] =	ssyncadd.s32 $0xFFFFF800  }
0xb3: {  	_ =	swait.ge [sflag:s18], $0x800  }
0xb4: {  	[sflag:s18] =	ssyncset.done $0x0  }
0xb5: {  	[sflag:s18] =	ssyncadd.s32 $0xFFFFF800  }
0xb6: {  	_ =	swait.ge [sflag:s18], $0x800  }
0xb7: {  	[sflag:s18] =	ssyncset.done $0x0  }
0xb8: {  	[sflag:s18] =	ssyncadd.s32 $0xFFFFF800  }
0xb9: {  	_ =	swait.ge [sflag:s18], $0x800  }
0xba: {  	[sflag:s18] =	ssyncset.done $0x0  }
0xbb: {  	[sflag:s18] =	ssyncadd.s32 $0xFFFFF800  }
0xbc: {  	_ =	swait.ge [sflag:s18], $0x800  }
0xbd: {  	[sflag:s18] =	ssyncset.done $0x0  }
0xbe: {  	s25 =	simm.s32 $0x7800;
	s30 =	simm.s32 $0xA80;
	[sflag:s18] =	ssyncadd.s32 $0xFFFFF800  }
0xbf: {  	[spmem:s1] =	stream.indirect.scatter.add.f32 [tilespmem:s25], [sflag:$0x6], $0x10, s30, s12, $0xb8;
	[tilespmem:$0x1B800] =	vst v63  }
0xc0: {  	s25 =	simm.s32 $0x8000;
	s30 =	simm.s32 $0xB80  }
0xc1: {  	[spmem:s1] =	stream.indirect.scatter.add.f32 [tilespmem:s25], [sflag:$0x6], $0x10, s30, s12, $0xb8;
	[tilespmem:$0x1B800] =	vst v63  }
0xc2: {  	s25 =	simm.s32 $0x8800;
	s30 =	simm.s32 $0xC80  }
0xc3: {  	[spmem:s1] =	stream.indirect.scatter.add.f32 [tilespmem:s25], [sflag:$0x6], $0x10, s30, s12, $0xb8;
	[tilespmem:$0x1B800] =	vst v63  }
0xc4: {  	s25 =	simm.s32 $0x9000;
	s30 =	simm.s32 $0xD80  }
0xc5: {  	[spmem:s1] =	stream.indirect.scatter.add.f32 [tilespmem:s25], [sflag:$0x6], $0x10, s30, s12, $0xb8;
	[tilespmem:$0x1B800] =	vst v63  }
0xc6: {  	s25 =	simm.s32 $0x9800;
	s30 =	simm.s32 $0xE80  }
0xc7: {  	[spmem:s1] =	stream.indirect.scatter.add.f32 [tilespmem:s25], [sflag:$0x6], $0x10, s30, s12, $0xb8;
	[tilespmem:$0x1B800] =	vst v63  }
0xc8: {  	s25 =	simm.s32 $0xA000;
	s30 =	simm.s32 $0xF80  }
0xc9: {  	[spmem:s1] =	stream.indirect.scatter.add.f32 [tilespmem:s25], [sflag:$0x6], $0x10, s30, s12, $0xb8;
	[tilespmem:$0x1B800] =	vst v63  }
0xca: {  	s25 =	simm.s32 $0xA800;
	s30 =	simm.s32 $0x1080  }
0xcb: {  	[spmem:s1] =	stream.indirect.scatter.add.f32 [tilespmem:s25], [sflag:$0x6], $0x10, s30, s12, $0xb8;
	[tilespmem:$0x1B800] =	vst v63  }
0xcc: {  	s25 =	simm.s32 $0xB000;
	s30 =	simm.s32 $0x1180  }
0xcd: {  	[spmem:s1] =	stream.indirect.scatter.add.f32 [tilespmem:s25], [sflag:$0x6], $0x10, s30, s12, $0xb8;
	[tilespmem:$0x1B800] =	vst v63  }
0xce: {  	s25 =	simm.s32 $0x1280  }
0xcf: {  	[spmem:s1] =	stream.indirect.scatter.add.f32 [tilespmem:s5], [sflag:$0x6], $0x10, s25, s12, $0xb8;
	[tilespmem:$0x1B800] =	vst v63  }
0xd0: {  	s30 =	simm.s32 $0x1380  }
0xd1: {  	[spmem:s1] =	stream.indirect.scatter.add.f32 [tilespmem:s6], [sflag:$0x6], $0x10, s30, s12, $0xb8;
	[tilespmem:$0x1B800] =	vst v63  }
0xd2: {  	_ =	swait.ge [sflag:s22], $0x800  }
0xd3: {  	[sflag:s22] =	ssyncset.done $0x0  }
0xd4: {  	[sflag:s22] =	ssyncadd.s32 $0xFFFFF800  }
0xd5: {  	_ =	swait.ge [sflag:s22], $0x800  }
0xd6: {  	[sflag:s22] =	ssyncset.done $0x0  }
0xd7: {  	[sflag:s22] =	ssyncadd.s32 $0xFFFFF800  }
0xd8: {  	_ =	swait.ge [sflag:s22], $0x800  }
0xd9: {  	[sflag:s22] =	ssyncset.done $0x0  }
0xda: {  	[sflag:s22] =	ssyncadd.s32 $0xFFFFF800  }
0xdb: {  	_ =	swait.ge [sflag:s22], $0x800  }
0xdc: {  	[sflag:s22] =	ssyncset.done $0x0  }
0xdd: {  	[sflag:s22] =	ssyncadd.s32 $0xFFFFF800  }
0xde: {  	_ =	swait.ge [sflag:s22], $0x800  }
0xdf: {  	[sflag:s22] =	ssyncset.done $0x0  }
0xe0: {  	[sflag:s22] =	ssyncadd.s32 $0xFFFFF800  }
0xe1: {  	_ =	swait.ge [sflag:s22], $0x800  }
0xe2: {  	[sflag:s22] =	ssyncset.done $0x0  }
0xe3: {  	[sflag:s22] =	ssyncadd.s32 $0xFFFFF800  }
0xe4: {  	_ =	swait.ge [sflag:s22], $0x800  }
0xe5: {  	[sflag:s22] =	ssyncset.done $0x0  }
0xe6: {  	[sflag:s22] =	ssyncadd.s32 $0xFFFFF800  }
0xe7: {  	_ =	swait.ge [sflag:s22], $0x800  }
0xe8: {  	[sflag:s22] =	ssyncset.done $0x0  }
0xe9: {  	[sflag:s22] =	ssyncadd.s32 $0xFFFFF800  }
0xea: {  	_ =	swait.ge [sflag:s22], $0x800  }
0xeb: {  	[sflag:s22] =	ssyncset.done $0x0  }
0xec: {  	[sflag:s22] =	ssyncadd.s32 $0xFFFFF800  }
0xed: {  	_ =	swait.ge [sflag:s22], $0x800  }
0xee: {  	[sflag:s22] =	ssyncset.done $0x0  }
0xef: {  	s25 =	simm.s32 $0x1480;
	[sflag:s22] =	ssyncadd.s32 $0xFFFFF800  }
0xf0: {  	[spmem:s1] =	stream.indirect.scatter.add.f32 [tilespmem:s7], [sflag:$0x6], $0x10, s25, s12, $0xb8;
	[tilespmem:$0x1B800] =	vst v63  }
0xf1: {  	s30 =	simm.s32 $0x1580  }
0xf2: {  	[spmem:s1] =	stream.indirect.scatter.add.f32 [tilespmem:s13], [sflag:$0x6], $0x10, s30, s12, $0xb8;
	[tilespmem:$0x1B800] =	vst v63  }
0xf3: {  	s25 =	simm.s32 $0x1680  }
0xf4: {  	[spmem:s1] =	stream.indirect.scatter.add.f32 [tilespmem:s9], [sflag:$0x6], $0x10, s25, s12, $0xb8;
	[tilespmem:$0x1B800] =	vst v63  }
0xf5: {  	s30 =	simm.s32 $0x1780  }
0xf6: {  	[spmem:s1] =	stream.indirect.scatter.add.f32 [tilespmem:s15], [sflag:$0x6], $0x10, s30, s12, $0xb8;
	[tilespmem:$0x1B800] =	vst v63  }
0xf7: {  	s25 =	simm.s32 $0x1880  }
0xf8: {  	[spmem:s1] =	stream.indirect.scatter.add.f32 [tilespmem:s17], [sflag:$0x6], $0x10, s25, s12, $0xb8;
	[tilespmem:$0x1B800] =	vst v63  }
0xf9: {  	s30 =	simm.s32 $0x1980  }
0xfa: {  	[spmem:s1] =	stream.indirect.scatter.add.f32 [tilespmem:s19], [sflag:$0x6], $0x10, s30, s12, $0xb8;
	[tilespmem:$0x1B800] =	vst v63  }
0xfb: {  	s25 =	simm.s32 $0x1A80  }
0xfc: {  	[spmem:s1] =	stream.indirect.scatter.add.f32 [tilespmem:s21], [sflag:$0x6], $0x10, s25, s12, $0xb8;
	[tilespmem:$0x1B800] =	vst v63  }
0xfd: {  	s30 =	simm.s32 $0x1B80  }
0xfe: {  	[spmem:s1] =	stream.indirect.scatter.add.f32 [tilespmem:s23], [sflag:$0x6], $0x10, s30, s12, $0xb8;
	[tilespmem:$0x1B800] =	vst v63  }
0xff: {  	s25 =	simm.s32 $0x1C80  }
0x100: {  	[spmem:s1] =	stream.indirect.scatter.add.f32 [tilespmem:s26], [sflag:$0x6], $0x10, s25, s12, $0xb8;
	[tilespmem:$0x1B800] =	vst v63  }
0x101: {  	s16 =	smov.u32 s10;
	s30 =	simm.s32 $0x1D80  }
0x102: {  	[spmem:s1] =	stream.indirect.scatter.add.f32 [tilespmem:s29], [sflag:$0x6], $0x10, s30, s12, $0xb8;
	[tilespmem:$0x1B800] =	vst v63  }
.LBB2_4:
0x103: {  	p2 =	sne.s32 s16, $0x1  }
.Ltmp2:
0x104: {  	_ = 	snop;
	(pc) =	sbr.rel @p2 .LBB2_4-.Ltmp2, $4  }
0x105: {  	_ = 	snop  }
0x106: {  	_ =	swait.ge [sflag:s28], $0x800  }
0x107: {  	[sflag:s28] =	ssyncset.done $0x0  }
0x108: {  	s16 =	sadd.s32 $0xFFFFFFFF, s16;
	[sflag:s28] =	ssyncadd.s32 $0xFFFFF800  }
.Ltmp3:
0x109: {  	(pc) =	sbr.rel @!p1 .LBB2_7-.Ltmp3, $3  }
0x10a: {  	_ =	sdelay $0x1  }
0x10b: {  	s25 =	simm.s32 $0x1E80;
	s30 =	simm.s32 $0x11800;
	s16 =	sadd.s32 $0xFFFFFFFF, s10  }
0x10c: {  	[spmem:s1] =	stream.indirect.scatter.add.f32 [tilespmem:s30], [sflag:$0x6], $0x10, s25, s12, $0xb8;
	[tilespmem:$0x1B800] =	vst v63  }
.LBB2_6:
0x10d: {  	p1 =	sne.s32 s16, $0x1  }
.Ltmp4:
0x10e: {  	_ = 	snop;
	(pc) =	sbr.rel @p1 .LBB2_6-.Ltmp4, $4  }
0x10f: {  	_ = 	snop  }
0x110: {  	s25 =	sadd.s32 $0x100, s25;
	s30 =	sadd.s32 $0x800, s30  }
0x111: {  	s16 =	sadd.s32 $0xFFFFFFFF, s16  }
0x112: {  	[spmem:s1] =	stream.indirect.scatter.add.f32 [tilespmem:s30], [sflag:$0x6], $0x10, s25, s12, $0xb8;
	[tilespmem:$0x1B800] =	vst v63  }
.LBB2_7:
0x113: {  	p1 =	sne.s32 s4, $0x1  }
.Ltmp5:
0x114: {  	_ = 	snop;
	(pc) =	sbr.rel @!p1 .LBB2_9-.Ltmp5, $3  }
0x115: {  	_ =	sdelay $0x1  }
0x116: {  	_ =	swait.ge [sflag:s0], $0x800  }
0x117: {  	s30 =	sadd.s32 $0xFFFFFFFF, s4;
	[sflag:s0] =	ssyncset.done $0x0  }
.LBB2_8:
0x118: {  	p1 =	sne.s32 s30, $0x1;
	s30 =	sadd.s32 $0xFFFFFFFF, s30;
	[sflag:s0] =	ssyncadd.s32 $0xFFFFF800  }
.Ltmp6:
0x119: {  	(pc) =	sbr.rel @p1 .LBB2_8-.Ltmp6, $3  }
0x11a: {  	_ =	sdelay $0x1  }
0x11b: {  	_ =	swait.ge [sflag:s0], $0x800  }
0x11c: {  	[sflag:s0] =	ssyncset.done $0x0  }
.LBB2_9:
0x11d: {  	[sflag:s0] =	ssyncadd.s32 $0xFFFFF800  }
0x11e: {  	[bflag:$0x0] =	sbarrier.arrive $0xFFFF  }
0x11f: {  	[tilespmem:s24], [sflag:$0x7] =	stream.linear.gather [spmem:s8], $0x2800, $0x38;
	[tilespmem:$0x1B800] =	vst v63  }
0x120: {  	_ =	swait.ge [sflag:s31], $0x2800  }
0x121: {  	[sflag:s31] =	ssyncset.done $0x0  }
0x122: {  	s16 =	rddreg [dreg:$0x8];
	[sflag:s31] =	ssyncadd.s32 $0xFFFFD800  }
0x123: {  	[hbm4b:s16+s2] =	stream.linear.scatter [tilespmem:s24], [sflag:$0x7], $0x2800, $0x38;
	[tilespmem:$0x1B800] =	vst v63  }
0x124: {  	_ =	swait.ge [sflag:s31], $0x2800  }
0x125: {  	s20 =	sadd.s32 $0x1, s20;
	s30 =	rddreg [dreg:$0x7]  }
0x126: {  	p1 =	sne.s32 s20, s30  }
.Ltmp7:
0x127: {  	_ = 	snop;
	(pc) =	sbr.rel @p1 .LBB2_1-.Ltmp7, $3  }
0x128: {  	_ =	sdelay $0x1  }
0x129: {  	[sflag:s31] =	ssyncset.done $0x0  }
0x12a: {  	[sflag:s31] =	ssyncadd.s32 $0xFFFFD800  }
0x12b: {  	_ =	sfence.sel $0x180000  }
0x12c: {  	[bflag:$0x0] =	sbarrier.arrive $0xFFFF  }
0x12d: {  	_ =	strace $0x9000004D  }
0x12e: {  	[bflag:$0x2] =	sbarrier.arrive $0xFFFF  }
0x12f: {  	s0 =	rddreg [dreg:$0x3]  }
0x130: {  	s0 =	sadd.s32 @!p0 $0x100000, s0  }
0x131: {  	[sflag:s0] =	ssyncadd.tile.s32 @!p0 $0x1;
	_ =	shalt  }
.Lfunc_end2:
_tile_overlayer_lowered:
.L_overlay_start_2:
0x132: {  	(tag) =	ssettag $0x2  }
0x133: {  	s0 =	rddreg [dreg:$0x0];
	s2 =	stileid.u32  }
0x134: {  	s1 =	rddreg [dreg:$0x1];
	p0 =	sne.s32 s2, $0x0  }
0x135: {  	s3 =	rddreg [dreg:$0x2];
	[bflag:$0x3] =	sbarrier.arrive $0xFFFF;
	s2 =	simm.s32 @!p0 $0x1C07  }
0x136: {  	[timem:s3], [sflag:s2] =	dma.local @!p0 [hbm:s0], s1  }
0x137: {  	s0 =	simm.s32 @!p0 $0x7  }
0x138: {  	_ =	swait.ge @!p0 [sflag:s0], s1  }
0x139: {  	s1 =	ssub.s32 @!p0 $0x0, s1;
	[sflag:s0] =	ssyncset.done @!p0 $0x0  }
0x13a: {  	[sflag:s0] =	ssyncadd.s32 @!p0 s1  }
0x13b: {  	[bflag:$0x3] =	sbarrier.arrive $0xFFFF  }
0x13c: {  	_ =	shalt  }

// kernel: kernel.9.cloned.1.call-start
scs
__scs_entry_jumppad:
0x0: {  	(pc) =	sbr.rel $0x88, $3  }
0x1: {  	(tag) =	ssettag $0x0;
	lr =	simm.s32 $0x1  }
0x2: {  	[smem:$0x3F99] =	sst lr;
	_ =	strace $0xD0000000  }
0x3: {  	_ = 	snop  }
0x4: {  	_ = 	snop  }
0x5: {  	_ = 	snop  }
0x6: {  	_ = 	snop  }
0x7: {  	_ = 	snop  }
__scs_overlays_trampoline_lowered:
0x8: {  	[smem:$0x3FA8] =	sst s0  }
0x9: {  	[smem:$0x3FA9] =	sst s1  }
0xa: {  	[smem:$0x3FAA] =	sst s2  }
0xb: {  	[smem:$0x3FAB] =	sst s3  }
0xc: {  	[smem:$0x3FAC] =	sst s4  }
0xd: {  	[smem:$0x3FAD] =	sst s5  }
0xe: {  	[smem:$0x3FAE] =	sst s6  }
0xf: {  	[smem:$0x3FAF] =	sst s7  }
0x10: {  	[smem:$0x3FB0] =	sst s8  }
0x11: {  	[smem:$0x3FB1] =	sst s9;
	s0 =	simm.s32 @!p0 $0x0  }
0x12: {  	s1 =	sld [smem:$0x3F97];
	s0 =	simm.s32 @p0 $0x1  }
0x13: {  	[smem:$0x3FB2] =	sst s0;
	s0 =	simm.s32 @!p1 $0x0  }
0x14: {  	s2 =	sld [smem:$0x3F96];
	s0 =	simm.s32 @p1 $0x1  }
0x15: {  	[smem:$0x3FB3] =	sst s0;
	s0 =	simm.s32 @!p2 $0x0  }
0x16: {  	s3 =	sld [smem:$0x3FDB];
	s0 =	simm.s32 @p2 $0x1  }
0x17: {  	s4 =	simm.s32 $0x1BF5;
	[smem:$0x3FB5] =	sst s0  }
0x18: {  	s0 =	sld [smem:$0x3F98];
	_ =	swait.ge [sflag:s4], $0x0  }
0x19: {  	s7 =	sld [smem:$0x3F99]  }
0x1a: {  	s8 =	sadd.s32 $0xFFFFE003, lr  }
0x1b: {  	s9 =	sadd.s32 $0xFFFFFEF7, lr;
	s5 =	simm.s32 $0xFFFFFFFF;
	p2 =	slt.u32 s8, $0xFFFFF086  }
0x1c: {  	p1 =	slt.u32 s9, $0xF7A;
	s5 =	simm.s32 @!p2 $0x0  }
0x1d: {  	s5 =	simm.s32 @p1 $0x1;
	p0 =	seq.s32 s7, s2  }
0x1e: {  	s7 =	smul.u32 @!p0 $0xF7A, s2;
	p2 =	seq.s32 @!p0 s5, $0x0  }
0x1f: {  	s9 =	smul.u32 $0xF7A, s1;
	s8 =	simm.s32 @!p0 $0x1BF5;
	p2 =	por !p2, p0  }
0x20: {  	[sflag:s8] =	ssyncset.s32 @!p0 $0xFFFFF086;
	s6 =	sadd.s32 @!p0 s3, s7;
	s7 =	simm.s32 @!p0 $0x108  }
0x21: {  	s3 =	sadd.s32 s3, s9;
	s6 =	sadd.s32 @!p0 $0x88, s6;
	s7 =	simm.s32 @p2 $0x1082  }
0x22: {  	[simem:s7], [sflag:s8] =	dma.local @!p0 [hbm:s6], $0xF7A  }
0x23: {  	s9 =	sor.u32 $0xD0000000, s2;
	s6 =	simm.s32 $0x108;
	_ =	swait.ge @!p0 [sflag:s8], $0x0  }
0x24: {  	s3 =	sadd.s32 $0x88, s3;
	s6 =	simm.s32 @!p1 $0x1082;
	[sflag:s4] =	ssyncset.s32 $0xFFFFF086  }
0x25: {  	[simem:s6], [sflag:s4] =	dma.local [hbm:s3], $0xF7A  }
0x26: {  	[smem:$0x3F99] =	sst s1;
	(tag) =	ssettag s2;
	_ =	strace s9  }
0x27: {  	s1 =	sld [smem:$0x3FA9]  }
0x28: {  	s2 =	sld [smem:$0x3FAA]  }
0x29: {  	s4 =	sld [smem:$0x3FAC]  }
0x2a: {  	p0 =	seq.s32 s5, $0x0;
	s5 =	sld [smem:$0x3FAD]  }
0x2b: {  	s6 =	sld [smem:$0x3FAE]  }
0x2c: {  	s7 =	sld [smem:$0x3FAF]  }
0x2d: {  	s3 =	simm.s32 $0x108;
	s8 =	sld [smem:$0x3FB0]  }
0x2e: {  	s3 =	simm.s32 @!p0 $0x1082;
	s9 =	sld [smem:$0x3FB1]  }
0x2f: {  	lr =	sadd.s32 s0, s3;
	s0 =	sld [smem:$0x3FA8]  }
0x30: {  	s3 =	sld [smem:$0x3FAB]  }
0x31: {  	[smem:$0x3FB4] =	sst s10  }
0x32: {  	s10 =	sld [smem:$0x3FB2];
	_ =	sdelay $0x3  }
0x33: {  	p0 =	seq.s32 s10, $0x1;
	s10 =	sld [smem:$0x3FB4];
	_ =	sdelay $0x3  }
0x34: {  	[smem:$0x3FB4] =	sst s10  }
0x35: {  	s10 =	sld [smem:$0x3FB3];
	_ =	sdelay $0x3  }
0x36: {  	p1 =	seq.s32 s10, $0x1;
	s10 =	sld [smem:$0x3FB4];
	_ =	sdelay $0x3  }
0x37: {  	[smem:$0x3FB4] =	sst s10  }
0x38: {  	s10 =	sld [smem:$0x3FB5]  }
0x39: {  	_ = 	snop;
	(pc) =	sbr.ind lr, $3  }
0x3a: {  	_ = 	snop  }
0x3b: {  	_ = 	snop  }
0x3c: {  	p2 =	seq.s32 s10, $0x1;
	s10 =	sld [smem:$0x3FB4]  }
0x3d: {  	_ =	shalt  }
0x3e: {  	_ =	shalt  }
0x3f: {  	_ =	shalt  }
0x40: {  	_ =	shalt  }
0x41: {  	_ =	shalt  }
0x42: {  	_ =	shalt  }
0x43: {  	_ =	shalt  }
0x44: {  	_ =	shalt  }
0x45: {  	_ =	shalt  }
0x46: {  	_ =	shalt  }
0x47: {  	_ =	shalt  }
0x48: {  	_ =	shalt  }
0x49: {  	_ =	shalt  }
0x4a: {  	_ =	shalt  }
0x4b: {  	_ =	shalt  }
0x4c: {  	_ =	shalt  }
0x4d: {  	_ =	shalt  }
0x4e: {  	_ =	shalt  }
0x4f: {  	_ =	shalt  }
0x50: {  	_ =	shalt  }
0x51: {  	_ =	shalt  }
0x52: {  	_ =	shalt  }
0x53: {  	_ =	shalt  }
0x54: {  	_ =	shalt  }
0x55: {  	_ =	shalt  }
0x56: {  	_ =	shalt  }
0x57: {  	_ =	shalt  }
0x58: {  	_ =	shalt  }
0x59: {  	_ =	shalt  }
0x5a: {  	_ =	shalt  }
0x5b: {  	_ =	shalt  }
0x5c: {  	_ =	shalt  }
0x5d: {  	_ =	shalt  }
0x5e: {  	_ =	shalt  }
0x5f: {  	_ =	shalt  }
0x60: {  	_ =	shalt  }
0x61: {  	_ =	shalt  }
0x62: {  	_ =	shalt  }
0x63: {  	_ =	shalt  }
0x64: {  	_ =	shalt  }
0x65: {  	_ =	shalt  }
0x66: {  	_ =	shalt  }
0x67: {  	_ =	shalt  }
0x68: {  	_ =	shalt  }
0x69: {  	_ =	shalt  }
0x6a: {  	_ =	shalt  }
0x6b: {  	_ =	shalt  }
0x6c: {  	_ =	shalt  }
0x6d: {  	_ =	shalt  }
0x6e: {  	_ =	shalt  }
0x6f: {  	_ =	shalt  }
0x70: {  	_ =	shalt  }
0x71: {  	_ =	shalt  }
0x72: {  	_ =	shalt  }
0x73: {  	_ =	shalt  }
0x74: {  	_ =	shalt  }
0x75: {  	_ =	shalt  }
0x76: {  	_ =	shalt  }
0x77: {  	_ =	shalt  }
0x78: {  	_ =	shalt  }
0x79: {  	_ =	shalt  }
0x7a: {  	_ =	shalt  }
0x7b: {  	_ =	shalt  }
0x7c: {  	_ =	shalt  }
0x7d: {  	_ =	shalt  }
0x7e: {  	_ =	shalt  }
0x7f: {  	_ =	shalt  }
0x80: {  	_ =	shalt  }
0x81: {  	_ =	shalt  }
0x82: {  	_ =	shalt  }
0x83: {  	_ =	shalt  }
0x84: {  	_ =	shalt  }
0x85: {  	_ =	shalt  }
0x86: {  	_ =	shalt  }
0x87: {  	_ =	shalt  }
.Lfunc_end0:
.L_simem_size_0:
called_computation_lowered:
.L_overlay_start_0:
0x88: {  	s2 =	sld [smem:$0x3FD9]  }
0x89: {  	s3 =	sld [smem:$0x3FFE];
	_ =	sdelay $0x1  }
0x8a: {  	s1 =	srdreg.scid  }
0x8b: {  	s0 =	sand.u32 $0x1, s1  }
0x8c: {  	s17 =	sshll.u32 s0, $0xA;
	s2 =	sadd.s32 s3, s2  }
0x8d: {  	s2 =	sadd.s32 s2, s17  }
0x8e: {  	[smem:$0x3FC0] =	sst s2  }
0x8f: {  	_ = 	snop  }
0x90: {  	s2 =	sld [smem:$0x3FD0];
	(tm) =	ssettm $0x1  }
0x91: {  	s18 =	sld [smem:$0x3FFB];
	_ =	sdelay $0x3  }
0x92: {  	_ =	strace s18  }
0x93: {  	s3 =	sld [smem:$0x3FFC];
	_ =	sdelay $0x3  }
0x94: {  	_ =	strace s3  }
0x95: {  	s3 =	sld [smem:$0x3FFD];
	_ =	sdelay $0x3  }
0x96: {  	_ =	strace s3  }
0x97: {  	_ =	strace $0x8FFFFFFF  }
0x98: {  	s19 =	sld [smem:$0x3FDB];
	_ =	sdelay $0x1  }
0x99: {  	s4 =	simm.s32 $_scs_section_size  }
0x9a: {  	s5 =	simm.s32 $_size__tile_overlayer_lowered;
	s6 =	simm.s32 $_tile_overlayer_lowered  }
0x9b: {  	s22 =	simm.s32 $0x1BFF;
	s21 =	sshll.u32 s6, $0x1;
	s3 =	sadd.s32 s4, s19  }
0x9c: {  	s7 =	simm.s32 $0x0;
	s20 =	sshll.u32 s5, $0x1;
	s5 =	sadd.s32 s21, s3  }
0x9d: {  	[timem:s7], [sflag:s22] =	dma.local [hbm:s5], s20  }
0x9e: {  	_ =	swait.ge [sflag:s22], s20  }
0x9f: {  	s4 =	ssub.s32 $0x0, s20;
	[sflag:s22] =	ssyncset.done $0x0  }
0xa0: {  	[sflag:s22] =	ssyncadd.s32 s4;
	_ =	sdelay $0x1  }
0xa1: {  	s23 =	simm.s32 $0x1B8B  }
0xa2: {  	_ =	swait.ge [sflag:s23], $0x1  }
0xa3: {  	[sflag:s23] =	ssyncset.done $0x0  }
0xa4: {  	s25 =	simm.s32 $0x1B8E;
	s24 =	sld [smem:$0x3FFE];
	[sflag:s23] =	ssyncadd.s32 $0xFFFFFFFF  }
0xa5: {  	s26 =	simm.s32 $execute0_lowered;
	[smem:$0x3FD2] =	sst s25  }
0xa6: {  	s5 =	sshll.u32 s26, $0x1;
	_ =	strace $0x80000046;
	[dreg:$0x1] =	wrdreg $0xFFFFFFFF  }
0xa7: {  	s28 =	simm.s32 $_size_execute0_lowered;
	s3 =	sadd.s32 s3, s5;
	[dreg:$0x0] =	wrdreg $0x0  }
0xa8: {  	s5 =	sshll.u32 s28, $0x1;
	[dreg:$0x2] =	wrdreg s3  }
0xa9: {  	[dreg:$0x3] =	wrdreg s5  }
0xaa: {  	[dreg:$0x4] =	wrdreg $0xC0  }
0xab: {  	_ =	task [dreg:s7], $0x5FFFF  }
0xac: {  	[dreg:$0x1] =	wrdreg $0xFFFFFFFF  }
0xad: {  	[dreg:$0x0] =	wrdreg $0x60  }
0xae: {  	[dreg:$0x2] =	wrdreg s24  }
0xaf: {  	[dreg:$0x3] =	wrdreg s2  }
0xb0: {  	[dreg:$0x4] =	wrdreg $0x58000  }
0xb1: {  	[dreg:$0x5] =	wrdreg $0x9  }
0xb2: {  	_ =	task.clear_ibuf [dreg:s7], $0x6FFFF;
	_ =	strace $0x90000046  }
0xb3: {  	s29 =	simm.s32 $0x9;
	_ =	strace $0x80000048  }
0xb4: {  	_ =	swait.ge [sflag:s29], $0x1  }
0xb5: {  	[sflag:s29] =	ssyncadd.s32 $0xFFFFFFFF  }
0xb6: {  	_ =	strace $0x90000048  }
0xb7: {  	_ =	sfence  }
0xb8: {  	s30 =	sld [smem:$0x0];
	_ =	sdelay $0x2  }
0xb9: {  	s31 =	sshll.u32 s1, $0xD;
	s1 =	sshrl.u32 s1, $0x2  }
0xba: {  	s3 =	sand.u32 $0x4000, s31;
	s1 =	sadd.s32 s1, s30  }
0xbb: {  	s0 =	sor.u32 s3, s0;
	s1 =	sshll.u32 s1, $0x11  }
0xbc: {  	s0 =	sor.u32 s1, s0  }
0xbd: {  	s0 =	sadd.s32 $0x8F2B, s0  }
0xbe: {  	[sflag:s0] =	ssyncadd.remote.s32 $0x1  }
0xbf: {  	_ =	sfence.sel $0xFFFF  }
0xc0: {  	[dreg:$0x0] =	wrdreg $0xFFFFFFFF;
	(pc) =	sbr.abs _section_cstart, $3  }
0xc1: {  	[dreg:$0x1] =	wrdreg $0xFFFFFFFF  }
0xc2: {  	_ =	task.clear_ibuf [dreg:s7], $0x2FFFF;
	_ =	strace $0x9FFFFFFF  }
0xc3: {  	(tm) =	ssettm $0x7FFFFFFF  }
tec
execute0_lowered:
.L_overlay_start_1:
0x0: {  	(tag) =	ssettag $0x1  }
0x1: {  	s3 =	rddreg [dreg:$0x0]  }
0x2: {  	s9 =	rddreg [dreg:$0x1]  }
0x3: {  	s1 =	rddreg [dreg:$0x2]  }
0x4: {  	s0 =	rddreg [dreg:$0x3];
	s2 =	simm.s32 $0x0;
	s10 =	stileid.u32  }
0x5: {  	s4 =	srdreg.scid;
	[smem:$0x7FF] =	sst s2  }
0x6: {  	s8 =	smul.u32 $0x2800, s10;
	s5 =	sand.u32 $0x1, s4;
	s6 =	sadd.s32 $0x2800, s3  }
0x7: {  	s12 =	sshll.u32 s10, $0x1;
	p0 =	seq.s32 s10, $0x0;
	_ =	strace $0x80000047  }
0x8: {  	s4 =	ssub.s32 $0x2, s5;
	s31 =	sor.u32 s5, s12;
	s13 =	sshll.u32 s5, $0x5  }
0x9: {  	s14 =	smul.u32 $0x5000, s5;
	s15 =	sshrl.u32 s8, $0x3;
	s11 =	sshrl.u32 s4, $0x1  }
0xa: {  	s12 =	smul.u32 $0x4E0, s31;
	s13 =	sadd.s32 s13, s6;
	s8 =	sadd.s32 s8, s1  }
0xb: {  	s7 =	sadd.s32 s15, s3;
	s3 =	sadd.s32 $0xC600, s3;
	s11 =	ssub.s32 s4, s11  }
0xc: {  	s4 =	simm.s32 $0x28;
	s16 =	sadd.s32 s9, s14;
	s14 =	simm.s32 $0x80  }
0xd: {  	s4 =	simm.s32 @!p0 $0x27;
	s5 =	sadd.s32 s6, s12;
	s6 =	sadd.s32 $0x9C00, s13  }
0xe: {  	s7 =	sadd.s32 $0xC800, s7;
	s9 =	smax.u32 s11, $0x1;
	p0 =	sne.s32 s10, $0x0  }
0xf: {  	s10 =	simm.s32 $0x2800;
	s11 =	simm.s32 $0x3000;
	s12 =	simm.s32 $0x2  }
0x10: {  	s13 =	simm.s32 $0x1;
	s15 =	sadd.s32 s15, s16;
	s16 =	simm.s32 $0x0  }
.LBB2_1:
0x11: {  	[tilespmem:s2], [sflag:$0x1] =	stream.linear.gather [hbm4b:s5+s2], $0x2700, $0x38;
	[tilespmem:$0x8000] =	vst v63  }
0x12: {  	_ = 	snop  }
0x13: {  	[tilespmem:s10], [sflag:$0x1] =	stream.linear.gather [hbm4b:s3+s2], $0x800, $0x38;
	[tilespmem:$0x8000] =	vst v63  }
0x14: {  	s17 =	simm.s32 @!p0 $0x0;
	s18 =	simm.s32 @!p0 $0x2700  }
0x15: {  	[tilespmem:s18], [sflag:$0x2] =	stream.linear.gather @!p0 [hbm4b:s6+s17], $0x100, $0x38;
	[tilespmem:$0x8000] =	vst v63  }
0x16: {  	s17 =	simm.s32 @!p0 $0x2  }
0x17: {  	_ =	swait.ge @!p0 [sflag:s17], $0x100  }
0x18: {  	[sflag:s17] =	ssyncset.done @!p0 $0x0  }
0x19: {  	[sflag:s17] =	ssyncadd.s32 @!p0 $0xFFFFFF00  }
0x1a: {  	[tilespmem:s11], [sflag:$0x2] =	stream.linear.gather [hbm4b:s7+s2], $0x2800, $0x38;
	[tilespmem:$0x8000] =	vst v63  }
0x1b: {  	_ =	swait.ge [sflag:s12], $0x2800  }
0x1c: {  	[sflag:s12] =	ssyncset.done $0x0  }
0x1d: {  	[sflag:s12] =	ssyncadd.s32 $0xFFFFD800  }
0x1e: {  	[spmem:s8] =	stream.linear.scatter [tilespmem:s11], [sflag:$0x2], $0x2800, $0x38;
	[tilespmem:$0x8000] =	vst v63  }
0x1f: {  	_ =	swait.ge [sflag:s12], $0x2800  }
0x20: {  	[sflag:s12] =	ssyncset.done $0x0  }
0x21: {  	[sflag:s12] =	ssyncadd.s32 $0xFFFFD800  }
0x22: {  	_ =	swait.ge [sflag:s13], $0x2700  }
0x23: {  	[sflag:s13] =	ssyncset.done $0x0  }
0x24: {  	[sflag:s13] =	ssyncadd.s32 $0xFFFFD900  }
0x25: {  	_ =	swait.ge [sflag:s13], $0x800  }
0x26: {  	p1 =	sne.s32 s4, $0x1;
	[sflag:s13] =	ssyncset.done $0x0  }
.Ltmp0:
0x27: {  	[sflag:s13] =	ssyncadd.s32 $0xFFFFF800;
	(pc) =	sbr.rel @!p1 .LBB2_3-.Ltmp0, $4  }
0x28: {  	[bflag:$0x0] =	sbarrier.arrive $0xFFFF  }
0x29: {  	[spmem:s1] =	stream.indirect.scatter.add.f32 [tilespmem:s10], [sflag:$0x2], $0x10, s14, s14, $0xb8;
	[tilespmem:$0x8000] =	vst v63  }
0x2a: {  	_ =	swait.ge [sflag:s12], $0x800  }
0x2b: {  	s18 =	simm.s32 $0x80;
	s17 =	sadd.s32 $0xFFFFFFFF, s4;
	[sflag:s12] =	ssyncset.done $0x0  }
.LBB2_2:
0x2c: {  	p1 =	sne.s32 s17, $0x1;
	[sflag:s12] =	ssyncadd.s32 $0xFFFFF800;
	s18 =	sadd.s32 $0x100, s18  }
.Ltmp1:
0x2d: {  	s17 =	sadd.s32 $0xFFFFFFFF, s17;
	(pc) =	sbr.rel @p1 .LBB2_2-.Ltmp1, $4  }
0x2e: {  	_ = 	snop  }
0x2f: {  	[spmem:s1] =	stream.indirect.scatter.add.f32 [tilespmem:s10], [sflag:$0x2], $0x10, s18, s14, $0xb8;
	[tilespmem:$0x8000] =	vst v63  }
0x30: {  	_ =	swait.ge [sflag:s12], $0x800  }
0x31: {  	[sflag:s12] =	ssyncset.done $0x0  }
.LBB2_3:
0x32: {  	[sflag:s12] =	ssyncadd.s32 $0xFFFFF800  }
0x33: {  	[bflag:$0x0] =	sbarrier.arrive $0xFFFF  }
0x34: {  	[tilespmem:s11], [sflag:$0x2] =	stream.linear.gather [spmem:s8], $0x2800, $0x38;
	[tilespmem:$0x8000] =	vst v63  }
0x35: {  	s16 =	sadd.s32 $0x1, s16;
	_ =	swait.ge [sflag:s12], $0x2800  }
0x36: {  	p1 =	sne.s32 s16, s9;
	[sflag:s12] =	ssyncset.done $0x0  }
.Ltmp2:
0x37: {  	[sflag:s12] =	ssyncadd.s32 $0xFFFFD800;
	(pc) =	sbr.rel @p1 .LBB2_1-.Ltmp2, $4  }
0x38: {  	[hbm4b:s15+s2] =	stream.linear.scatter [tilespmem:s11], [sflag:$0x2], $0x2800, $0x38;
	[tilespmem:$0x8000] =	vst v63  }
0x39: {  	_ =	swait.ge [sflag:s12], $0x2800  }
0x3a: {  	[sflag:s12] =	ssyncset.done $0x0  }
0x3b: {  	[sflag:s12] =	ssyncadd.s32 $0xFFFFD800  }
0x3c: {  	_ =	sfence.sel $0x180000  }
0x3d: {  	[bflag:$0x0] =	sbarrier.arrive $0xFFFF  }
0x3e: {  	_ =	strace $0x90000047  }
0x3f: {  	s0 =	sadd.s32 @!p0 $0x100000, s0;
	[bflag:$0x2] =	sbarrier.arrive $0xFFFF  }
0x40: {  	[sflag:s0] =	ssyncadd.tile.s32 @!p0 $0x1;
	_ =	shalt  }
.Lfunc_end2:
_tile_overlayer_lowered:
.L_overlay_start_2:
0x41: {  	(tag) =	ssettag $0x2  }
0x42: {  	s0 =	rddreg [dreg:$0x0];
	s2 =	stileid.u32  }
0x43: {  	s1 =	rddreg [dreg:$0x1];
	p0 =	sne.s32 s2, $0x0  }
0x44: {  	s3 =	rddreg [dreg:$0x2];
	[bflag:$0x3] =	sbarrier.arrive $0xFFFF;
	s2 =	simm.s32 @!p0 $0x1C02  }
0x45: {  	[timem:s3], [sflag:s2] =	dma.local @!p0 [hbm:s0], s1  }
0x46: {  	s0 =	simm.s32 @!p0 $0x2  }
0x47: {  	_ =	swait.ge @!p0 [sflag:s0], s1  }
0x48: {  	s1 =	ssub.s32 @!p0 $0x0, s1;
	[sflag:s0] =	ssyncset.done @!p0 $0x0  }
0x49: {  	[sflag:s0] =	ssyncadd.s32 @!p0 s1  }
0x4a: {  	[bflag:$0x3] =	sbarrier.arrive $0xFFFF  }
0x4b: {  	_ =	shalt  }

</sc_bundles>
